<compile_context>
chip_gen: v7x
topology: tpu7x:2x2x1
jax: 0.10.2.dev20260603
libtpu: 0.0.44.dev20260713+nightly
codegen_flags: <defaults>
</compile_context>

<pallas_src>
import functools

import jax
import jax.numpy as jnp
from jax import lax
from jax.experimental import pallas as pl
from jax.experimental.pallas import tpu as pltpu
from jax.experimental.pallas import tpu_sc as plsc

N_NODES = 10000
D_FEAT = 128
N_EDGES = 320000

NC = 2
NS = 16
NW = NC * NS

CH = 128
NCH0 = 112
NCH1 = 46
E_PAD = NS * (NCH0 + NCH1) * CH

ROWS_PER_TILE = N_NODES // NS
ZROWS = 626
ACC_ROWS = NS * ZROWS
DZROWS = 640
DEG_ROWS = NS * DZROWS

_WB = [(0, 128), (128, 128), (256, 128), (384, 128), (512, 113)]
_DWB = [(0, 128), (128, 128), (256, 128), (384, 128), (512, 128)]


def _sc_accumulate(x, pakp, zacc, zdeg, ones):
    mesh = plsc.VectorSubcoreMesh(core_axis_name="c", subcore_axis_name="s")

    @functools.partial(
        pl.kernel,
        out_type=[
            jax.ShapeDtypeStruct((NC, NS, ROWS_PER_TILE, D_FEAT), jnp.float32),
            jax.ShapeDtypeStruct((NC, 1, DEG_ROWS), jnp.float32),
        ],
        mesh=mesh,
        scratch_types=[
            pltpu.VMEM((NCH0, CH), jnp.int32),
            pltpu.VMEM((2, CH), jnp.int32),
            pltpu.VMEM((2, CH), jnp.int32),
            pltpu.VMEM((CH, D_FEAT), jnp.float32),
            pltpu.VMEM((CH, D_FEAT), jnp.float32),
            pltpu.VMEM((CH,), jnp.float32),
            pltpu.VMEM_SHARED((ACC_ROWS, D_FEAT), jnp.float32),
            pltpu.VMEM_SHARED((DEG_ROWS,), jnp.float32),
            pltpu.SemaphoreType.DMA,
            pltpu.SemaphoreType.DMA,
            pltpu.SemaphoreType.DMA,
            pltpu.SemaphoreType.DMA,
            pltpu.SemaphoreType.DMA,
        ],
    )
    def k(x_hbm, pak_hbm, zacc_hbm, zdeg_hbm, one_hbm,
          psum_hbm, pdeg_hbm,
          ipak_v, icolc, irowc, rows_a, rows_b, ones_v, acc_sh, deg_sh,
          g_sem_a, g_sem_b, s_sem_a, s_sem_b, d_sem):
        cid = lax.axis_index("c")
        sid = lax.axis_index("s")
        wid = cid * NS + sid

        rows = (rows_a, rows_b)
        g_sem = (g_sem_a, g_sem_b)
        s_sem = (s_sem_a, s_sem_b)

        pltpu.sync_copy(zacc_hbm, acc_sh.at[pl.ds(sid * ZROWS, ZROWS)])
        pltpu.sync_copy(zdeg_hbm, deg_sh.at[pl.ds(sid * DZROWS, DZROWS)])

        pltpu.sync_copy(one_hbm, ones_v)
        pltpu.sync_copy(pak_hbm.at[wid], ipak_v)

        plsc.subcore_barrier()

        def unpack(j, s):
            for jj in range(CH // 16):
                v = ipak_v[j, pl.ds(jj * 16, 16)]
                irowc[s, pl.ds(jj * 16, 16)] = lax.shift_right_logical(v, 14)
                icolc[s, pl.ds(jj * 16, 16)] = lax.bitwise_and(v, 16383)

        def start_gather(s):
            pltpu.async_copy(x_hbm.at[icolc.at[s]], rows[s], g_sem[s])

        def wait_gather(s):
            pltpu.make_async_copy(x_hbm.at[icolc.at[s]], rows[s],
                                  g_sem[s]).wait()

        unpack(0, 0)
        start_gather(0)
        unpack(1, 1)
        start_gather(1)

        nchunk = jnp.where(cid == 0, NCH0, NCH1)

        def half(j, s):
            wait_gather(s)
            pltpu.async_copy(rows[s], acc_sh.at[irowc.at[s]], s_sem[s],
                             add=True)
            pltpu.async_copy(ones_v, deg_sh.at[irowc.at[s]], d_sem, add=True)
            pltpu.make_async_copy(rows[s], acc_sh.at[irowc.at[s]],
                                  s_sem[s]).wait()
            pltpu.make_async_copy(ones_v, deg_sh.at[irowc.at[s]],
                                  d_sem).wait()
            jn = j + 2

            @pl.when(jn < nchunk)
            def _():
                unpack(jn, s)
                start_gather(s)

        def body(kk, c):
            half(2 * kk, 0)
            half(2 * kk + 1, 1)
            return c

        lax.fori_loop(0, nchunk // 2, body, 0)

        plsc.subcore_barrier()

        nbase = sid * ROWS_PER_TILE
        for off, sz in _WB:
            pltpu.sync_copy(acc_sh.at[pl.ds(nbase + off, sz)],
                            rows_a.at[pl.ds(0, sz)])
            pltpu.sync_copy(rows_a.at[pl.ds(0, sz)],
                            psum_hbm.at[cid, sid, pl.ds(off, sz)])
        dbase = sid * DZROWS
        for off, sz in _DWB:
            pltpu.sync_copy(deg_sh.at[pl.ds(dbase + off, sz)],
                            ones_v.at[pl.ds(0, sz)])
            pltpu.sync_copy(ones_v.at[pl.ds(0, sz)],
                            pdeg_hbm.at[cid, 0, pl.ds(dbase + off, sz)])

    return k(x, pakp, zacc, zdeg, ones)


def _combine_body(s_ref, d_ref, o_ref):
    s = s_ref[0] + s_ref[1]
    d = d_ref[0] + d_ref[1]
    o_ref[...] = jnp.where(d > 0.0, s / jnp.maximum(d, 1.0), 0.0)


def _combine(psum, pdeg):
    r = 2000
    g = N_NODES // r
    return pl.pallas_call(
        _combine_body,
        grid=(g,),
        in_specs=[
            pl.BlockSpec((2, r, D_FEAT), lambda i: (0, i, 0)),
            pl.BlockSpec((2, r, 1), lambda i: (0, i, 0)),
        ],
        out_specs=pl.BlockSpec((r, D_FEAT), lambda i: (i, 0)),
        out_shape=jax.ShapeDtypeStruct((N_NODES, D_FEAT), jnp.float32),
    )(psum, pdeg)


def kernel(x, edge_index):
    row = edge_index[0].astype(jnp.int32)
    col = edge_index[1].astype(jnp.int32)
    npad = E_PAD - N_EDGES
    pak = jnp.left_shift(row, 14) | col
    pakf = jnp.concatenate(
        [pak, jnp.full((npad,), N_NODES << 14, jnp.int32)])
    n0 = NS * NCH0 * CH
    pak0 = pakf[:n0].reshape(NS, NCH0, CH)
    pak1 = pakf[n0:].reshape(NS, NCH1, CH)
    pak1 = jnp.pad(pak1, ((0, 0), (0, NCH0 - NCH1), (0, 0)),
                   constant_values=N_NODES << 14)
    pakp = jnp.concatenate([pak0, pak1], axis=0)
    zacc = jnp.zeros((ZROWS, D_FEAT), jnp.float32)
    zdeg = jnp.zeros((DZROWS,), jnp.float32)
    ones = jnp.ones((CH,), jnp.float32)
    psum, pdeg = _sc_accumulate(x, pakp, zacc, zdeg, ones)
    return _combine(psum.reshape(NC, N_NODES, D_FEAT),
                    pdeg.reshape(NC, DEG_ROWS)[:, :N_NODES, None])

# --- scband reference (transcript-rebuilt; emitter-appended) ---
"""Pipeline reference for scband-l-p-58308476011188 (READ-ONLY COPY).

The authoritative reference and input builder live on the scoring server;
editing this copy changes nothing except your own understanding.
"""

import jax, jax.numpy as jnp
import numpy as np

N_NODES = 10000
N_EDGES = 320000
D_FEAT = 128

def setup_inputs(seed: int = 0) -> dict:
    key = jax.random.key(seed)
    k1, k2 = jax.random.split(key)
    x = jax.random.normal(k1, (N_NODES, D_FEAT), dtype=jnp.float32)
    edge_index = jax.random.randint(k2, (2, N_EDGES), 0, N_NODES, dtype=jnp.int64)
    return {"x": x, "edge_index": edge_index}

def reference(x, edge_index):
    # Equivalent of SparseTensor(row=edge_index[0], col=edge_index[1]).matmul(x, reduce='mean')
    # out[i] = mean over edges (i, j) of x[j]; rows with no edges produce 0.
    row = edge_index[0]
    col = edge_index[1]
    msg = jnp.take(x, col, axis=0)  # gather source features [E, d]
    summed = jax.ops.segment_sum(msg, row, num_segments=N_NODES)
    deg = jax.ops.segment_sum(jnp.ones((msg.shape[0],), dtype=x.dtype), row, num_segments=N_NODES)
    deg_safe = jnp.maximum(deg, 1.0)
    out = summed / deg_safe[:, None]
    out = jnp.where((deg > 0)[:, None], out, 0.0)
    return out

if __name__ == "__main__":
    import jax
    _d = setup_inputs()
    print(jax.jit(kernel)(*tuple(_d.values())))

</pallas_src>

<mosaic_0001>
#map = affine_map<(d0, d1) -> (0, 0)>
#map1 = affine_map<(d0, d1) -> (0, 0, 0)>
#map2 = affine_map<(d0, d1) -> (0)>
#map3 = affine_map<(d0, d1) -> (0, 0, 0, 0)>
module attributes {stable_mosaic.version = 14 : i64} {
  func.func @k(%arg0: i32, %arg1: i32, %arg2: memref<10000x128xf32, #tpu.memory_space<hbm>>, %arg3: memref<32x112x128xi32, #tpu.memory_space<hbm>>, %arg4: memref<626x128xf32, #tpu.memory_space<hbm>>, %arg5: memref<640xf32, #tpu.memory_space<hbm>>, %arg6: memref<128xf32, #tpu.memory_space<hbm>>, %arg7: memref<2x16x625x128xf32, #tpu.memory_space<hbm>>, %arg8: memref<2x1x10240xf32, #tpu.memory_space<hbm>>, %arg9: memref<112x128xi32, #tpu.memory_space<vmem>>, %arg10: memref<2x128xi32, #tpu.memory_space<vmem>>, %arg11: memref<2x128xi32, #tpu.memory_space<vmem>>, %arg12: memref<128x128xf32, #tpu.memory_space<vmem>>, %arg13: memref<128x128xf32, #tpu.memory_space<vmem>>, %arg14: memref<128xf32, #tpu.memory_space<vmem>>, %arg15: memref<10016x128xf32, #tpu.memory_space<vmem_shared>>, %arg16: memref<10240xf32, #tpu.memory_space<vmem_shared>>, %arg17: memref<!tpu.dma_semaphore, #tpu.memory_space<semaphore_mem>>, %arg18: memref<!tpu.dma_semaphore, #tpu.memory_space<semaphore_mem>>, %arg19: memref<!tpu.dma_semaphore, #tpu.memory_space<semaphore_mem>>, %arg20: memref<!tpu.dma_semaphore, #tpu.memory_space<semaphore_mem>>, %arg21: memref<!tpu.dma_semaphore, #tpu.memory_space<semaphore_mem>>) attributes {dimension_semantics = [#tpu.dimension_semantics<core_parallel>, #tpu.dimension_semantics<subcore_parallel>], iteration_bounds = array<i64: 2, 16>, scalar_prefetch = 0 : i64, scratch_operands = 13 : i64, tpu.core_type = #tpu.core_type<sc_vector_subcore>, window_params = [{transform_indices = #map}, {transform_indices = #map1}, {transform_indices = #map}, {transform_indices = #map2}, {transform_indices = #map2}, {transform_indices = #map3}, {transform_indices = #map1}]} {
    %mul3A = arith.constant 16 : i32
    %mul3A_0 = arith.muli %arg0, %mul3A : i32
    %add3A = arith.addi %mul3A_0, %arg1 : i32
    %mul3A_1 = arith.constant 626 : i32
    %mul3A_2 = arith.muli %arg1, %mul3A_1 : i32
    "tpu.region"() ({
      %run_scoped3A_451 = tpu.sem_alloc : memref<!tpu.dma_semaphore, #tpu.memory_space<semaphore_mem>>
      %dma_start3A_452 = arith.constant 0 : i32
      %dma_start3A_453 = tpu.memref_slice %arg15[%mul3A_2, %dma_start3A_452] : memref<10016x128xf32, #tpu.memory_space<vmem_shared>> -> memref<626x128xf32, #tpu.memory_space<vmem_shared>>
      tpu.enqueue_dma source(%arg4 : memref<626x128xf32, #tpu.memory_space<hbm>>) target(%dma_start3A_453 : memref<626x128xf32, #tpu.memory_space<vmem_shared>>) target_semaphore(%run_scoped3A_451 : memref<!tpu.dma_semaphore, #tpu.memory_space<semaphore_mem>>)
      %dma_wait3A = arith.constant 0 : i32
      %dma_wait3A_454 = tpu.memref_slice %arg15[%mul3A_2, %dma_wait3A] : memref<10016x128xf32, #tpu.memory_space<vmem_shared>> -> memref<626x128xf32, #tpu.memory_space<vmem_shared>>
      tpu.wait_dma2 semaphore(%run_scoped3A_451 : memref<!tpu.dma_semaphore, #tpu.memory_space<semaphore_mem>>) src(%arg4 : memref<626x128xf32, #tpu.memory_space<hbm>>) dst(%dma_wait3A_454 : memref<626x128xf32, #tpu.memory_space<vmem_shared>>)
      tpu.yield
    }) : () -> ()
    %mul3A_3 = arith.constant 640 : i32
    %mul3A_4 = arith.muli %arg1, %mul3A_3 : i32
    "tpu.region"() ({
      %run_scoped3A_451 = tpu.sem_alloc : memref<!tpu.dma_semaphore, #tpu.memory_space<semaphore_mem>>
      %dma_start3A_452 = tpu.memref_slice %arg16[%mul3A_4] : memref<10240xf32, #tpu.memory_space<vmem_shared>> -> memref<640xf32, #tpu.memory_space<vmem_shared>>
      tpu.enqueue_dma source(%arg5 : memref<640xf32, #tpu.memory_space<hbm>>) target(%dma_start3A_452 : memref<640xf32, #tpu.memory_space<vmem_shared>>) target_semaphore(%run_scoped3A_451 : memref<!tpu.dma_semaphore, #tpu.memory_space<semaphore_mem>>)
      %dma_wait3A = tpu.memref_slice %arg16[%mul3A_4] : memref<10240xf32, #tpu.memory_space<vmem_shared>> -> memref<640xf32, #tpu.memory_space<vmem_shared>>
      tpu.wait_dma2 semaphore(%run_scoped3A_451 : memref<!tpu.dma_semaphore, #tpu.memory_space<semaphore_mem>>) src(%arg5 : memref<640xf32, #tpu.memory_space<hbm>>) dst(%dma_wait3A : memref<640xf32, #tpu.memory_space<vmem_shared>>)
      tpu.yield
    }) : () -> ()
    "tpu.region"() ({
      %run_scoped3A_451 = tpu.sem_alloc : memref<!tpu.dma_semaphore, #tpu.memory_space<semaphore_mem>>
      tpu.enqueue_dma source(%arg6 : memref<128xf32, #tpu.memory_space<hbm>>) target(%arg14 : memref<128xf32, #tpu.memory_space<vmem>>) target_semaphore(%run_scoped3A_451 : memref<!tpu.dma_semaphore, #tpu.memory_space<semaphore_mem>>)
      tpu.wait_dma2 semaphore(%run_scoped3A_451 : memref<!tpu.dma_semaphore, #tpu.memory_space<semaphore_mem>>) src(%arg6 : memref<128xf32, #tpu.memory_space<hbm>>) dst(%arg14 : memref<128xf32, #tpu.memory_space<vmem>>)
      tpu.yield
    }) : () -> ()
    "tpu.region"() ({
      %run_scoped3A_451 = tpu.sem_alloc : memref<!tpu.dma_semaphore, #tpu.memory_space<semaphore_mem>>
      %dma_start3A_452 = arith.constant 0 : i32
      %dma_start3A_453 = arith.constant 0 : i32
      %dma_start3A_454 = tpu.memref_slice %arg3[%add3A, %dma_start3A_452, %dma_start3A_453] : memref<32x112x128xi32, #tpu.memory_space<hbm>> -> memref<1x112x128xi32, #tpu.memory_space<hbm>>
      %dma_start3A_455 = tpu.memref_squeeze %dma_start3A_454 : memref<1x112x128xi32, #tpu.memory_space<hbm>> -> memref<112x128xi32, #tpu.memory_space<hbm>>
      %dma_start3A_456 = arith.constant 0 : i32
      %dma_start3A_457 = arith.constant 0 : i32
      %dma_start3A_458 = tpu.memref_slice %arg3[%add3A, %dma_start3A_456, %dma_start3A_457] : memref<32x112x128xi32, #tpu.memory_space<hbm>> -> memref<1x112x128xi32, #tpu.memory_space<hbm>>
      %dma_start3A_459 = tpu.memref_squeeze %dma_start3A_458 : memref<1x112x128xi32, #tpu.memory_space<hbm>> -> memref<112x128xi32, #tpu.memory_space<hbm>>
      tpu.enqueue_dma source(%dma_start3A_459 : memref<112x128xi32, #tpu.memory_space<hbm>>) target(%arg9 : memref<112x128xi32, #tpu.memory_space<vmem>>) target_semaphore(%run_scoped3A_451 : memref<!tpu.dma_semaphore, #tpu.memory_space<semaphore_mem>>)
      %dma_wait3A = arith.constant 0 : i32
      %dma_wait3A_460 = arith.constant 0 : i32
      %dma_wait3A_461 = tpu.memref_slice %arg3[%add3A, %dma_wait3A, %dma_wait3A_460] : memref<32x112x128xi32, #tpu.memory_space<hbm>> -> memref<1x112x128xi32, #tpu.memory_space<hbm>>
      %dma_wait3A_462 = tpu.memref_squeeze %dma_wait3A_461 : memref<1x112x128xi32, #tpu.memory_space<hbm>> -> memref<112x128xi32, #tpu.memory_space<hbm>>
      %dma_wait3A_463 = arith.constant 0 : i32
      %dma_wait3A_464 = arith.constant 0 : i32
      %dma_wait3A_465 = tpu.memref_slice %arg3[%add3A, %dma_wait3A_463, %dma_wait3A_464] : memref<32x112x128xi32, #tpu.memory_space<hbm>> -> memref<1x112x128xi32, #tpu.memory_space<hbm>>
      %dma_wait3A_466 = tpu.memref_squeeze %dma_wait3A_465 : memref<1x112x128xi32, #tpu.memory_space<hbm>> -> memref<112x128xi32, #tpu.memory_space<hbm>>
      tpu.wait_dma2 semaphore(%run_scoped3A_451 : memref<!tpu.dma_semaphore, #tpu.memory_space<semaphore_mem>>) src(%dma_wait3A_466 : memref<112x128xi32, #tpu.memory_space<hbm>>) dst(%arg9 : memref<112x128xi32, #tpu.memory_space<vmem>>)
      tpu.yield
    }) : () -> ()
    %barrier3A = arith.constant 0 : index
    tpu.barrier barrier_id(%barrier3A)
    %get3A = arith.constant 0 : i32
    %get3A_5 = arith.index_cast %get3A : i32 to index
    %get3A_6 = arith.constant 0 : index
    %get3A_7 = tpu.vector_load %arg9[%get3A_5, %get3A_6] {strides = array<i32>} : memref<112x128xi32, #tpu.memory_space<vmem>>, vector<1x16xi32>,
    %get3A_8 = vector.shape_cast %get3A_7 : vector<1x16xi32> to vector<16xi32>
    %shift_right_logical3A = arith.constant 14 : i32
    %shift_right_logical3A_9 = vector.broadcast %shift_right_logical3A : i32 to vector<16xi32>
    %shift_right_logical3A_10 = arith.shrui %get3A_8, %shift_right_logical3A_9 : vector<16xi32>
    %swap3A = arith.constant 0 : i32
    %swap3A_11 = arith.index_cast %swap3A : i32 to index
    %swap3A_12 = arith.constant 0 : index
    %swap3A_13 = tpu.vector_load %arg11[%swap3A_11, %swap3A_12] {strides = array<i32>} : memref<2x128xi32, #tpu.memory_space<vmem>>, vector<1x16xi32>,
    %swap3A_14 = vector.shape_cast %swap3A_13 : vector<1x16xi32> to vector<16xi32>
    %swap3A_15 = vector.shape_cast %shift_right_logical3A_10 : vector<16xi32> to vector<1x16xi32>
    tpu.vector_store %arg11[%swap3A_11, %swap3A_12], %swap3A_15 {strides = array<i32>} : memref<2x128xi32, #tpu.memory_space<vmem>>, vector<1x16xi32>,
    %and3A = arith.constant 16383 : i32
    %and3A_16 = vector.broadcast %and3A : i32 to vector<16xi32>
    %and3A_17 = arith.andi %get3A_8, %and3A_16 : vector<16xi32>
    %swap3A_18 = arith.constant 0 : i32
    %swap3A_19 = arith.index_cast %swap3A_18 : i32 to index
    %swap3A_20 = arith.constant 0 : index
    %swap3A_21 = tpu.vector_load %arg10[%swap3A_19, %swap3A_20] {strides = array<i32>} : memref<2x128xi32, #tpu.memory_space<vmem>>, vector<1x16xi32>,
    %swap3A_22 = vector.shape_cast %swap3A_21 : vector<1x16xi32> to vector<16xi32>
    %swap3A_23 = vector.shape_cast %and3A_17 : vector<16xi32> to vector<1x16xi32>
    tpu.vector_store %arg10[%swap3A_19, %swap3A_20], %swap3A_23 {strides = array<i32>} : memref<2x128xi32, #tpu.memory_space<vmem>>, vector<1x16xi32>,
    %get3A_24 = arith.constant 0 : i32
    %get3A_25 = arith.index_cast %get3A_24 : i32 to index
    %get3A_26 = arith.constant 16 : index
    %get3A_27 = tpu.vector_load %arg9[%get3A_25, %get3A_26] {strides = array<i32>} : memref<112x128xi32, #tpu.memory_space<vmem>>, vector<1x16xi32>,
    %get3A_28 = vector.shape_cast %get3A_27 : vector<1x16xi32> to vector<16xi32>
    %shift_right_logical3A_29 = arith.constant 14 : i32
    %shift_right_logical3A_30 = vector.broadcast %shift_right_logical3A_29 : i32 to vector<16xi32>
    %shift_right_logical3A_31 = arith.shrui %get3A_28, %shift_right_logical3A_30 : vector<16xi32>
    %swap3A_32 = arith.constant 0 : i32
    %swap3A_33 = arith.index_cast %swap3A_32 : i32 to index
    %swap3A_34 = arith.constant 16 : index
    %swap3A_35 = tpu.vector_load %arg11[%swap3A_33, %swap3A_34] {strides = array<i32>} : memref<2x128xi32, #tpu.memory_space<vmem>>, vector<1x16xi32>,
    %swap3A_36 = vector.shape_cast %swap3A_35 : vector<1x16xi32> to vector<16xi32>
    %swap3A_37 = vector.shape_cast %shift_right_logical3A_31 : vector<16xi32> to vector<1x16xi32>
    tpu.vector_store %arg11[%swap3A_33, %swap3A_34], %swap3A_37 {strides = array<i32>} : memref<2x128xi32, #tpu.memory_space<vmem>>, vector<1x16xi32>,
    %and3A_38 = arith.constant 16383 : i32
    %and3A_39 = vector.broadcast %and3A_38 : i32 to vector<16xi32>
    %and3A_40 = arith.andi %get3A_28, %and3A_39 : vector<16xi32>
    %swap3A_41 = arith.constant 0 : i32
    %swap3A_42 = arith.index_cast %swap3A_41 : i32 to index
    %swap3A_43 = arith.constant 16 : index
    %swap3A_44 = tpu.vector_load %arg10[%swap3A_42, %swap3A_43] {strides = array<i32>} : memref<2x128xi32, #tpu.memory_space<vmem>>, vector<1x16xi32>,
    %swap3A_45 = vector.shape_cast %swap3A_44 : vector<1x16xi32> to vector<16xi32>
    %swap3A_46 = vector.shape_cast %and3A_40 : vector<16xi32> to vector<1x16xi32>
    tpu.vector_store %arg10[%swap3A_42, %swap3A_43], %swap3A_46 {strides = array<i32>} : memref<2x128xi32, #tpu.memory_space<vmem>>, vector<1x16xi32>,
    %get3A_47 = arith.constant 0 : i32
    %get3A_48 = arith.index_cast %get3A_47 : i32 to index
    %get3A_49 = arith.constant 32 : index
    %get3A_50 = tpu.vector_load %arg9[%get3A_48, %get3A_49] {strides = array<i32>} : memref<112x128xi32, #tpu.memory_space<vmem>>, vector<1x16xi32>,
    %get3A_51 = vector.shape_cast %get3A_50 : vector<1x16xi32> to vector<16xi32>
    %shift_right_logical3A_52 = arith.constant 14 : i32
    %shift_right_logical3A_53 = vector.broadcast %shift_right_logical3A_52 : i32 to vector<16xi32>
    %shift_right_logical3A_54 = arith.shrui %get3A_51, %shift_right_logical3A_53 : vector<16xi32>
    %swap3A_55 = arith.constant 0 : i32
    %swap3A_56 = arith.index_cast %swap3A_55 : i32 to index
    %swap3A_57 = arith.constant 32 : index
    %swap3A_58 = tpu.vector_load %arg11[%swap3A_56, %swap3A_57] {strides = array<i32>} : memref<2x128xi32, #tpu.memory_space<vmem>>, vector<1x16xi32>,
    %swap3A_59 = vector.shape_cast %swap3A_58 : vector<1x16xi32> to vector<16xi32>
    %swap3A_60 = vector.shape_cast %shift_right_logical3A_54 : vector<16xi32> to vector<1x16xi32>
    tpu.vector_store %arg11[%swap3A_56, %swap3A_57], %swap3A_60 {strides = array<i32>} : memref<2x128xi32, #tpu.memory_space<vmem>>, vector<1x16xi32>,
    %and3A_61 = arith.constant 16383 : i32
    %and3A_62 = vector.broadcast %and3A_61 : i32 to vector<16xi32>
    %and3A_63 = arith.andi %get3A_51, %and3A_62 : vector<16xi32>
    %swap3A_64 = arith.constant 0 : i32
    %swap3A_65 = arith.index_cast %swap3A_64 : i32 to index
    %swap3A_66 = arith.constant 32 : index
    %swap3A_67 = tpu.vector_load %arg10[%swap3A_65, %swap3A_66] {strides = array<i32>} : memref<2x128xi32, #tpu.memory_space<vmem>>, vector<1x16xi32>,
    %swap3A_68 = vector.shape_cast %swap3A_67 : vector<1x16xi32> to vector<16xi32>
    %swap3A_69 = vector.shape_cast %and3A_63 : vector<16xi32> to vector<1x16xi32>
    tpu.vector_store %arg10[%swap3A_65, %swap3A_66], %swap3A_69 {strides = array<i32>} : memref<2x128xi32, #tpu.memory_space<vmem>>, vector<1x16xi32>,
    %get3A_70 = arith.constant 0 : i32
    %get3A_71 = arith.index_cast %get3A_70 : i32 to index
    %get3A_72 = arith.constant 48 : index
    %get3A_73 = tpu.vector_load %arg9[%get3A_71, %get3A_72] {strides = array<i32>} : memref<112x128xi32, #tpu.memory_space<vmem>>, vector<1x16xi32>,
    %get3A_74 = vector.shape_cast %get3A_73 : vector<1x16xi32> to vector<16xi32>
    %shift_right_logical3A_75 = arith.constant 14 : i32
    %shift_right_logical3A_76 = vector.broadcast %shift_right_logical3A_75 : i32 to vector<16xi32>
    %shift_right_logical3A_77 = arith.shrui %get3A_74, %shift_right_logical3A_76 : vector<16xi32>
    %swap3A_78 = arith.constant 0 : i32
    %swap3A_79 = arith.index_cast %swap3A_78 : i32 to index
    %swap3A_80 = arith.constant 48 : index
    %swap3A_81 = tpu.vector_load %arg11[%swap3A_79, %swap3A_80] {strides = array<i32>} : memref<2x128xi32, #tpu.memory_space<vmem>>, vector<1x16xi32>,
    %swap3A_82 = vector.shape_cast %swap3A_81 : vector<1x16xi32> to vector<16xi32>
    %swap3A_83 = vector.shape_cast %shift_right_logical3A_77 : vector<16xi32> to vector<1x16xi32>
    tpu.vector_store %arg11[%swap3A_79, %swap3A_80], %swap3A_83 {strides = array<i32>} : memref<2x128xi32, #tpu.memory_space<vmem>>, vector<1x16xi32>,
    %and3A_84 = arith.constant 16383 : i32
    %and3A_85 = vector.broadcast %and3A_84 : i32 to vector<16xi32>
    %and3A_86 = arith.andi %get3A_74, %and3A_85 : vector<16xi32>
    %swap3A_87 = arith.constant 0 : i32
    %swap3A_88 = arith.index_cast %swap3A_87 : i32 to index
    %swap3A_89 = arith.constant 48 : index
    %swap3A_90 = tpu.vector_load %arg10[%swap3A_88, %swap3A_89] {strides = array<i32>} : memref<2x128xi32, #tpu.memory_space<vmem>>, vector<1x16xi32>,
    %swap3A_91 = vector.shape_cast %swap3A_90 : vector<1x16xi32> to vector<16xi32>
    %swap3A_92 = vector.shape_cast %and3A_86 : vector<16xi32> to vector<1x16xi32>
    tpu.vector_store %arg10[%swap3A_88, %swap3A_89], %swap3A_92 {strides = array<i32>} : memref<2x128xi32, #tpu.memory_space<vmem>>, vector<1x16xi32>,
    %get3A_93 = arith.constant 0 : i32
    %get3A_94 = arith.index_cast %get3A_93 : i32 to index
    %get3A_95 = arith.constant 64 : index
    %get3A_96 = tpu.vector_load %arg9[%get3A_94, %get3A_95] {strides = array<i32>} : memref<112x128xi32, #tpu.memory_space<vmem>>, vector<1x16xi32>,
    %get3A_97 = vector.shape_cast %get3A_96 : vector<1x16xi32> to vector<16xi32>
    %shift_right_logical3A_98 = arith.constant 14 : i32
    %shift_right_logical3A_99 = vector.broadcast %shift_right_logical3A_98 : i32 to vector<16xi32>
    %shift_right_logical3A_100 = arith.shrui %get3A_97, %shift_right_logical3A_99 : vector<16xi32>
    %swap3A_101 = arith.constant 0 : i32
    %swap3A_102 = arith.index_cast %swap3A_101 : i32 to index
    %swap3A_103 = arith.constant 64 : index
    %swap3A_104 = tpu.vector_load %arg11[%swap3A_102, %swap3A_103] {strides = array<i32>} : memref<2x128xi32, #tpu.memory_space<vmem>>, vector<1x16xi32>,
    %swap3A_105 = vector.shape_cast %swap3A_104 : vector<1x16xi32> to vector<16xi32>
    %swap3A_106 = vector.shape_cast %shift_right_logical3A_100 : vector<16xi32> to vector<1x16xi32>
    tpu.vector_store %arg11[%swap3A_102, %swap3A_103], %swap3A_106 {strides = array<i32>} : memref<2x128xi32, #tpu.memory_space<vmem>>, vector<1x16xi32>,
    %and3A_107 = arith.constant 16383 : i32
    %and3A_108 = vector.broadcast %and3A_107 : i32 to vector<16xi32>
    %and3A_109 = arith.andi %get3A_97, %and3A_108 : vector<16xi32>
    %swap3A_110 = arith.constant 0 : i32
    %swap3A_111 = arith.index_cast %swap3A_110 : i32 to index
    %swap3A_112 = arith.constant 64 : index
    %swap3A_113 = tpu.vector_load %arg10[%swap3A_111, %swap3A_112] {strides = array<i32>} : memref<2x128xi32, #tpu.memory_space<vmem>>, vector<1x16xi32>,
    %swap3A_114 = vector.shape_cast %swap3A_113 : vector<1x16xi32> to vector<16xi32>
    %swap3A_115 = vector.shape_cast %and3A_109 : vector<16xi32> to vector<1x16xi32>
    tpu.vector_store %arg10[%swap3A_111, %swap3A_112], %swap3A_115 {strides = array<i32>} : memref<2x128xi32, #tpu.memory_space<vmem>>, vector<1x16xi32>,
    %get3A_116 = arith.constant 0 : i32
    %get3A_117 = arith.index_cast %get3A_116 : i32 to index
    %get3A_118 = arith.constant 80 : index
    %get3A_119 = tpu.vector_load %arg9[%get3A_117, %get3A_118] {strides = array<i32>} : memref<112x128xi32, #tpu.memory_space<vmem>>, vector<1x16xi32>,
    %get3A_120 = vector.shape_cast %get3A_119 : vector<1x16xi32> to vector<16xi32>
    %shift_right_logical3A_121 = arith.constant 14 : i32
    %shift_right_logical3A_122 = vector.broadcast %shift_right_logical3A_121 : i32 to vector<16xi32>
    %shift_right_logical3A_123 = arith.shrui %get3A_120, %shift_right_logical3A_122 : vector<16xi32>
    %swap3A_124 = arith.constant 0 : i32
    %swap3A_125 = arith.index_cast %swap3A_124 : i32 to index
    %swap3A_126 = arith.constant 80 : index
    %swap3A_127 = tpu.vector_load %arg11[%swap3A_125, %swap3A_126] {strides = array<i32>} : memref<2x128xi32, #tpu.memory_space<vmem>>, vector<1x16xi32>,
    %swap3A_128 = vector.shape_cast %swap3A_127 : vector<1x16xi32> to vector<16xi32>
    %swap3A_129 = vector.shape_cast %shift_right_logical3A_123 : vector<16xi32> to vector<1x16xi32>
    tpu.vector_store %arg11[%swap3A_125, %swap3A_126], %swap3A_129 {strides = array<i32>} : memref<2x128xi32, #tpu.memory_space<vmem>>, vector<1x16xi32>,
    %and3A_130 = arith.constant 16383 : i32
    %and3A_131 = vector.broadcast %and3A_130 : i32 to vector<16xi32>
    %and3A_132 = arith.andi %get3A_120, %and3A_131 : vector<16xi32>
    %swap3A_133 = arith.constant 0 : i32
    %swap3A_134 = arith.index_cast %swap3A_133 : i32 to index
    %swap3A_135 = arith.constant 80 : index
    %swap3A_136 = tpu.vector_load %arg10[%swap3A_134, %swap3A_135] {strides = array<i32>} : memref<2x128xi32, #tpu.memory_space<vmem>>, vector<1x16xi32>,
    %swap3A_137 = vector.shape_cast %swap3A_136 : vector<1x16xi32> to vector<16xi32>
    %swap3A_138 = vector.shape_cast %and3A_132 : vector<16xi32> to vector<1x16xi32>
    tpu.vector_store %arg10[%swap3A_134, %swap3A_135], %swap3A_138 {strides = array<i32>} : memref<2x128xi32, #tpu.memory_space<vmem>>, vector<1x16xi32>,
    %get3A_139 = arith.constant 0 : i32
    %get3A_140 = arith.index_cast %get3A_139 : i32 to index
    %get3A_141 = arith.constant 96 : index
    %get3A_142 = tpu.vector_load %arg9[%get3A_140, %get3A_141] {strides = array<i32>} : memref<112x128xi32, #tpu.memory_space<vmem>>, vector<1x16xi32>,
    %get3A_143 = vector.shape_cast %get3A_142 : vector<1x16xi32> to vector<16xi32>
    %shift_right_logical3A_144 = arith.constant 14 : i32
    %shift_right_logical3A_145 = vector.broadcast %shift_right_logical3A_144 : i32 to vector<16xi32>
    %shift_right_logical3A_146 = arith.shrui %get3A_143, %shift_right_logical3A_145 : vector<16xi32>
    %swap3A_147 = arith.constant 0 : i32
    %swap3A_148 = arith.index_cast %swap3A_147 : i32 to index
    %swap3A_149 = arith.constant 96 : index
    %swap3A_150 = tpu.vector_load %arg11[%swap3A_148, %swap3A_149] {strides = array<i32>} : memref<2x128xi32, #tpu.memory_space<vmem>>, vector<1x16xi32>,
    %swap3A_151 = vector.shape_cast %swap3A_150 : vector<1x16xi32> to vector<16xi32>
    %swap3A_152 = vector.shape_cast %shift_right_logical3A_146 : vector<16xi32> to vector<1x16xi32>
    tpu.vector_store %arg11[%swap3A_148, %swap3A_149], %swap3A_152 {strides = array<i32>} : memref<2x128xi32, #tpu.memory_space<vmem>>, vector<1x16xi32>,
    %and3A_153 = arith.constant 16383 : i32
    %and3A_154 = vector.broadcast %and3A_153 : i32 to vector<16xi32>
    %and3A_155 = arith.andi %get3A_143, %and3A_154 : vector<16xi32>
    %swap3A_156 = arith.constant 0 : i32
    %swap3A_157 = arith.index_cast %swap3A_156 : i32 to index
    %swap3A_158 = arith.constant 96 : index
    %swap3A_159 = tpu.vector_load %arg10[%swap3A_157, %swap3A_158] {strides = array<i32>} : memref<2x128xi32, #tpu.memory_space<vmem>>, vector<1x16xi32>,
    %swap3A_160 = vector.shape_cast %swap3A_159 : vector<1x16xi32> to vector<16xi32>
    %swap3A_161 = vector.shape_cast %and3A_155 : vector<16xi32> to vector<1x16xi32>
    tpu.vector_store %arg10[%swap3A_157, %swap3A_158], %swap3A_161 {strides = array<i32>} : memref<2x128xi32, #tpu.memory_space<vmem>>, vector<1x16xi32>,
    %get3A_162 = arith.constant 0 : i32
    %get3A_163 = arith.index_cast %get3A_162 : i32 to index
    %get3A_164 = arith.constant 112 : index
    %get3A_165 = tpu.vector_load %arg9[%get3A_163, %get3A_164] {strides = array<i32>} : memref<112x128xi32, #tpu.memory_space<vmem>>, vector<1x16xi32>,
    %get3A_166 = vector.shape_cast %get3A_165 : vector<1x16xi32> to vector<16xi32>
    %shift_right_logical3A_167 = arith.constant 14 : i32
    %shift_right_logical3A_168 = vector.broadcast %shift_right_logical3A_167 : i32 to vector<16xi32>
    %shift_right_logical3A_169 = arith.shrui %get3A_166, %shift_right_logical3A_168 : vector<16xi32>
    %swap3A_170 = arith.constant 0 : i32
    %swap3A_171 = arith.index_cast %swap3A_170 : i32 to index
    %swap3A_172 = arith.constant 112 : index
    %swap3A_173 = tpu.vector_load %arg11[%swap3A_171, %swap3A_172] {strides = array<i32>} : memref<2x128xi32, #tpu.memory_space<vmem>>, vector<1x16xi32>,
    %swap3A_174 = vector.shape_cast %swap3A_173 : vector<1x16xi32> to vector<16xi32>
    %swap3A_175 = vector.shape_cast %shift_right_logical3A_169 : vector<16xi32> to vector<1x16xi32>
    tpu.vector_store %arg11[%swap3A_171, %swap3A_172], %swap3A_175 {strides = array<i32>} : memref<2x128xi32, #tpu.memory_space<vmem>>, vector<1x16xi32>,
    %and3A_176 = arith.constant 16383 : i32
    %and3A_177 = vector.broadcast %and3A_176 : i32 to vector<16xi32>
    %and3A_178 = arith.andi %get3A_166, %and3A_177 : vector<16xi32>
    %swap3A_179 = arith.constant 0 : i32
    %swap3A_180 = arith.index_cast %swap3A_179 : i32 to index
    %swap3A_181 = arith.constant 112 : index
    %swap3A_182 = tpu.vector_load %arg10[%swap3A_180, %swap3A_181] {strides = array<i32>} : memref<2x128xi32, #tpu.memory_space<vmem>>, vector<1x16xi32>,
    %swap3A_183 = vector.shape_cast %swap3A_182 : vector<1x16xi32> to vector<16xi32>
    %swap3A_184 = vector.shape_cast %and3A_178 : vector<16xi32> to vector<1x16xi32>
    tpu.vector_store %arg10[%swap3A_180, %swap3A_181], %swap3A_184 {strides = array<i32>} : memref<2x128xi32, #tpu.memory_space<vmem>>, vector<1x16xi32>,
    %dma_start3A = arith.constant 0 : i32
    %dma_start3A_185 = arith.constant 0 : i32
    %dma_start3A_186 = tpu.memref_slice %arg10[%dma_start3A, %dma_start3A_185] : memref<2x128xi32, #tpu.memory_space<vmem>> -> memref<1x128xi32, #tpu.memory_space<vmem>>
    %dma_start3A_187 = tpu.memref_squeeze %dma_start3A_186 : memref<1x128xi32, #tpu.memory_space<vmem>> -> memref<128xi32, #tpu.memory_space<vmem>>
    %dma_start3A_188 = arith.constant 0 : i32
    %dma_start3A_189 = arith.constant 0 : i32
    %dma_start3A_190 = tpu.memref_slice %arg2[%dma_start3A_188, %dma_start3A_189] : memref<10000x128xf32, #tpu.memory_space<hbm>> -> memref<10000x128xf32, #tpu.memory_space<hbm>>
    tpu.enqueue_indirect_dma source(%dma_start3A_190 : memref<10000x128xf32, #tpu.memory_space<hbm>>) target(%arg12 : memref<128x128xf32, #tpu.memory_space<vmem>>) offsets(%dma_start3A_187 : memref<128xi32, #tpu.memory_space<vmem>>) semaphore(%arg17 : memref<!tpu.dma_semaphore, #tpu.memory_space<semaphore_mem>>)
    %get3A_191 = arith.constant 1 : i32
    %get3A_192 = arith.index_cast %get3A_191 : i32 to index
    %get3A_193 = arith.constant 0 : index
    %get3A_194 = tpu.vector_load %arg9[%get3A_192, %get3A_193] {strides = array<i32>} : memref<112x128xi32, #tpu.memory_space<vmem>>, vector<1x16xi32>,
    %get3A_195 = vector.shape_cast %get3A_194 : vector<1x16xi32> to vector<16xi32>
    %shift_right_logical3A_196 = arith.constant 14 : i32
    %shift_right_logical3A_197 = vector.broadcast %shift_right_logical3A_196 : i32 to vector<16xi32>
    %shift_right_logical3A_198 = arith.shrui %get3A_195, %shift_right_logical3A_197 : vector<16xi32>
    %swap3A_199 = arith.constant 1 : i32
    %swap3A_200 = arith.index_cast %swap3A_199 : i32 to index
    %swap3A_201 = arith.constant 0 : index
    %swap3A_202 = tpu.vector_load %arg11[%swap3A_200, %swap3A_201] {strides = array<i32>} : memref<2x128xi32, #tpu.memory_space<vmem>>, vector<1x16xi32>,
    %swap3A_203 = vector.shape_cast %swap3A_202 : vector<1x16xi32> to vector<16xi32>
    %swap3A_204 = vector.shape_cast %shift_right_logical3A_198 : vector<16xi32> to vector<1x16xi32>
    tpu.vector_store %arg11[%swap3A_200, %swap3A_201], %swap3A_204 {strides = array<i32>} : memref<2x128xi32, #tpu.memory_space<vmem>>, vector<1x16xi32>,
    %and3A_205 = arith.constant 16383 : i32
    %and3A_206 = vector.broadcast %and3A_205 : i32 to vector<16xi32>
    %and3A_207 = arith.andi %get3A_195, %and3A_206 : vector<16xi32>
    %swap3A_208 = arith.constant 1 : i32
    %swap3A_209 = arith.index_cast %swap3A_208 : i32 to index
    %swap3A_210 = arith.constant 0 : index
    %swap3A_211 = tpu.vector_load %arg10[%swap3A_209, %swap3A_210] {strides = array<i32>} : memref<2x128xi32, #tpu.memory_space<vmem>>, vector<1x16xi32>,
    %swap3A_212 = vector.shape_cast %swap3A_211 : vector<1x16xi32> to vector<16xi32>
    %swap3A_213 = vector.shape_cast %and3A_207 : vector<16xi32> to vector<1x16xi32>
    tpu.vector_store %arg10[%swap3A_209, %swap3A_210], %swap3A_213 {strides = array<i32>} : memref<2x128xi32, #tpu.memory_space<vmem>>, vector<1x16xi32>,
    %get3A_214 = arith.constant 1 : i32
    %get3A_215 = arith.index_cast %get3A_214 : i32 to index
    %get3A_216 = arith.constant 16 : index
    %get3A_217 = tpu.vector_load %arg9[%get3A_215, %get3A_216] {strides = array<i32>} : memref<112x128xi32, #tpu.memory_space<vmem>>, vector<1x16xi32>,
    %get3A_218 = vector.shape_cast %get3A_217 : vector<1x16xi32> to vector<16xi32>
    %shift_right_logical3A_219 = arith.constant 14 : i32
    %shift_right_logical3A_220 = vector.broadcast %shift_right_logical3A_219 : i32 to vector<16xi32>
    %shift_right_logical3A_221 = arith.shrui %get3A_218, %shift_right_logical3A_220 : vector<16xi32>
    %swap3A_222 = arith.constant 1 : i32
    %swap3A_223 = arith.index_cast %swap3A_222 : i32 to index
    %swap3A_224 = arith.constant 16 : index
    %swap3A_225 = tpu.vector_load %arg11[%swap3A_223, %swap3A_224] {strides = array<i32>} : memref<2x128xi32, #tpu.memory_space<vmem>>, vector<1x16xi32>,
    %swap3A_226 = vector.shape_cast %swap3A_225 : vector<1x16xi32> to vector<16xi32>
    %swap3A_227 = vector.shape_cast %shift_right_logical3A_221 : vector<16xi32> to vector<1x16xi32>
    tpu.vector_store %arg11[%swap3A_223, %swap3A_224], %swap3A_227 {strides = array<i32>} : memref<2x128xi32, #tpu.memory_space<vmem>>, vector<1x16xi32>,
    %and3A_228 = arith.constant 16383 : i32
    %and3A_229 = vector.broadcast %and3A_228 : i32 to vector<16xi32>
    %and3A_230 = arith.andi %get3A_218, %and3A_229 : vector<16xi32>
    %swap3A_231 = arith.constant 1 : i32
    %swap3A_232 = arith.index_cast %swap3A_231 : i32 to index
    %swap3A_233 = arith.constant 16 : index
    %swap3A_234 = tpu.vector_load %arg10[%swap3A_232, %swap3A_233] {strides = array<i32>} : memref<2x128xi32, #tpu.memory_space<vmem>>, vector<1x16xi32>,
    %swap3A_235 = vector.shape_cast %swap3A_234 : vector<1x16xi32> to vector<16xi32>
    %swap3A_236 = vector.shape_cast %and3A_230 : vector<16xi32> to vector<1x16xi32>
    tpu.vector_store %arg10[%swap3A_232, %swap3A_233], %swap3A_236 {strides = array<i32>} : memref<2x128xi32, #tpu.memory_space<vmem>>, vector<1x16xi32>,
    %get3A_237 = arith.constant 1 : i32
    %get3A_238 = arith.index_cast %get3A_237 : i32 to index
    %get3A_239 = arith.constant 32 : index
    %get3A_240 = tpu.vector_load %arg9[%get3A_238, %get3A_239] {strides = array<i32>} : memref<112x128xi32, #tpu.memory_space<vmem>>, vector<1x16xi32>,
    %get3A_241 = vector.shape_cast %get3A_240 : vector<1x16xi32> to vector<16xi32>
    %shift_right_logical3A_242 = arith.constant 14 : i32
    %shift_right_logical3A_243 = vector.broadcast %shift_right_logical3A_242 : i32 to vector<16xi32>
    %shift_right_logical3A_244 = arith.shrui %get3A_241, %shift_right_logical3A_243 : vector<16xi32>
    %swap3A_245 = arith.constant 1 : i32
    %swap3A_246 = arith.index_cast %swap3A_245 : i32 to index
    %swap3A_247 = arith.constant 32 : index
    %swap3A_248 = tpu.vector_load %arg11[%swap3A_246, %swap3A_247] {strides = array<i32>} : memref<2x128xi32, #tpu.memory_space<vmem>>, vector<1x16xi32>,
    %swap3A_249 = vector.shape_cast %swap3A_248 : vector<1x16xi32> to vector<16xi32>
    %swap3A_250 = vector.shape_cast %shift_right_logical3A_244 : vector<16xi32> to vector<1x16xi32>
    tpu.vector_store %arg11[%swap3A_246, %swap3A_247], %swap3A_250 {strides = array<i32>} : memref<2x128xi32, #tpu.memory_space<vmem>>, vector<1x16xi32>,
    %and3A_251 = arith.constant 16383 : i32
    %and3A_252 = vector.broadcast %and3A_251 : i32 to vector<16xi32>
    %and3A_253 = arith.andi %get3A_241, %and3A_252 : vector<16xi32>
    %swap3A_254 = arith.constant 1 : i32
    %swap3A_255 = arith.index_cast %swap3A_254 : i32 to index
    %swap3A_256 = arith.constant 32 : index
    %swap3A_257 = tpu.vector_load %arg10[%swap3A_255, %swap3A_256] {strides = array<i32>} : memref<2x128xi32, #tpu.memory_space<vmem>>, vector<1x16xi32>,
    %swap3A_258 = vector.shape_cast %swap3A_257 : vector<1x16xi32> to vector<16xi32>
    %swap3A_259 = vector.shape_cast %and3A_253 : vector<16xi32> to vector<1x16xi32>
    tpu.vector_store %arg10[%swap3A_255, %swap3A_256], %swap3A_259 {strides = array<i32>} : memref<2x128xi32, #tpu.memory_space<vmem>>, vector<1x16xi32>,
    %get3A_260 = arith.constant 1 : i32
    %get3A_261 = arith.index_cast %get3A_260 : i32 to index
    %get3A_262 = arith.constant 48 : index
    %get3A_263 = tpu.vector_load %arg9[%get3A_261, %get3A_262] {strides = array<i32>} : memref<112x128xi32, #tpu.memory_space<vmem>>, vector<1x16xi32>,
    %get3A_264 = vector.shape_cast %get3A_263 : vector<1x16xi32> to vector<16xi32>
    %shift_right_logical3A_265 = arith.constant 14 : i32
    %shift_right_logical3A_266 = vector.broadcast %shift_right_logical3A_265 : i32 to vector<16xi32>
    %shift_right_logical3A_267 = arith.shrui %get3A_264, %shift_right_logical3A_266 : vector<16xi32>
    %swap3A_268 = arith.constant 1 : i32
    %swap3A_269 = arith.index_cast %swap3A_268 : i32 to index
    %swap3A_270 = arith.constant 48 : index
    %swap3A_271 = tpu.vector_load %arg11[%swap3A_269, %swap3A_270] {strides = array<i32>} : memref<2x128xi32, #tpu.memory_space<vmem>>, vector<1x16xi32>,
    %swap3A_272 = vector.shape_cast %swap3A_271 : vector<1x16xi32> to vector<16xi32>
    %swap3A_273 = vector.shape_cast %shift_right_logical3A_267 : vector<16xi32> to vector<1x16xi32>
    tpu.vector_store %arg11[%swap3A_269, %swap3A_270], %swap3A_273 {strides = array<i32>} : memref<2x128xi32, #tpu.memory_space<vmem>>, vector<1x16xi32>,
    %and3A_274 = arith.constant 16383 : i32
    %and3A_275 = vector.broadcast %and3A_274 : i32 to vector<16xi32>
    %and3A_276 = arith.andi %get3A_264, %and3A_275 : vector<16xi32>
    %swap3A_277 = arith.constant 1 : i32
    %swap3A_278 = arith.index_cast %swap3A_277 : i32 to index
    %swap3A_279 = arith.constant 48 : index
    %swap3A_280 = tpu.vector_load %arg10[%swap3A_278, %swap3A_279] {strides = array<i32>} : memref<2x128xi32, #tpu.memory_space<vmem>>, vector<1x16xi32>,
    %swap3A_281 = vector.shape_cast %swap3A_280 : vector<1x16xi32> to vector<16xi32>
    %swap3A_282 = vector.shape_cast %and3A_276 : vector<16xi32> to vector<1x16xi32>
    tpu.vector_store %arg10[%swap3A_278, %swap3A_279], %swap3A_282 {strides = array<i32>} : memref<2x128xi32, #tpu.memory_space<vmem>>, vector<1x16xi32>,
    %get3A_283 = arith.constant 1 : i32
    %get3A_284 = arith.index_cast %get3A_283 : i32 to index
    %get3A_285 = arith.constant 64 : index
    %get3A_286 = tpu.vector_load %arg9[%get3A_284, %get3A_285] {strides = array<i32>} : memref<112x128xi32, #tpu.memory_space<vmem>>, vector<1x16xi32>,
    %get3A_287 = vector.shape_cast %get3A_286 : vector<1x16xi32> to vector<16xi32>
    %shift_right_logical3A_288 = arith.constant 14 : i32
    %shift_right_logical3A_289 = vector.broadcast %shift_right_logical3A_288 : i32 to vector<16xi32>
    %shift_right_logical3A_290 = arith.shrui %get3A_287, %shift_right_logical3A_289 : vector<16xi32>
    %swap3A_291 = arith.constant 1 : i32
    %swap3A_292 = arith.index_cast %swap3A_291 : i32 to index
    %swap3A_293 = arith.constant 64 : index
    %swap3A_294 = tpu.vector_load %arg11[%swap3A_292, %swap3A_293] {strides = array<i32>} : memref<2x128xi32, #tpu.memory_space<vmem>>, vector<1x16xi32>,
    %swap3A_295 = vector.shape_cast %swap3A_294 : vector<1x16xi32> to vector<16xi32>
    %swap3A_296 = vector.shape_cast %shift_right_logical3A_290 : vector<16xi32> to vector<1x16xi32>
    tpu.vector_store %arg11[%swap3A_292, %swap3A_293], %swap3A_296 {strides = array<i32>} : memref<2x128xi32, #tpu.memory_space<vmem>>, vector<1x16xi32>,
    %and3A_297 = arith.constant 16383 : i32
    %and3A_298 = vector.broadcast %and3A_297 : i32 to vector<16xi32>
    %and3A_299 = arith.andi %get3A_287, %and3A_298 : vector<16xi32>
    %swap3A_300 = arith.constant 1 : i32
    %swap3A_301 = arith.index_cast %swap3A_300 : i32 to index
    %swap3A_302 = arith.constant 64 : index
    %swap3A_303 = tpu.vector_load %arg10[%swap3A_301, %swap3A_302] {strides = array<i32>} : memref<2x128xi32, #tpu.memory_space<vmem>>, vector<1x16xi32>,
    %swap3A_304 = vector.shape_cast %swap3A_303 : vector<1x16xi32> to vector<16xi32>
    %swap3A_305 = vector.shape_cast %and3A_299 : vector<16xi32> to vector<1x16xi32>
    tpu.vector_store %arg10[%swap3A_301, %swap3A_302], %swap3A_305 {strides = array<i32>} : memref<2x128xi32, #tpu.memory_space<vmem>>, vector<1x16xi32>,
    %get3A_306 = arith.constant 1 : i32
    %get3A_307 = arith.index_cast %get3A_306 : i32 to index
    %get3A_308 = arith.constant 80 : index
    %get3A_309 = tpu.vector_load %arg9[%get3A_307, %get3A_308] {strides = array<i32>} : memref<112x128xi32, #tpu.memory_space<vmem>>, vector<1x16xi32>,
    %get3A_310 = vector.shape_cast %get3A_309 : vector<1x16xi32> to vector<16xi32>
    %shift_right_logical3A_311 = arith.constant 14 : i32
    %shift_right_logical3A_312 = vector.broadcast %shift_right_logical3A_311 : i32 to vector<16xi32>
    %shift_right_logical3A_313 = arith.shrui %get3A_310, %shift_right_logical3A_312 : vector<16xi32>
    %swap3A_314 = arith.constant 1 : i32
    %swap3A_315 = arith.index_cast %swap3A_314 : i32 to index
    %swap3A_316 = arith.constant 80 : index
    %swap3A_317 = tpu.vector_load %arg11[%swap3A_315, %swap3A_316] {strides = array<i32>} : memref<2x128xi32, #tpu.memory_space<vmem>>, vector<1x16xi32>,
    %swap3A_318 = vector.shape_cast %swap3A_317 : vector<1x16xi32> to vector<16xi32>
    %swap3A_319 = vector.shape_cast %shift_right_logical3A_313 : vector<16xi32> to vector<1x16xi32>
    tpu.vector_store %arg11[%swap3A_315, %swap3A_316], %swap3A_319 {strides = array<i32>} : memref<2x128xi32, #tpu.memory_space<vmem>>, vector<1x16xi32>,
    %and3A_320 = arith.constant 16383 : i32
    %and3A_321 = vector.broadcast %and3A_320 : i32 to vector<16xi32>
    %and3A_322 = arith.andi %get3A_310, %and3A_321 : vector<16xi32>
    %swap3A_323 = arith.constant 1 : i32
    %swap3A_324 = arith.index_cast %swap3A_323 : i32 to index
    %swap3A_325 = arith.constant 80 : index
    %swap3A_326 = tpu.vector_load %arg10[%swap3A_324, %swap3A_325] {strides = array<i32>} : memref<2x128xi32, #tpu.memory_space<vmem>>, vector<1x16xi32>,
    %swap3A_327 = vector.shape_cast %swap3A_326 : vector<1x16xi32> to vector<16xi32>
    %swap3A_328 = vector.shape_cast %and3A_322 : vector<16xi32> to vector<1x16xi32>
    tpu.vector_store %arg10[%swap3A_324, %swap3A_325], %swap3A_328 {strides = array<i32>} : memref<2x128xi32, #tpu.memory_space<vmem>>, vector<1x16xi32>,
    %get3A_329 = arith.constant 1 : i32
    %get3A_330 = arith.index_cast %get3A_329 : i32 to index
    %get3A_331 = arith.constant 96 : index
    %get3A_332 = tpu.vector_load %arg9[%get3A_330, %get3A_331] {strides = array<i32>} : memref<112x128xi32, #tpu.memory_space<vmem>>, vector<1x16xi32>,
    %get3A_333 = vector.shape_cast %get3A_332 : vector<1x16xi32> to vector<16xi32>
    %shift_right_logical3A_334 = arith.constant 14 : i32
    %shift_right_logical3A_335 = vector.broadcast %shift_right_logical3A_334 : i32 to vector<16xi32>
    %shift_right_logical3A_336 = arith.shrui %get3A_333, %shift_right_logical3A_335 : vector<16xi32>
    %swap3A_337 = arith.constant 1 : i32
    %swap3A_338 = arith.index_cast %swap3A_337 : i32 to index
    %swap3A_339 = arith.constant 96 : index
    %swap3A_340 = tpu.vector_load %arg11[%swap3A_338, %swap3A_339] {strides = array<i32>} : memref<2x128xi32, #tpu.memory_space<vmem>>, vector<1x16xi32>,
    %swap3A_341 = vector.shape_cast %swap3A_340 : vector<1x16xi32> to vector<16xi32>
    %swap3A_342 = vector.shape_cast %shift_right_logical3A_336 : vector<16xi32> to vector<1x16xi32>
    tpu.vector_store %arg11[%swap3A_338, %swap3A_339], %swap3A_342 {strides = array<i32>} : memref<2x128xi32, #tpu.memory_space<vmem>>, vector<1x16xi32>,
    %and3A_343 = arith.constant 16383 : i32
    %and3A_344 = vector.broadcast %and3A_343 : i32 to vector<16xi32>
    %and3A_345 = arith.andi %get3A_333, %and3A_344 : vector<16xi32>
    %swap3A_346 = arith.constant 1 : i32
    %swap3A_347 = arith.index_cast %swap3A_346 : i32 to index
    %swap3A_348 = arith.constant 96 : index
    %swap3A_349 = tpu.vector_load %arg10[%swap3A_347, %swap3A_348] {strides = array<i32>} : memref<2x128xi32, #tpu.memory_space<vmem>>, vector<1x16xi32>,
    %swap3A_350 = vector.shape_cast %swap3A_349 : vector<1x16xi32> to vector<16xi32>
    %swap3A_351 = vector.shape_cast %and3A_345 : vector<16xi32> to vector<1x16xi32>
    tpu.vector_store %arg10[%swap3A_347, %swap3A_348], %swap3A_351 {strides = array<i32>} : memref<2x128xi32, #tpu.memory_space<vmem>>, vector<1x16xi32>,
    %get3A_352 = arith.constant 1 : i32
    %get3A_353 = arith.index_cast %get3A_352 : i32 to index
    %get3A_354 = arith.constant 112 : index
    %get3A_355 = tpu.vector_load %arg9[%get3A_353, %get3A_354] {strides = array<i32>} : memref<112x128xi32, #tpu.memory_space<vmem>>, vector<1x16xi32>,
    %get3A_356 = vector.shape_cast %get3A_355 : vector<1x16xi32> to vector<16xi32>
    %shift_right_logical3A_357 = arith.constant 14 : i32
    %shift_right_logical3A_358 = vector.broadcast %shift_right_logical3A_357 : i32 to vector<16xi32>
    %shift_right_logical3A_359 = arith.shrui %get3A_356, %shift_right_logical3A_358 : vector<16xi32>
    %swap3A_360 = arith.constant 1 : i32
    %swap3A_361 = arith.index_cast %swap3A_360 : i32 to index
    %swap3A_362 = arith.constant 112 : index
    %swap3A_363 = tpu.vector_load %arg11[%swap3A_361, %swap3A_362] {strides = array<i32>} : memref<2x128xi32, #tpu.memory_space<vmem>>, vector<1x16xi32>,
    %swap3A_364 = vector.shape_cast %swap3A_363 : vector<1x16xi32> to vector<16xi32>
    %swap3A_365 = vector.shape_cast %shift_right_logical3A_359 : vector<16xi32> to vector<1x16xi32>
    tpu.vector_store %arg11[%swap3A_361, %swap3A_362], %swap3A_365 {strides = array<i32>} : memref<2x128xi32, #tpu.memory_space<vmem>>, vector<1x16xi32>,
    %and3A_366 = arith.constant 16383 : i32
    %and3A_367 = vector.broadcast %and3A_366 : i32 to vector<16xi32>
    %and3A_368 = arith.andi %get3A_356, %and3A_367 : vector<16xi32>
    %swap3A_369 = arith.constant 1 : i32
    %swap3A_370 = arith.index_cast %swap3A_369 : i32 to index
    %swap3A_371 = arith.constant 112 : index
    %swap3A_372 = tpu.vector_load %arg10[%swap3A_370, %swap3A_371] {strides = array<i32>} : memref<2x128xi32, #tpu.memory_space<vmem>>, vector<1x16xi32>,
    %swap3A_373 = vector.shape_cast %swap3A_372 : vector<1x16xi32> to vector<16xi32>
    %swap3A_374 = vector.shape_cast %and3A_368 : vector<16xi32> to vector<1x16xi32>
    tpu.vector_store %arg10[%swap3A_370, %swap3A_371], %swap3A_374 {strides = array<i32>} : memref<2x128xi32, #tpu.memory_space<vmem>>, vector<1x16xi32>,
    %dma_start3A_375 = arith.constant 1 : i32
    %dma_start3A_376 = arith.constant 0 : i32
    %dma_start3A_377 = tpu.memref_slice %arg10[%dma_start3A_375, %dma_start3A_376] : memref<2x128xi32, #tpu.memory_space<vmem>> -> memref<1x128xi32, #tpu.memory_space<vmem>>
    %dma_start3A_378 = tpu.memref_squeeze %dma_start3A_377 : memref<1x128xi32, #tpu.memory_space<vmem>> -> memref<128xi32, #tpu.memory_space<vmem>>
    %dma_start3A_379 = arith.constant 0 : i32
    %dma_start3A_380 = arith.constant 0 : i32
    %dma_start3A_381 = tpu.memref_slice %arg2[%dma_start3A_379, %dma_start3A_380] : memref<10000x128xf32, #tpu.memory_space<hbm>> -> memref<10000x128xf32, #tpu.memory_space<hbm>>
    tpu.enqueue_indirect_dma source(%dma_start3A_381 : memref<10000x128xf32, #tpu.memory_space<hbm>>) target(%arg13 : memref<128x128xf32, #tpu.memory_space<vmem>>) offsets(%dma_start3A_378 : memref<128xi32, #tpu.memory_space<vmem>>) semaphore(%arg18 : memref<!tpu.dma_semaphore, #tpu.memory_space<semaphore_mem>>)
    %eq3A = arith.constant 0 : i32
    %eq3A_382 = arith.cmpi eq, %arg0, %eq3A : i32
    %jit3A = arith.constant 112 : i32
    %jit3A_383 = arith.constant 46 : i32
    %select_n3A = arith.select %eq3A_382, %jit3A, %jit3A_383 : i32
    %jit3A_384 = arith.constant 2 : i32
    %div3A = arith.divsi %select_n3A, %jit3A_384 : i32
    %sign3A = arith.constant 0 : i32
    %sign3A_385 = arith.cmpi sgt, %select_n3A, %sign3A : i32
    %sign3A_386 = arith.extui %sign3A_385 : i1 to i32
    %sign3A_387 = arith.constant 0 : i32
    %sign3A_388 = arith.cmpi slt, %select_n3A, %sign3A_387 : i32
    %sign3A_389 = arith.extui %sign3A_388 : i1 to i32
    %sign3A_390 = arith.subi %sign3A_386, %sign3A_389 : i32
    %sign3A_391 = arith.constant 0 : i32
    %sign3A_392 = arith.cmpi sgt, %jit3A_384, %sign3A_391 : i32
    %sign3A_393 = arith.extui %sign3A_392 : i1 to i32
    %sign3A_394 = arith.constant 0 : i32
    %sign3A_395 = arith.cmpi slt, %jit3A_384, %sign3A_394 : i32
    %sign3A_396 = arith.extui %sign3A_395 : i1 to i32
    %sign3A_397 = arith.subi %sign3A_393, %sign3A_396 : i32
    %ne3A = arith.cmpi ne, %sign3A_390, %sign3A_397 : i32
    %rem3A = arith.remsi %select_n3A, %jit3A_384 : i32
    %ne3A_398 = arith.constant 0 : i32
    %ne3A_399 = arith.cmpi ne, %rem3A, %ne3A_398 : i32
    %and3A_400 = arith.andi %ne3A, %ne3A_399 : i1
    %sub3A = arith.constant 1 : i32
    %sub3A_401 = arith.subi %div3A, %sub3A : i32
    %select_n3A_402 = arith.select %and3A_400, %sub3A_401, %div3A : i32
    %while3A = arith.constant 0 : i32
    %while3A_403 = arith.constant 0 : i32
    %while3A_404 = arith.subi %select_n3A_402, %while3A_403 : i32
    %while3A_405 = arith.addi %while3A_403, %while3A_404 : i32
    %while3A_406 = arith.constant 1 : i32
    %while3A_407 = arith.divsi %while3A_404, %while3A_406 : i32
    %while3A_408 = arith.muli %while3A_407, %while3A_406 : i32
    %while3A_409 = arith.addi %while3A_403, %while3A_408 : i32
    %while3A_410 = arith.constant 1 : i32
    scf.for %while3A_451 = %while3A_403 to %while3A_409 step %while3A_410  : i32 {
      %mul3A_452 = arith.constant 2 : i32
      %mul3A_453 = arith.muli %mul3A_452, %while3A_451 : i32
      %dma_wait3A = arith.constant 0 : i32
      %dma_wait3A_454 = arith.constant 0 : i32
      %dma_wait3A_455 = tpu.memref_slice %arg10[%dma_wait3A, %dma_wait3A_454] : memref<2x128xi32, #tpu.memory_space<vmem>> -> memref<1x128xi32, #tpu.memory_space<vmem>>
      %dma_wait3A_456 = tpu.memref_squeeze %dma_wait3A_455 : memref<1x128xi32, #tpu.memory_space<vmem>> -> memref<128xi32, #tpu.memory_space<vmem>>
      %dma_wait3A_457 = arith.constant 0 : i32
      %dma_wait3A_458 = arith.constant 0 : i32
      %dma_wait3A_459 = tpu.memref_slice %arg2[%dma_wait3A_457, %dma_wait3A_458] : memref<10000x128xf32, #tpu.memory_space<hbm>> -> memref<10000x128xf32, #tpu.memory_space<hbm>>
      tpu.wait_indirect_dma semaphore(%arg17 : memref<!tpu.dma_semaphore, #tpu.memory_space<semaphore_mem>>) src(%dma_wait3A_459 : memref<10000x128xf32, #tpu.memory_space<hbm>>) dst(%arg12 : memref<128x128xf32, #tpu.memory_space<vmem>>)
      %dma_start3A_460 = arith.constant 0 : i32
      %dma_start3A_461 = arith.constant 0 : i32
      %dma_start3A_462 = tpu.memref_slice %arg11[%dma_start3A_460, %dma_start3A_461] : memref<2x128xi32, #tpu.memory_space<vmem>> -> memref<1x128xi32, #tpu.memory_space<vmem>>
      %dma_start3A_463 = tpu.memref_squeeze %dma_start3A_462 : memref<1x128xi32, #tpu.memory_space<vmem>> -> memref<128xi32, #tpu.memory_space<vmem>>
      %dma_start3A_464 = arith.constant 0 : i32
      %dma_start3A_465 = arith.constant 0 : i32
      %dma_start3A_466 = tpu.memref_slice %arg15[%dma_start3A_464, %dma_start3A_465] : memref<10016x128xf32, #tpu.memory_space<vmem_shared>> -> memref<10016x128xf32, #tpu.memory_space<vmem_shared>>
      tpu.enqueue_indirect_dma source(%arg12 : memref<128x128xf32, #tpu.memory_space<vmem>>) target(%dma_start3A_466 : memref<10016x128xf32, #tpu.memory_space<vmem_shared>>) offsets(%dma_start3A_463 : memref<128xi32, #tpu.memory_space<vmem>>) semaphore(%arg19 : memref<!tpu.dma_semaphore, #tpu.memory_space<semaphore_mem>>) {add = true}
      %dma_start3A_467 = arith.constant 0 : i32
      %dma_start3A_468 = arith.constant 0 : i32
      %dma_start3A_469 = tpu.memref_slice %arg11[%dma_start3A_467, %dma_start3A_468] : memref<2x128xi32, #tpu.memory_space<vmem>> -> memref<1x128xi32, #tpu.memory_space<vmem>>
      %dma_start3A_470 = tpu.memref_squeeze %dma_start3A_469 : memref<1x128xi32, #tpu.memory_space<vmem>> -> memref<128xi32, #tpu.memory_space<vmem>>
      %dma_start3A_471 = arith.constant 0 : i32
      %dma_start3A_472 = tpu.memref_slice %arg16[%dma_start3A_471] : memref<10240xf32, #tpu.memory_space<vmem_shared>> -> memref<10240xf32, #tpu.memory_space<vmem_shared>>
      tpu.enqueue_indirect_dma source(%arg14 : memref<128xf32, #tpu.memory_space<vmem>>) target(%dma_start3A_472 : memref<10240xf32, #tpu.memory_space<vmem_shared>>) offsets(%dma_start3A_470 : memref<128xi32, #tpu.memory_space<vmem>>) semaphore(%arg21 : memref<!tpu.dma_semaphore, #tpu.memory_space<semaphore_mem>>) {add = true}
      %dma_wait3A_473 = arith.constant 0 : i32
      %dma_wait3A_474 = arith.constant 0 : i32
      %dma_wait3A_475 = tpu.memref_slice %arg11[%dma_wait3A_473, %dma_wait3A_474] : memref<2x128xi32, #tpu.memory_space<vmem>> -> memref<1x128xi32, #tpu.memory_space<vmem>>
      %dma_wait3A_476 = tpu.memref_squeeze %dma_wait3A_475 : memref<1x128xi32, #tpu.memory_space<vmem>> -> memref<128xi32, #tpu.memory_space<vmem>>
      %dma_wait3A_477 = arith.constant 0 : i32
      %dma_wait3A_478 = arith.constant 0 : i32
      %dma_wait3A_479 = tpu.memref_slice %arg15[%dma_wait3A_477, %dma_wait3A_478] : memref<10016x128xf32, #tpu.memory_space<vmem_shared>> -> memref<10016x128xf32, #tpu.memory_space<vmem_shared>>
      tpu.wait_indirect_dma semaphore(%arg19 : memref<!tpu.dma_semaphore, #tpu.memory_space<semaphore_mem>>) src(%arg12 : memref<128x128xf32, #tpu.memory_space<vmem>>) dst(%dma_wait3A_479 : memref<10016x128xf32, #tpu.memory_space<vmem_shared>>)
      %dma_wait3A_480 = arith.constant 0 : i32
      %dma_wait3A_481 = arith.constant 0 : i32
      %dma_wait3A_482 = tpu.memref_slice %arg11[%dma_wait3A_480, %dma_wait3A_481] : memref<2x128xi32, #tpu.memory_space<vmem>> -> memref<1x128xi32, #tpu.memory_space<vmem>>
      %dma_wait3A_483 = tpu.memref_squeeze %dma_wait3A_482 : memref<1x128xi32, #tpu.memory_space<vmem>> -> memref<128xi32, #tpu.memory_space<vmem>>
      %dma_wait3A_484 = arith.constant 0 : i32
      %dma_wait3A_485 = tpu.memref_slice %arg16[%dma_wait3A_484] : memref<10240xf32, #tpu.memory_space<vmem_shared>> -> memref<10240xf32, #tpu.memory_space<vmem_shared>>
      tpu.wait_indirect_dma semaphore(%arg21 : memref<!tpu.dma_semaphore, #tpu.memory_space<semaphore_mem>>) src(%arg14 : memref<128xf32, #tpu.memory_space<vmem>>) dst(%dma_wait3A_485 : memref<10240xf32, #tpu.memory_space<vmem_shared>>)
      %add3A_486 = arith.constant 2 : i32
      %add3A_487 = arith.addi %mul3A_453, %add3A_486 : i32
      %lt3A = arith.cmpi slt, %add3A_487, %select_n3A : i32
      %convert_element_type3A = arith.extui %lt3A : i1 to i32
      %cond3A = arith.constant 0 : i32
      %cond3A_488 = arith.cmpi ne, %convert_element_type3A, %cond3A : i32
      scf.if %cond3A_488 {
        %get3A_532 = arith.index_cast %add3A_487 : i32 to index
        %get3A_533 = arith.constant 0 : index
        %get3A_534 = tpu.vector_load %arg9[%get3A_532, %get3A_533] {strides = array<i32>} : memref<112x128xi32, #tpu.memory_space<vmem>>, vector<1x16xi32>,
        %get3A_535 = vector.shape_cast %get3A_534 : vector<1x16xi32> to vector<16xi32>
        %shift_right_logical3A_536 = arith.constant 14 : i32
        %shift_right_logical3A_537 = vector.broadcast %shift_right_logical3A_536 : i32 to vector<16xi32>
        %shift_right_logical3A_538 = arith.shrui %get3A_535, %shift_right_logical3A_537 : vector<16xi32>
        %swap3A_539 = arith.constant 0 : i32
        %swap3A_540 = arith.index_cast %swap3A_539 : i32 to index
        %swap3A_541 = arith.constant 0 : index
        %swap3A_542 = tpu.vector_load %arg11[%swap3A_540, %swap3A_541] {strides = array<i32>} : memref<2x128xi32, #tpu.memory_space<vmem>>, vector<1x16xi32>,
        %swap3A_543 = vector.shape_cast %swap3A_542 : vector<1x16xi32> to vector<16xi32>
        %swap3A_544 = vector.shape_cast %shift_right_logical3A_538 : vector<16xi32> to vector<1x16xi32>
        tpu.vector_store %arg11[%swap3A_540, %swap3A_541], %swap3A_544 {strides = array<i32>} : memref<2x128xi32, #tpu.memory_space<vmem>>, vector<1x16xi32>,
        %and3A_545 = arith.constant 16383 : i32
        %and3A_546 = vector.broadcast %and3A_545 : i32 to vector<16xi32>
        %and3A_547 = arith.andi %get3A_535, %and3A_546 : vector<16xi32>
        %swap3A_548 = arith.constant 0 : i32
        %swap3A_549 = arith.index_cast %swap3A_548 : i32 to index
        %swap3A_550 = arith.constant 0 : index
        %swap3A_551 = tpu.vector_load %arg10[%swap3A_549, %swap3A_550] {strides = array<i32>} : memref<2x128xi32, #tpu.memory_space<vmem>>, vector<1x16xi32>,
        %swap3A_552 = vector.shape_cast %swap3A_551 : vector<1x16xi32> to vector<16xi32>
        %swap3A_553 = vector.shape_cast %and3A_547 : vector<16xi32> to vector<1x16xi32>
        tpu.vector_store %arg10[%swap3A_549, %swap3A_550], %swap3A_553 {strides = array<i32>} : memref<2x128xi32, #tpu.memory_space<vmem>>, vector<1x16xi32>,
        %get3A_554 = arith.index_cast %add3A_487 : i32 to index
        %get3A_555 = arith.constant 16 : index
        %get3A_556 = tpu.vector_load %arg9[%get3A_554, %get3A_555] {strides = array<i32>} : memref<112x128xi32, #tpu.memory_space<vmem>>, vector<1x16xi32>,
        %get3A_557 = vector.shape_cast %get3A_556 : vector<1x16xi32> to vector<16xi32>
        %shift_right_logical3A_558 = arith.constant 14 : i32
        %shift_right_logical3A_559 = vector.broadcast %shift_right_logical3A_558 : i32 to vector<16xi32>
        %shift_right_logical3A_560 = arith.shrui %get3A_557, %shift_right_logical3A_559 : vector<16xi32>
        %swap3A_561 = arith.constant 0 : i32
        %swap3A_562 = arith.index_cast %swap3A_561 : i32 to index
        %swap3A_563 = arith.constant 16 : index
        %swap3A_564 = tpu.vector_load %arg11[%swap3A_562, %swap3A_563] {strides = array<i32>} : memref<2x128xi32, #tpu.memory_space<vmem>>, vector<1x16xi32>,
        %swap3A_565 = vector.shape_cast %swap3A_564 : vector<1x16xi32> to vector<16xi32>
        %swap3A_566 = vector.shape_cast %shift_right_logical3A_560 : vector<16xi32> to vector<1x16xi32>
        tpu.vector_store %arg11[%swap3A_562, %swap3A_563], %swap3A_566 {strides = array<i32>} : memref<2x128xi32, #tpu.memory_space<vmem>>, vector<1x16xi32>,
        %and3A_567 = arith.constant 16383 : i32
        %and3A_568 = vector.broadcast %and3A_567 : i32 to vector<16xi32>
        %and3A_569 = arith.andi %get3A_557, %and3A_568 : vector<16xi32>
        %swap3A_570 = arith.constant 0 : i32
        %swap3A_571 = arith.index_cast %swap3A_570 : i32 to index
        %swap3A_572 = arith.constant 16 : index
        %swap3A_573 = tpu.vector_load %arg10[%swap3A_571, %swap3A_572] {strides = array<i32>} : memref<2x128xi32, #tpu.memory_space<vmem>>, vector<1x16xi32>,
        %swap3A_574 = vector.shape_cast %swap3A_573 : vector<1x16xi32> to vector<16xi32>
        %swap3A_575 = vector.shape_cast %and3A_569 : vector<16xi32> to vector<1x16xi32>
        tpu.vector_store %arg10[%swap3A_571, %swap3A_572], %swap3A_575 {strides = array<i32>} : memref<2x128xi32, #tpu.memory_space<vmem>>, vector<1x16xi32>,
        %get3A_576 = arith.index_cast %add3A_487 : i32 to index
        %get3A_577 = arith.constant 32 : index
        %get3A_578 = tpu.vector_load %arg9[%get3A_576, %get3A_577] {strides = array<i32>} : memref<112x128xi32, #tpu.memory_space<vmem>>, vector<1x16xi32>,
        %get3A_579 = vector.shape_cast %get3A_578 : vector<1x16xi32> to vector<16xi32>
        %shift_right_logical3A_580 = arith.constant 14 : i32
        %shift_right_logical3A_581 = vector.broadcast %shift_right_logical3A_580 : i32 to vector<16xi32>
        %shift_right_logical3A_582 = arith.shrui %get3A_579, %shift_right_logical3A_581 : vector<16xi32>
        %swap3A_583 = arith.constant 0 : i32
        %swap3A_584 = arith.index_cast %swap3A_583 : i32 to index
        %swap3A_585 = arith.constant 32 : index
        %swap3A_586 = tpu.vector_load %arg11[%swap3A_584, %swap3A_585] {strides = array<i32>} : memref<2x128xi32, #tpu.memory_space<vmem>>, vector<1x16xi32>,
        %swap3A_587 = vector.shape_cast %swap3A_586 : vector<1x16xi32> to vector<16xi32>
        %swap3A_588 = vector.shape_cast %shift_right_logical3A_582 : vector<16xi32> to vector<1x16xi32>
        tpu.vector_store %arg11[%swap3A_584, %swap3A_585], %swap3A_588 {strides = array<i32>} : memref<2x128xi32, #tpu.memory_space<vmem>>, vector<1x16xi32>,
        %and3A_589 = arith.constant 16383 : i32
        %and3A_590 = vector.broadcast %and3A_589 : i32 to vector<16xi32>
        %and3A_591 = arith.andi %get3A_579, %and3A_590 : vector<16xi32>
        %swap3A_592 = arith.constant 0 : i32
        %swap3A_593 = arith.index_cast %swap3A_592 : i32 to index
        %swap3A_594 = arith.constant 32 : index
        %swap3A_595 = tpu.vector_load %arg10[%swap3A_593, %swap3A_594] {strides = array<i32>} : memref<2x128xi32, #tpu.memory_space<vmem>>, vector<1x16xi32>,
        %swap3A_596 = vector.shape_cast %swap3A_595 : vector<1x16xi32> to vector<16xi32>
        %swap3A_597 = vector.shape_cast %and3A_591 : vector<16xi32> to vector<1x16xi32>
        tpu.vector_store %arg10[%swap3A_593, %swap3A_594], %swap3A_597 {strides = array<i32>} : memref<2x128xi32, #tpu.memory_space<vmem>>, vector<1x16xi32>,
        %get3A_598 = arith.index_cast %add3A_487 : i32 to index
        %get3A_599 = arith.constant 48 : index
        %get3A_600 = tpu.vector_load %arg9[%get3A_598, %get3A_599] {strides = array<i32>} : memref<112x128xi32, #tpu.memory_space<vmem>>, vector<1x16xi32>,
        %get3A_601 = vector.shape_cast %get3A_600 : vector<1x16xi32> to vector<16xi32>
        %shift_right_logical3A_602 = arith.constant 14 : i32
        %shift_right_logical3A_603 = vector.broadcast %shift_right_logical3A_602 : i32 to vector<16xi32>
        %shift_right_logical3A_604 = arith.shrui %get3A_601, %shift_right_logical3A_603 : vector<16xi32>
        %swap3A_605 = arith.constant 0 : i32
        %swap3A_606 = arith.index_cast %swap3A_605 : i32 to index
        %swap3A_607 = arith.constant 48 : index
        %swap3A_608 = tpu.vector_load %arg11[%swap3A_606, %swap3A_607] {strides = array<i32>} : memref<2x128xi32, #tpu.memory_space<vmem>>, vector<1x16xi32>,
        %swap3A_609 = vector.shape_cast %swap3A_608 : vector<1x16xi32> to vector<16xi32>
        %swap3A_610 = vector.shape_cast %shift_right_logical3A_604 : vector<16xi32> to vector<1x16xi32>
        tpu.vector_store %arg11[%swap3A_606, %swap3A_607], %swap3A_610 {strides = array<i32>} : memref<2x128xi32, #tpu.memory_space<vmem>>, vector<1x16xi32>,
        %and3A_611 = arith.constant 16383 : i32
        %and3A_612 = vector.broadcast %and3A_611 : i32 to vector<16xi32>
        %and3A_613 = arith.andi %get3A_601, %and3A_612 : vector<16xi32>
        %swap3A_614 = arith.constant 0 : i32
        %swap3A_615 = arith.index_cast %swap3A_614 : i32 to index
        %swap3A_616 = arith.constant 48 : index
        %swap3A_617 = tpu.vector_load %arg10[%swap3A_615, %swap3A_616] {strides = array<i32>} : memref<2x128xi32, #tpu.memory_space<vmem>>, vector<1x16xi32>,
        %swap3A_618 = vector.shape_cast %swap3A_617 : vector<1x16xi32> to vector<16xi32>
        %swap3A_619 = vector.shape_cast %and3A_613 : vector<16xi32> to vector<1x16xi32>
        tpu.vector_store %arg10[%swap3A_615, %swap3A_616], %swap3A_619 {strides = array<i32>} : memref<2x128xi32, #tpu.memory_space<vmem>>, vector<1x16xi32>,
        %get3A_620 = arith.index_cast %add3A_487 : i32 to index
        %get3A_621 = arith.constant 64 : index
        %get3A_622 = tpu.vector_load %arg9[%get3A_620, %get3A_621] {strides = array<i32>} : memref<112x128xi32, #tpu.memory_space<vmem>>, vector<1x16xi32>,
        %get3A_623 = vector.shape_cast %get3A_622 : vector<1x16xi32> to vector<16xi32>
        %shift_right_logical3A_624 = arith.constant 14 : i32
        %shift_right_logical3A_625 = vector.broadcast %shift_right_logical3A_624 : i32 to vector<16xi32>
        %shift_right_logical3A_626 = arith.shrui %get3A_623, %shift_right_logical3A_625 : vector<16xi32>
        %swap3A_627 = arith.constant 0 : i32
        %swap3A_628 = arith.index_cast %swap3A_627 : i32 to index
        %swap3A_629 = arith.constant 64 : index
        %swap3A_630 = tpu.vector_load %arg11[%swap3A_628, %swap3A_629] {strides = array<i32>} : memref<2x128xi32, #tpu.memory_space<vmem>>, vector<1x16xi32>,
        %swap3A_631 = vector.shape_cast %swap3A_630 : vector<1x16xi32> to vector<16xi32>
        %swap3A_632 = vector.shape_cast %shift_right_logical3A_626 : vector<16xi32> to vector<1x16xi32>
        tpu.vector_store %arg11[%swap3A_628, %swap3A_629], %swap3A_632 {strides = array<i32>} : memref<2x128xi32, #tpu.memory_space<vmem>>, vector<1x16xi32>,
        %and3A_633 = arith.constant 16383 : i32
        %and3A_634 = vector.broadcast %and3A_633 : i32 to vector<16xi32>
        %and3A_635 = arith.andi %get3A_623, %and3A_634 : vector<16xi32>
        %swap3A_636 = arith.constant 0 : i32
        %swap3A_637 = arith.index_cast %swap3A_636 : i32 to index
        %swap3A_638 = arith.constant 64 : index
        %swap3A_639 = tpu.vector_load %arg10[%swap3A_637, %swap3A_638] {strides = array<i32>} : memref<2x128xi32, #tpu.memory_space<vmem>>, vector<1x16xi32>,
        %swap3A_640 = vector.shape_cast %swap3A_639 : vector<1x16xi32> to vector<16xi32>
        %swap3A_641 = vector.shape_cast %and3A_635 : vector<16xi32> to vector<1x16xi32>
        tpu.vector_store %arg10[%swap3A_637, %swap3A_638], %swap3A_641 {strides = array<i32>} : memref<2x128xi32, #tpu.memory_space<vmem>>, vector<1x16xi32>,
        %get3A_642 = arith.index_cast %add3A_487 : i32 to index
        %get3A_643 = arith.constant 80 : index
        %get3A_644 = tpu.vector_load %arg9[%get3A_642, %get3A_643] {strides = array<i32>} : memref<112x128xi32, #tpu.memory_space<vmem>>, vector<1x16xi32>,
        %get3A_645 = vector.shape_cast %get3A_644 : vector<1x16xi32> to vector<16xi32>
        %shift_right_logical3A_646 = arith.constant 14 : i32
        %shift_right_logical3A_647 = vector.broadcast %shift_right_logical3A_646 : i32 to vector<16xi32>
        %shift_right_logical3A_648 = arith.shrui %get3A_645, %shift_right_logical3A_647 : vector<16xi32>
        %swap3A_649 = arith.constant 0 : i32
        %swap3A_650 = arith.index_cast %swap3A_649 : i32 to index
        %swap3A_651 = arith.constant 80 : index
        %swap3A_652 = tpu.vector_load %arg11[%swap3A_650, %swap3A_651] {strides = array<i32>} : memref<2x128xi32, #tpu.memory_space<vmem>>, vector<1x16xi32>,
        %swap3A_653 = vector.shape_cast %swap3A_652 : vector<1x16xi32> to vector<16xi32>
        %swap3A_654 = vector.shape_cast %shift_right_logical3A_648 : vector<16xi32> to vector<1x16xi32>
        tpu.vector_store %arg11[%swap3A_650, %swap3A_651], %swap3A_654 {strides = array<i32>} : memref<2x128xi32, #tpu.memory_space<vmem>>, vector<1x16xi32>,
        %and3A_655 = arith.constant 16383 : i32
        %and3A_656 = vector.broadcast %and3A_655 : i32 to vector<16xi32>
        %and3A_657 = arith.andi %get3A_645, %and3A_656 : vector<16xi32>
        %swap3A_658 = arith.constant 0 : i32
        %swap3A_659 = arith.index_cast %swap3A_658 : i32 to index
        %swap3A_660 = arith.constant 80 : index
        %swap3A_661 = tpu.vector_load %arg10[%swap3A_659, %swap3A_660] {strides = array<i32>} : memref<2x128xi32, #tpu.memory_space<vmem>>, vector<1x16xi32>,
        %swap3A_662 = vector.shape_cast %swap3A_661 : vector<1x16xi32> to vector<16xi32>
        %swap3A_663 = vector.shape_cast %and3A_657 : vector<16xi32> to vector<1x16xi32>
        tpu.vector_store %arg10[%swap3A_659, %swap3A_660], %swap3A_663 {strides = array<i32>} : memref<2x128xi32, #tpu.memory_space<vmem>>, vector<1x16xi32>,
        %get3A_664 = arith.index_cast %add3A_487 : i32 to index
        %get3A_665 = arith.constant 96 : index
        %get3A_666 = tpu.vector_load %arg9[%get3A_664, %get3A_665] {strides = array<i32>} : memref<112x128xi32, #tpu.memory_space<vmem>>, vector<1x16xi32>,
        %get3A_667 = vector.shape_cast %get3A_666 : vector<1x16xi32> to vector<16xi32>
        %shift_right_logical3A_668 = arith.constant 14 : i32
        %shift_right_logical3A_669 = vector.broadcast %shift_right_logical3A_668 : i32 to vector<16xi32>
        %shift_right_logical3A_670 = arith.shrui %get3A_667, %shift_right_logical3A_669 : vector<16xi32>
        %swap3A_671 = arith.constant 0 : i32
        %swap3A_672 = arith.index_cast %swap3A_671 : i32 to index
        %swap3A_673 = arith.constant 96 : index
        %swap3A_674 = tpu.vector_load %arg11[%swap3A_672, %swap3A_673] {strides = array<i32>} : memref<2x128xi32, #tpu.memory_space<vmem>>, vector<1x16xi32>,
        %swap3A_675 = vector.shape_cast %swap3A_674 : vector<1x16xi32> to vector<16xi32>
        %swap3A_676 = vector.shape_cast %shift_right_logical3A_670 : vector<16xi32> to vector<1x16xi32>
        tpu.vector_store %arg11[%swap3A_672, %swap3A_673], %swap3A_676 {strides = array<i32>} : memref<2x128xi32, #tpu.memory_space<vmem>>, vector<1x16xi32>,
        %and3A_677 = arith.constant 16383 : i32
        %and3A_678 = vector.broadcast %and3A_677 : i32 to vector<16xi32>
        %and3A_679 = arith.andi %get3A_667, %and3A_678 : vector<16xi32>
        %swap3A_680 = arith.constant 0 : i32
        %swap3A_681 = arith.index_cast %swap3A_680 : i32 to index
        %swap3A_682 = arith.constant 96 : index
        %swap3A_683 = tpu.vector_load %arg10[%swap3A_681, %swap3A_682] {strides = array<i32>} : memref<2x128xi32, #tpu.memory_space<vmem>>, vector<1x16xi32>,
        %swap3A_684 = vector.shape_cast %swap3A_683 : vector<1x16xi32> to vector<16xi32>
        %swap3A_685 = vector.shape_cast %and3A_679 : vector<16xi32> to vector<1x16xi32>
        tpu.vector_store %arg10[%swap3A_681, %swap3A_682], %swap3A_685 {strides = array<i32>} : memref<2x128xi32, #tpu.memory_space<vmem>>, vector<1x16xi32>,
        %get3A_686 = arith.index_cast %add3A_487 : i32 to index
        %get3A_687 = arith.constant 112 : index
        %get3A_688 = tpu.vector_load %arg9[%get3A_686, %get3A_687] {strides = array<i32>} : memref<112x128xi32, #tpu.memory_space<vmem>>, vector<1x16xi32>,
        %get3A_689 = vector.shape_cast %get3A_688 : vector<1x16xi32> to vector<16xi32>
        %shift_right_logical3A_690 = arith.constant 14 : i32
        %shift_right_logical3A_691 = vector.broadcast %shift_right_logical3A_690 : i32 to vector<16xi32>
        %shift_right_logical3A_692 = arith.shrui %get3A_689, %shift_right_logical3A_691 : vector<16xi32>
        %swap3A_693 = arith.constant 0 : i32
        %swap3A_694 = arith.index_cast %swap3A_693 : i32 to index
        %swap3A_695 = arith.constant 112 : index
        %swap3A_696 = tpu.vector_load %arg11[%swap3A_694, %swap3A_695] {strides = array<i32>} : memref<2x128xi32, #tpu.memory_space<vmem>>, vector<1x16xi32>,
        %swap3A_697 = vector.shape_cast %swap3A_696 : vector<1x16xi32> to vector<16xi32>
        %swap3A_698 = vector.shape_cast %shift_right_logical3A_692 : vector<16xi32> to vector<1x16xi32>
        tpu.vector_store %arg11[%swap3A_694, %swap3A_695], %swap3A_698 {strides = array<i32>} : memref<2x128xi32, #tpu.memory_space<vmem>>, vector<1x16xi32>,
        %and3A_699 = arith.constant 16383 : i32
        %and3A_700 = vector.broadcast %and3A_699 : i32 to vector<16xi32>
        %and3A_701 = arith.andi %get3A_689, %and3A_700 : vector<16xi32>
        %swap3A_702 = arith.constant 0 : i32
        %swap3A_703 = arith.index_cast %swap3A_702 : i32 to index
        %swap3A_704 = arith.constant 112 : index
        %swap3A_705 = tpu.vector_load %arg10[%swap3A_703, %swap3A_704] {strides = array<i32>} : memref<2x128xi32, #tpu.memory_space<vmem>>, vector<1x16xi32>,
        %swap3A_706 = vector.shape_cast %swap3A_705 : vector<1x16xi32> to vector<16xi32>
        %swap3A_707 = vector.shape_cast %and3A_701 : vector<16xi32> to vector<1x16xi32>
        tpu.vector_store %arg10[%swap3A_703, %swap3A_704], %swap3A_707 {strides = array<i32>} : memref<2x128xi32, #tpu.memory_space<vmem>>, vector<1x16xi32>,
        %dma_start3A_708 = arith.constant 0 : i32
        %dma_start3A_709 = arith.constant 0 : i32
        %dma_start3A_710 = tpu.memref_slice %arg10[%dma_start3A_708, %dma_start3A_709] : memref<2x128xi32, #tpu.memory_space<vmem>> -> memref<1x128xi32, #tpu.memory_space<vmem>>
        %dma_start3A_711 = tpu.memref_squeeze %dma_start3A_710 : memref<1x128xi32, #tpu.memory_space<vmem>> -> memref<128xi32, #tpu.memory_space<vmem>>
        %dma_start3A_712 = arith.constant 0 : i32
        %dma_start3A_713 = arith.constant 0 : i32
        %dma_start3A_714 = tpu.memref_slice %arg2[%dma_start3A_712, %dma_start3A_713] : memref<10000x128xf32, #tpu.memory_space<hbm>> -> memref<10000x128xf32, #tpu.memory_space<hbm>>
        tpu.enqueue_indirect_dma source(%dma_start3A_714 : memref<10000x128xf32, #tpu.memory_space<hbm>>) target(%arg12 : memref<128x128xf32, #tpu.memory_space<vmem>>) offsets(%dma_start3A_711 : memref<128xi32, #tpu.memory_space<vmem>>) semaphore(%arg17 : memref<!tpu.dma_semaphore, #tpu.memory_space<semaphore_mem>>)
      } else {
      }
      %mul3A_489 = arith.constant 2 : i32
      %mul3A_490 = arith.muli %mul3A_489, %while3A_451 : i32
      %add3A_491 = arith.constant 1 : i32
      %add3A_492 = arith.addi %mul3A_490, %add3A_491 : i32
      %dma_wait3A_493 = arith.constant 1 : i32
      %dma_wait3A_494 = arith.constant 0 : i32
      %dma_wait3A_495 = tpu.memref_slice %arg10[%dma_wait3A_493, %dma_wait3A_494] : memref<2x128xi32, #tpu.memory_space<vmem>> -> memref<1x128xi32, #tpu.memory_space<vmem>>
      %dma_wait3A_496 = tpu.memref_squeeze %dma_wait3A_495 : memref<1x128xi32, #tpu.memory_space<vmem>> -> memref<128xi32, #tpu.memory_space<vmem>>
      %dma_wait3A_497 = arith.constant 0 : i32
      %dma_wait3A_498 = arith.constant 0 : i32
      %dma_wait3A_499 = tpu.memref_slice %arg2[%dma_wait3A_497, %dma_wait3A_498] : memref<10000x128xf32, #tpu.memory_space<hbm>> -> memref<10000x128xf32, #tpu.memory_space<hbm>>
      tpu.wait_indirect_dma semaphore(%arg18 : memref<!tpu.dma_semaphore, #tpu.memory_space<semaphore_mem>>) src(%dma_wait3A_499 : memref<10000x128xf32, #tpu.memory_space<hbm>>) dst(%arg13 : memref<128x128xf32, #tpu.memory_space<vmem>>)
      %dma_start3A_500 = arith.constant 1 : i32
      %dma_start3A_501 = arith.constant 0 : i32
      %dma_start3A_502 = tpu.memref_slice %arg11[%dma_start3A_500, %dma_start3A_501] : memref<2x128xi32, #tpu.memory_space<vmem>> -> memref<1x128xi32, #tpu.memory_space<vmem>>
      %dma_start3A_503 = tpu.memref_squeeze %dma_start3A_502 : memref<1x128xi32, #tpu.memory_space<vmem>> -> memref<128xi32, #tpu.memory_space<vmem>>
      %dma_start3A_504 = arith.constant 0 : i32
      %dma_start3A_505 = arith.constant 0 : i32
      %dma_start3A_506 = tpu.memref_slice %arg15[%dma_start3A_504, %dma_start3A_505] : memref<10016x128xf32, #tpu.memory_space<vmem_shared>> -> memref<10016x128xf32, #tpu.memory_space<vmem_shared>>
      tpu.enqueue_indirect_dma source(%arg13 : memref<128x128xf32, #tpu.memory_space<vmem>>) target(%dma_start3A_506 : memref<10016x128xf32, #tpu.memory_space<vmem_shared>>) offsets(%dma_start3A_503 : memref<128xi32, #tpu.memory_space<vmem>>) semaphore(%arg20 : memref<!tpu.dma_semaphore, #tpu.memory_space<semaphore_mem>>) {add = true}
      %dma_start3A_507 = arith.constant 1 : i32
      %dma_start3A_508 = arith.constant 0 : i32
      %dma_start3A_509 = tpu.memref_slice %arg11[%dma_start3A_507, %dma_start3A_508] : memref<2x128xi32, #tpu.memory_space<vmem>> -> memref<1x128xi32, #tpu.memory_space<vmem>>
      %dma_start3A_510 = tpu.memref_squeeze %dma_start3A_509 : memref<1x128xi32, #tpu.memory_space<vmem>> -> memref<128xi32, #tpu.memory_space<vmem>>
      %dma_start3A_511 = arith.constant 0 : i32
      %dma_start3A_512 = tpu.memref_slice %arg16[%dma_start3A_511] : memref<10240xf32, #tpu.memory_space<vmem_shared>> -> memref<10240xf32, #tpu.memory_space<vmem_shared>>
      tpu.enqueue_indirect_dma source(%arg14 : memref<128xf32, #tpu.memory_space<vmem>>) target(%dma_start3A_512 : memref<10240xf32, #tpu.memory_space<vmem_shared>>) offsets(%dma_start3A_510 : memref<128xi32, #tpu.memory_space<vmem>>) semaphore(%arg21 : memref<!tpu.dma_semaphore, #tpu.memory_space<semaphore_mem>>) {add = true}
      %dma_wait3A_513 = arith.constant 1 : i32
      %dma_wait3A_514 = arith.constant 0 : i32
      %dma_wait3A_515 = tpu.memref_slice %arg11[%dma_wait3A_513, %dma_wait3A_514] : memref<2x128xi32, #tpu.memory_space<vmem>> -> memref<1x128xi32, #tpu.memory_space<vmem>>
      %dma_wait3A_516 = tpu.memref_squeeze %dma_wait3A_515 : memref<1x128xi32, #tpu.memory_space<vmem>> -> memref<128xi32, #tpu.memory_space<vmem>>
      %dma_wait3A_517 = arith.constant 0 : i32
      %dma_wait3A_518 = arith.constant 0 : i32
      %dma_wait3A_519 = tpu.memref_slice %arg15[%dma_wait3A_517, %dma_wait3A_518] : memref<10016x128xf32, #tpu.memory_space<vmem_shared>> -> memref<10016x128xf32, #tpu.memory_space<vmem_shared>>
      tpu.wait_indirect_dma semaphore(%arg20 : memref<!tpu.dma_semaphore, #tpu.memory_space<semaphore_mem>>) src(%arg13 : memref<128x128xf32, #tpu.memory_space<vmem>>) dst(%dma_wait3A_519 : memref<10016x128xf32, #tpu.memory_space<vmem_shared>>)
      %dma_wait3A_520 = arith.constant 1 : i32
      %dma_wait3A_521 = arith.constant 0 : i32
      %dma_wait3A_522 = tpu.memref_slice %arg11[%dma_wait3A_520, %dma_wait3A_521] : memref<2x128xi32, #tpu.memory_space<vmem>> -> memref<1x128xi32, #tpu.memory_space<vmem>>
      %dma_wait3A_523 = tpu.memref_squeeze %dma_wait3A_522 : memref<1x128xi32, #tpu.memory_space<vmem>> -> memref<128xi32, #tpu.memory_space<vmem>>
      %dma_wait3A_524 = arith.constant 0 : i32
      %dma_wait3A_525 = tpu.memref_slice %arg16[%dma_wait3A_524] : memref<10240xf32, #tpu.memory_space<vmem_shared>> -> memref<10240xf32, #tpu.memory_space<vmem_shared>>
      tpu.wait_indirect_dma semaphore(%arg21 : memref<!tpu.dma_semaphore, #tpu.memory_space<semaphore_mem>>) src(%arg14 : memref<128xf32, #tpu.memory_space<vmem>>) dst(%dma_wait3A_525 : memref<10240xf32, #tpu.memory_space<vmem_shared>>)
      %add3A_526 = arith.constant 2 : i32
      %add3A_527 = arith.addi %add3A_492, %add3A_526 : i32
      %lt3A_528 = arith.cmpi slt, %add3A_527, %select_n3A : i32
      %convert_element_type3A_529 = arith.extui %lt3A_528 : i1 to i32
      %cond3A_530 = arith.constant 0 : i32
      %cond3A_531 = arith.cmpi ne, %convert_element_type3A_529, %cond3A_530 : i32
      scf.if %cond3A_531 {
        %get3A_532 = arith.index_cast %add3A_527 : i32 to index
        %get3A_533 = arith.constant 0 : index
        %get3A_534 = tpu.vector_load %arg9[%get3A_532, %get3A_533] {strides = array<i32>} : memref<112x128xi32, #tpu.memory_space<vmem>>, vector<1x16xi32>,
        %get3A_535 = vector.shape_cast %get3A_534 : vector<1x16xi32> to vector<16xi32>
        %shift_right_logical3A_536 = arith.constant 14 : i32
        %shift_right_logical3A_537 = vector.broadcast %shift_right_logical3A_536 : i32 to vector<16xi32>
        %shift_right_logical3A_538 = arith.shrui %get3A_535, %shift_right_logical3A_537 : vector<16xi32>
        %swap3A_539 = arith.constant 1 : i32
        %swap3A_540 = arith.index_cast %swap3A_539 : i32 to index
        %swap3A_541 = arith.constant 0 : index
        %swap3A_542 = tpu.vector_load %arg11[%swap3A_540, %swap3A_541] {strides = array<i32>} : memref<2x128xi32, #tpu.memory_space<vmem>>, vector<1x16xi32>,
        %swap3A_543 = vector.shape_cast %swap3A_542 : vector<1x16xi32> to vector<16xi32>
        %swap3A_544 = vector.shape_cast %shift_right_logical3A_538 : vector<16xi32> to vector<1x16xi32>
        tpu.vector_store %arg11[%swap3A_540, %swap3A_541], %swap3A_544 {strides = array<i32>} : memref<2x128xi32, #tpu.memory_space<vmem>>, vector<1x16xi32>,
        %and3A_545 = arith.constant 16383 : i32
        %and3A_546 = vector.broadcast %and3A_545 : i32 to vector<16xi32>
        %and3A_547 = arith.andi %get3A_535, %and3A_546 : vector<16xi32>
        %swap3A_548 = arith.constant 1 : i32
        %swap3A_549 = arith.index_cast %swap3A_548 : i32 to index
        %swap3A_550 = arith.constant 0 : index
        %swap3A_551 = tpu.vector_load %arg10[%swap3A_549, %swap3A_550] {strides = array<i32>} : memref<2x128xi32, #tpu.memory_space<vmem>>, vector<1x16xi32>,
        %swap3A_552 = vector.shape_cast %swap3A_551 : vector<1x16xi32> to vector<16xi32>
        %swap3A_553 = vector.shape_cast %and3A_547 : vector<16xi32> to vector<1x16xi32>
        tpu.vector_store %arg10[%swap3A_549, %swap3A_550], %swap3A_553 {strides = array<i32>} : memref<2x128xi32, #tpu.memory_space<vmem>>, vector<1x16xi32>,
        %get3A_554 = arith.index_cast %add3A_527 : i32 to index
        %get3A_555 = arith.constant 16 : index
        %get3A_556 = tpu.vector_load %arg9[%get3A_554, %get3A_555] {strides = array<i32>} : memref<112x128xi32, #tpu.memory_space<vmem>>, vector<1x16xi32>,
        %get3A_557 = vector.shape_cast %get3A_556 : vector<1x16xi32> to vector<16xi32>
        %shift_right_logical3A_558 = arith.constant 14 : i32
        %shift_right_logical3A_559 = vector.broadcast %shift_right_logical3A_558 : i32 to vector<16xi32>
        %shift_right_logical3A_560 = arith.shrui %get3A_557, %shift_right_logical3A_559 : vector<16xi32>
        %swap3A_561 = arith.constant 1 : i32
        %swap3A_562 = arith.index_cast %swap3A_561 : i32 to index
        %swap3A_563 = arith.constant 16 : index
        %swap3A_564 = tpu.vector_load %arg11[%swap3A_562, %swap3A_563] {strides = array<i32>} : memref<2x128xi32, #tpu.memory_space<vmem>>, vector<1x16xi32>,
        %swap3A_565 = vector.shape_cast %swap3A_564 : vector<1x16xi32> to vector<16xi32>
        %swap3A_566 = vector.shape_cast %shift_right_logical3A_560 : vector<16xi32> to vector<1x16xi32>
        tpu.vector_store %arg11[%swap3A_562, %swap3A_563], %swap3A_566 {strides = array<i32>} : memref<2x128xi32, #tpu.memory_space<vmem>>, vector<1x16xi32>,
        %and3A_567 = arith.constant 16383 : i32
        %and3A_568 = vector.broadcast %and3A_567 : i32 to vector<16xi32>
        %and3A_569 = arith.andi %get3A_557, %and3A_568 : vector<16xi32>
        %swap3A_570 = arith.constant 1 : i32
        %swap3A_571 = arith.index_cast %swap3A_570 : i32 to index
        %swap3A_572 = arith.constant 16 : index
        %swap3A_573 = tpu.vector_load %arg10[%swap3A_571, %swap3A_572] {strides = array<i32>} : memref<2x128xi32, #tpu.memory_space<vmem>>, vector<1x16xi32>,
        %swap3A_574 = vector.shape_cast %swap3A_573 : vector<1x16xi32> to vector<16xi32>
        %swap3A_575 = vector.shape_cast %and3A_569 : vector<16xi32> to vector<1x16xi32>
        tpu.vector_store %arg10[%swap3A_571, %swap3A_572], %swap3A_575 {strides = array<i32>} : memref<2x128xi32, #tpu.memory_space<vmem>>, vector<1x16xi32>,
        %get3A_576 = arith.index_cast %add3A_527 : i32 to index
        %get3A_577 = arith.constant 32 : index
        %get3A_578 = tpu.vector_load %arg9[%get3A_576, %get3A_577] {strides = array<i32>} : memref<112x128xi32, #tpu.memory_space<vmem>>, vector<1x16xi32>,
        %get3A_579 = vector.shape_cast %get3A_578 : vector<1x16xi32> to vector<16xi32>
        %shift_right_logical3A_580 = arith.constant 14 : i32
        %shift_right_logical3A_581 = vector.broadcast %shift_right_logical3A_580 : i32 to vector<16xi32>
        %shift_right_logical3A_582 = arith.shrui %get3A_579, %shift_right_logical3A_581 : vector<16xi32>
        %swap3A_583 = arith.constant 1 : i32
        %swap3A_584 = arith.index_cast %swap3A_583 : i32 to index
        %swap3A_585 = arith.constant 32 : index
        %swap3A_586 = tpu.vector_load %arg11[%swap3A_584, %swap3A_585] {strides = array<i32>} : memref<2x128xi32, #tpu.memory_space<vmem>>, vector<1x16xi32>,
        %swap3A_587 = vector.shape_cast %swap3A_586 : vector<1x16xi32> to vector<16xi32>
        %swap3A_588 = vector.shape_cast %shift_right_logical3A_582 : vector<16xi32> to vector<1x16xi32>
        tpu.vector_store %arg11[%swap3A_584, %swap3A_585], %swap3A_588 {strides = array<i32>} : memref<2x128xi32, #tpu.memory_space<vmem>>, vector<1x16xi32>,
        %and3A_589 = arith.constant 16383 : i32
        %and3A_590 = vector.broadcast %and3A_589 : i32 to vector<16xi32>
        %and3A_591 = arith.andi %get3A_579, %and3A_590 : vector<16xi32>
        %swap3A_592 = arith.constant 1 : i32
        %swap3A_593 = arith.index_cast %swap3A_592 : i32 to index
        %swap3A_594 = arith.constant 32 : index
        %swap3A_595 = tpu.vector_load %arg10[%swap3A_593, %swap3A_594] {strides = array<i32>} : memref<2x128xi32, #tpu.memory_space<vmem>>, vector<1x16xi32>,
        %swap3A_596 = vector.shape_cast %swap3A_595 : vector<1x16xi32> to vector<16xi32>
        %swap3A_597 = vector.shape_cast %and3A_591 : vector<16xi32> to vector<1x16xi32>
        tpu.vector_store %arg10[%swap3A_593, %swap3A_594], %swap3A_597 {strides = array<i32>} : memref<2x128xi32, #tpu.memory_space<vmem>>, vector<1x16xi32>,
        %get3A_598 = arith.index_cast %add3A_527 : i32 to index
        %get3A_599 = arith.constant 48 : index
        %get3A_600 = tpu.vector_load %arg9[%get3A_598, %get3A_599] {strides = array<i32>} : memref<112x128xi32, #tpu.memory_space<vmem>>, vector<1x16xi32>,
        %get3A_601 = vector.shape_cast %get3A_600 : vector<1x16xi32> to vector<16xi32>
        %shift_right_logical3A_602 = arith.constant 14 : i32
        %shift_right_logical3A_603 = vector.broadcast %shift_right_logical3A_602 : i32 to vector<16xi32>
        %shift_right_logical3A_604 = arith.shrui %get3A_601, %shift_right_logical3A_603 : vector<16xi32>
        %swap3A_605 = arith.constant 1 : i32
        %swap3A_606 = arith.index_cast %swap3A_605 : i32 to index
        %swap3A_607 = arith.constant 48 : index
        %swap3A_608 = tpu.vector_load %arg11[%swap3A_606, %swap3A_607] {strides = array<i32>} : memref<2x128xi32, #tpu.memory_space<vmem>>, vector<1x16xi32>,
        %swap3A_609 = vector.shape_cast %swap3A_608 : vector<1x16xi32> to vector<16xi32>
        %swap3A_610 = vector.shape_cast %shift_right_logical3A_604 : vector<16xi32> to vector<1x16xi32>
        tpu.vector_store %arg11[%swap3A_606, %swap3A_607], %swap3A_610 {strides = array<i32>} : memref<2x128xi32, #tpu.memory_space<vmem>>, vector<1x16xi32>,
        %and3A_611 = arith.constant 16383 : i32
        %and3A_612 = vector.broadcast %and3A_611 : i32 to vector<16xi32>
        %and3A_613 = arith.andi %get3A_601, %and3A_612 : vector<16xi32>
        %swap3A_614 = arith.constant 1 : i32
        %swap3A_615 = arith.index_cast %swap3A_614 : i32 to index
        %swap3A_616 = arith.constant 48 : index
        %swap3A_617 = tpu.vector_load %arg10[%swap3A_615, %swap3A_616] {strides = array<i32>} : memref<2x128xi32, #tpu.memory_space<vmem>>, vector<1x16xi32>,
        %swap3A_618 = vector.shape_cast %swap3A_617 : vector<1x16xi32> to vector<16xi32>
        %swap3A_619 = vector.shape_cast %and3A_613 : vector<16xi32> to vector<1x16xi32>
        tpu.vector_store %arg10[%swap3A_615, %swap3A_616], %swap3A_619 {strides = array<i32>} : memref<2x128xi32, #tpu.memory_space<vmem>>, vector<1x16xi32>,
        %get3A_620 = arith.index_cast %add3A_527 : i32 to index
        %get3A_621 = arith.constant 64 : index
        %get3A_622 = tpu.vector_load %arg9[%get3A_620, %get3A_621] {strides = array<i32>} : memref<112x128xi32, #tpu.memory_space<vmem>>, vector<1x16xi32>,
        %get3A_623 = vector.shape_cast %get3A_622 : vector<1x16xi32> to vector<16xi32>
        %shift_right_logical3A_624 = arith.constant 14 : i32
        %shift_right_logical3A_625 = vector.broadcast %shift_right_logical3A_624 : i32 to vector<16xi32>
        %shift_right_logical3A_626 = arith.shrui %get3A_623, %shift_right_logical3A_625 : vector<16xi32>
        %swap3A_627 = arith.constant 1 : i32
        %swap3A_628 = arith.index_cast %swap3A_627 : i32 to index
        %swap3A_629 = arith.constant 64 : index
        %swap3A_630 = tpu.vector_load %arg11[%swap3A_628, %swap3A_629] {strides = array<i32>} : memref<2x128xi32, #tpu.memory_space<vmem>>, vector<1x16xi32>,
        %swap3A_631 = vector.shape_cast %swap3A_630 : vector<1x16xi32> to vector<16xi32>
        %swap3A_632 = vector.shape_cast %shift_right_logical3A_626 : vector<16xi32> to vector<1x16xi32>
        tpu.vector_store %arg11[%swap3A_628, %swap3A_629], %swap3A_632 {strides = array<i32>} : memref<2x128xi32, #tpu.memory_space<vmem>>, vector<1x16xi32>,
        %and3A_633 = arith.constant 16383 : i32
        %and3A_634 = vector.broadcast %and3A_633 : i32 to vector<16xi32>
        %and3A_635 = arith.andi %get3A_623, %and3A_634 : vector<16xi32>
        %swap3A_636 = arith.constant 1 : i32
        %swap3A_637 = arith.index_cast %swap3A_636 : i32 to index
        %swap3A_638 = arith.constant 64 : index
        %swap3A_639 = tpu.vector_load %arg10[%swap3A_637, %swap3A_638] {strides = array<i32>} : memref<2x128xi32, #tpu.memory_space<vmem>>, vector<1x16xi32>,
        %swap3A_640 = vector.shape_cast %swap3A_639 : vector<1x16xi32> to vector<16xi32>
        %swap3A_641 = vector.shape_cast %and3A_635 : vector<16xi32> to vector<1x16xi32>
        tpu.vector_store %arg10[%swap3A_637, %swap3A_638], %swap3A_641 {strides = array<i32>} : memref<2x128xi32, #tpu.memory_space<vmem>>, vector<1x16xi32>,
        %get3A_642 = arith.index_cast %add3A_527 : i32 to index
        %get3A_643 = arith.constant 80 : index
        %get3A_644 = tpu.vector_load %arg9[%get3A_642, %get3A_643] {strides = array<i32>} : memref<112x128xi32, #tpu.memory_space<vmem>>, vector<1x16xi32>,
        %get3A_645 = vector.shape_cast %get3A_644 : vector<1x16xi32> to vector<16xi32>
        %shift_right_logical3A_646 = arith.constant 14 : i32
        %shift_right_logical3A_647 = vector.broadcast %shift_right_logical3A_646 : i32 to vector<16xi32>
        %shift_right_logical3A_648 = arith.shrui %get3A_645, %shift_right_logical3A_647 : vector<16xi32>
        %swap3A_649 = arith.constant 1 : i32
        %swap3A_650 = arith.index_cast %swap3A_649 : i32 to index
        %swap3A_651 = arith.constant 80 : index
        %swap3A_652 = tpu.vector_load %arg11[%swap3A_650, %swap3A_651] {strides = array<i32>} : memref<2x128xi32, #tpu.memory_space<vmem>>, vector<1x16xi32>,
        %swap3A_653 = vector.shape_cast %swap3A_652 : vector<1x16xi32> to vector<16xi32>
        %swap3A_654 = vector.shape_cast %shift_right_logical3A_648 : vector<16xi32> to vector<1x16xi32>
        tpu.vector_store %arg11[%swap3A_650, %swap3A_651], %swap3A_654 {strides = array<i32>} : memref<2x128xi32, #tpu.memory_space<vmem>>, vector<1x16xi32>,
        %and3A_655 = arith.constant 16383 : i32
        %and3A_656 = vector.broadcast %and3A_655 : i32 to vector<16xi32>
        %and3A_657 = arith.andi %get3A_645, %and3A_656 : vector<16xi32>
        %swap3A_658 = arith.constant 1 : i32
        %swap3A_659 = arith.index_cast %swap3A_658 : i32 to index
        %swap3A_660 = arith.constant 80 : index
        %swap3A_661 = tpu.vector_load %arg10[%swap3A_659, %swap3A_660] {strides = array<i32>} : memref<2x128xi32, #tpu.memory_space<vmem>>, vector<1x16xi32>,
        %swap3A_662 = vector.shape_cast %swap3A_661 : vector<1x16xi32> to vector<16xi32>
        %swap3A_663 = vector.shape_cast %and3A_657 : vector<16xi32> to vector<1x16xi32>
        tpu.vector_store %arg10[%swap3A_659, %swap3A_660], %swap3A_663 {strides = array<i32>} : memref<2x128xi32, #tpu.memory_space<vmem>>, vector<1x16xi32>,
        %get3A_664 = arith.index_cast %add3A_527 : i32 to index
        %get3A_665 = arith.constant 96 : index
        %get3A_666 = tpu.vector_load %arg9[%get3A_664, %get3A_665] {strides = array<i32>} : memref<112x128xi32, #tpu.memory_space<vmem>>, vector<1x16xi32>,
        %get3A_667 = vector.shape_cast %get3A_666 : vector<1x16xi32> to vector<16xi32>
        %shift_right_logical3A_668 = arith.constant 14 : i32
        %shift_right_logical3A_669 = vector.broadcast %shift_right_logical3A_668 : i32 to vector<16xi32>
        %shift_right_logical3A_670 = arith.shrui %get3A_667, %shift_right_logical3A_669 : vector<16xi32>
        %swap3A_671 = arith.constant 1 : i32
        %swap3A_672 = arith.index_cast %swap3A_671 : i32 to index
        %swap3A_673 = arith.constant 96 : index
        %swap3A_674 = tpu.vector_load %arg11[%swap3A_672, %swap3A_673] {strides = array<i32>} : memref<2x128xi32, #tpu.memory_space<vmem>>, vector<1x16xi32>,
        %swap3A_675 = vector.shape_cast %swap3A_674 : vector<1x16xi32> to vector<16xi32>
        %swap3A_676 = vector.shape_cast %shift_right_logical3A_670 : vector<16xi32> to vector<1x16xi32>
        tpu.vector_store %arg11[%swap3A_672, %swap3A_673], %swap3A_676 {strides = array<i32>} : memref<2x128xi32, #tpu.memory_space<vmem>>, vector<1x16xi32>,
        %and3A_677 = arith.constant 16383 : i32
        %and3A_678 = vector.broadcast %and3A_677 : i32 to vector<16xi32>
        %and3A_679 = arith.andi %get3A_667, %and3A_678 : vector<16xi32>
        %swap3A_680 = arith.constant 1 : i32
        %swap3A_681 = arith.index_cast %swap3A_680 : i32 to index
        %swap3A_682 = arith.constant 96 : index
        %swap3A_683 = tpu.vector_load %arg10[%swap3A_681, %swap3A_682] {strides = array<i32>} : memref<2x128xi32, #tpu.memory_space<vmem>>, vector<1x16xi32>,
        %swap3A_684 = vector.shape_cast %swap3A_683 : vector<1x16xi32> to vector<16xi32>
        %swap3A_685 = vector.shape_cast %and3A_679 : vector<16xi32> to vector<1x16xi32>
        tpu.vector_store %arg10[%swap3A_681, %swap3A_682], %swap3A_685 {strides = array<i32>} : memref<2x128xi32, #tpu.memory_space<vmem>>, vector<1x16xi32>,
        %get3A_686 = arith.index_cast %add3A_527 : i32 to index
        %get3A_687 = arith.constant 112 : index
        %get3A_688 = tpu.vector_load %arg9[%get3A_686, %get3A_687] {strides = array<i32>} : memref<112x128xi32, #tpu.memory_space<vmem>>, vector<1x16xi32>,
        %get3A_689 = vector.shape_cast %get3A_688 : vector<1x16xi32> to vector<16xi32>
        %shift_right_logical3A_690 = arith.constant 14 : i32
        %shift_right_logical3A_691 = vector.broadcast %shift_right_logical3A_690 : i32 to vector<16xi32>
        %shift_right_logical3A_692 = arith.shrui %get3A_689, %shift_right_logical3A_691 : vector<16xi32>
        %swap3A_693 = arith.constant 1 : i32
        %swap3A_694 = arith.index_cast %swap3A_693 : i32 to index
        %swap3A_695 = arith.constant 112 : index
        %swap3A_696 = tpu.vector_load %arg11[%swap3A_694, %swap3A_695] {strides = array<i32>} : memref<2x128xi32, #tpu.memory_space<vmem>>, vector<1x16xi32>,
        %swap3A_697 = vector.shape_cast %swap3A_696 : vector<1x16xi32> to vector<16xi32>
        %swap3A_698 = vector.shape_cast %shift_right_logical3A_692 : vector<16xi32> to vector<1x16xi32>
        tpu.vector_store %arg11[%swap3A_694, %swap3A_695], %swap3A_698 {strides = array<i32>} : memref<2x128xi32, #tpu.memory_space<vmem>>, vector<1x16xi32>,
        %and3A_699 = arith.constant 16383 : i32
        %and3A_700 = vector.broadcast %and3A_699 : i32 to vector<16xi32>
        %and3A_701 = arith.andi %get3A_689, %and3A_700 : vector<16xi32>
        %swap3A_702 = arith.constant 1 : i32
        %swap3A_703 = arith.index_cast %swap3A_702 : i32 to index
        %swap3A_704 = arith.constant 112 : index
        %swap3A_705 = tpu.vector_load %arg10[%swap3A_703, %swap3A_704] {strides = array<i32>} : memref<2x128xi32, #tpu.memory_space<vmem>>, vector<1x16xi32>,
        %swap3A_706 = vector.shape_cast %swap3A_705 : vector<1x16xi32> to vector<16xi32>
        %swap3A_707 = vector.shape_cast %and3A_701 : vector<16xi32> to vector<1x16xi32>
        tpu.vector_store %arg10[%swap3A_703, %swap3A_704], %swap3A_707 {strides = array<i32>} : memref<2x128xi32, #tpu.memory_space<vmem>>, vector<1x16xi32>,
        %dma_start3A_708 = arith.constant 1 : i32
        %dma_start3A_709 = arith.constant 0 : i32
        %dma_start3A_710 = tpu.memref_slice %arg10[%dma_start3A_708, %dma_start3A_709] : memref<2x128xi32, #tpu.memory_space<vmem>> -> memref<1x128xi32, #tpu.memory_space<vmem>>
        %dma_start3A_711 = tpu.memref_squeeze %dma_start3A_710 : memref<1x128xi32, #tpu.memory_space<vmem>> -> memref<128xi32, #tpu.memory_space<vmem>>
        %dma_start3A_712 = arith.constant 0 : i32
        %dma_start3A_713 = arith.constant 0 : i32
        %dma_start3A_714 = tpu.memref_slice %arg2[%dma_start3A_712, %dma_start3A_713] : memref<10000x128xf32, #tpu.memory_space<hbm>> -> memref<10000x128xf32, #tpu.memory_space<hbm>>
        tpu.enqueue_indirect_dma source(%dma_start3A_714 : memref<10000x128xf32, #tpu.memory_space<hbm>>) target(%arg13 : memref<128x128xf32, #tpu.memory_space<vmem>>) offsets(%dma_start3A_711 : memref<128xi32, #tpu.memory_space<vmem>>) semaphore(%arg18 : memref<!tpu.dma_semaphore, #tpu.memory_space<semaphore_mem>>)
      } else {
      }
    }
    %while3A_411 = arith.constant 1 : i32
    scf.for %while3A_451 = %while3A_409 to %while3A_405 step %while3A_411  : i32 {
      %mul3A_452 = arith.constant 2 : i32
      %mul3A_453 = arith.muli %mul3A_452, %while3A_451 : i32
      %dma_wait3A = arith.constant 0 : i32
      %dma_wait3A_454 = arith.constant 0 : i32
      %dma_wait3A_455 = tpu.memref_slice %arg10[%dma_wait3A, %dma_wait3A_454] : memref<2x128xi32, #tpu.memory_space<vmem>> -> memref<1x128xi32, #tpu.memory_space<vmem>>
      %dma_wait3A_456 = tpu.memref_squeeze %dma_wait3A_455 : memref<1x128xi32, #tpu.memory_space<vmem>> -> memref<128xi32, #tpu.memory_space<vmem>>
      %dma_wait3A_457 = arith.constant 0 : i32
      %dma_wait3A_458 = arith.constant 0 : i32
      %dma_wait3A_459 = tpu.memref_slice %arg2[%dma_wait3A_457, %dma_wait3A_458] : memref<10000x128xf32, #tpu.memory_space<hbm>> -> memref<10000x128xf32, #tpu.memory_space<hbm>>
      tpu.wait_indirect_dma semaphore(%arg17 : memref<!tpu.dma_semaphore, #tpu.memory_space<semaphore_mem>>) src(%dma_wait3A_459 : memref<10000x128xf32, #tpu.memory_space<hbm>>) dst(%arg12 : memref<128x128xf32, #tpu.memory_space<vmem>>)
      %dma_start3A_460 = arith.constant 0 : i32
      %dma_start3A_461 = arith.constant 0 : i32
      %dma_start3A_462 = tpu.memref_slice %arg11[%dma_start3A_460, %dma_start3A_461] : memref<2x128xi32, #tpu.memory_space<vmem>> -> memref<1x128xi32, #tpu.memory_space<vmem>>
      %dma_start3A_463 = tpu.memref_squeeze %dma_start3A_462 : memref<1x128xi32, #tpu.memory_space<vmem>> -> memref<128xi32, #tpu.memory_space<vmem>>
      %dma_start3A_464 = arith.constant 0 : i32
      %dma_start3A_465 = arith.constant 0 : i32
      %dma_start3A_466 = tpu.memref_slice %arg15[%dma_start3A_464, %dma_start3A_465] : memref<10016x128xf32, #tpu.memory_space<vmem_shared>> -> memref<10016x128xf32, #tpu.memory_space<vmem_shared>>
      tpu.enqueue_indirect_dma source(%arg12 : memref<128x128xf32, #tpu.memory_space<vmem>>) target(%dma_start3A_466 : memref<10016x128xf32, #tpu.memory_space<vmem_shared>>) offsets(%dma_start3A_463 : memref<128xi32, #tpu.memory_space<vmem>>) semaphore(%arg19 : memref<!tpu.dma_semaphore, #tpu.memory_space<semaphore_mem>>) {add = true}
      %dma_start3A_467 = arith.constant 0 : i32
      %dma_start3A_468 = arith.constant 0 : i32
      %dma_start3A_469 = tpu.memref_slice %arg11[%dma_start3A_467, %dma_start3A_468] : memref<2x128xi32, #tpu.memory_space<vmem>> -> memref<1x128xi32, #tpu.memory_space<vmem>>
      %dma_start3A_470 = tpu.memref_squeeze %dma_start3A_469 : memref<1x128xi32, #tpu.memory_space<vmem>> -> memref<128xi32, #tpu.memory_space<vmem>>
      %dma_start3A_471 = arith.constant 0 : i32
      %dma_start3A_472 = tpu.memref_slice %arg16[%dma_start3A_471] : memref<10240xf32, #tpu.memory_space<vmem_shared>> -> memref<10240xf32, #tpu.memory_space<vmem_shared>>
      tpu.enqueue_indirect_dma source(%arg14 : memref<128xf32, #tpu.memory_space<vmem>>) target(%dma_start3A_472 : memref<10240xf32, #tpu.memory_space<vmem_shared>>) offsets(%dma_start3A_470 : memref<128xi32, #tpu.memory_space<vmem>>) semaphore(%arg21 : memref<!tpu.dma_semaphore, #tpu.memory_space<semaphore_mem>>) {add = true}
      %dma_wait3A_473 = arith.constant 0 : i32
      %dma_wait3A_474 = arith.constant 0 : i32
      %dma_wait3A_475 = tpu.memref_slice %arg11[%dma_wait3A_473, %dma_wait3A_474] : memref<2x128xi32, #tpu.memory_space<vmem>> -> memref<1x128xi32, #tpu.memory_space<vmem>>
      %dma_wait3A_476 = tpu.memref_squeeze %dma_wait3A_475 : memref<1x128xi32, #tpu.memory_space<vmem>> -> memref<128xi32, #tpu.memory_space<vmem>>
      %dma_wait3A_477 = arith.constant 0 : i32
      %dma_wait3A_478 = arith.constant 0 : i32
      %dma_wait3A_479 = tpu.memref_slice %arg15[%dma_wait3A_477, %dma_wait3A_478] : memref<10016x128xf32, #tpu.memory_space<vmem_shared>> -> memref<10016x128xf32, #tpu.memory_space<vmem_shared>>
      tpu.wait_indirect_dma semaphore(%arg19 : memref<!tpu.dma_semaphore, #tpu.memory_space<semaphore_mem>>) src(%arg12 : memref<128x128xf32, #tpu.memory_space<vmem>>) dst(%dma_wait3A_479 : memref<10016x128xf32, #tpu.memory_space<vmem_shared>>)
      %dma_wait3A_480 = arith.constant 0 : i32
      %dma_wait3A_481 = arith.constant 0 : i32
      %dma_wait3A_482 = tpu.memref_slice %arg11[%dma_wait3A_480, %dma_wait3A_481] : memref<2x128xi32, #tpu.memory_space<vmem>> -> memref<1x128xi32, #tpu.memory_space<vmem>>
      %dma_wait3A_483 = tpu.memref_squeeze %dma_wait3A_482 : memref<1x128xi32, #tpu.memory_space<vmem>> -> memref<128xi32, #tpu.memory_space<vmem>>
      %dma_wait3A_484 = arith.constant 0 : i32
      %dma_wait3A_485 = tpu.memref_slice %arg16[%dma_wait3A_484] : memref<10240xf32, #tpu.memory_space<vmem_shared>> -> memref<10240xf32, #tpu.memory_space<vmem_shared>>
      tpu.wait_indirect_dma semaphore(%arg21 : memref<!tpu.dma_semaphore, #tpu.memory_space<semaphore_mem>>) src(%arg14 : memref<128xf32, #tpu.memory_space<vmem>>) dst(%dma_wait3A_485 : memref<10240xf32, #tpu.memory_space<vmem_shared>>)
      %add3A_486 = arith.constant 2 : i32
      %add3A_487 = arith.addi %mul3A_453, %add3A_486 : i32
      %lt3A = arith.cmpi slt, %add3A_487, %select_n3A : i32
      %convert_element_type3A = arith.extui %lt3A : i1 to i32
      %cond3A = arith.constant 0 : i32
      %cond3A_488 = arith.cmpi ne, %convert_element_type3A, %cond3A : i32
      scf.if %cond3A_488 {
        %get3A_532 = arith.index_cast %add3A_487 : i32 to index
        %get3A_533 = arith.constant 0 : index
        %get3A_534 = tpu.vector_load %arg9[%get3A_532, %get3A_533] {strides = array<i32>} : memref<112x128xi32, #tpu.memory_space<vmem>>, vector<1x16xi32>,
        %get3A_535 = vector.shape_cast %get3A_534 : vector<1x16xi32> to vector<16xi32>
        %shift_right_logical3A_536 = arith.constant 14 : i32
        %shift_right_logical3A_537 = vector.broadcast %shift_right_logical3A_536 : i32 to vector<16xi32>
        %shift_right_logical3A_538 = arith.shrui %get3A_535, %shift_right_logical3A_537 : vector<16xi32>
        %swap3A_539 = arith.constant 0 : i32
        %swap3A_540 = arith.index_cast %swap3A_539 : i32 to index
        %swap3A_541 = arith.constant 0 : index
        %swap3A_542 = tpu.vector_load %arg11[%swap3A_540, %swap3A_541] {strides = array<i32>} : memref<2x128xi32, #tpu.memory_space<vmem>>, vector<1x16xi32>,
        %swap3A_543 = vector.shape_cast %swap3A_542 : vector<1x16xi32> to vector<16xi32>
        %swap3A_544 = vector.shape_cast %shift_right_logical3A_538 : vector<16xi32> to vector<1x16xi32>
        tpu.vector_store %arg11[%swap3A_540, %swap3A_541], %swap3A_544 {strides = array<i32>} : memref<2x128xi32, #tpu.memory_space<vmem>>, vector<1x16xi32>,
        %and3A_545 = arith.constant 16383 : i32
        %and3A_546 = vector.broadcast %and3A_545 : i32 to vector<16xi32>
        %and3A_547 = arith.andi %get3A_535, %and3A_546 : vector<16xi32>
        %swap3A_548 = arith.constant 0 : i32
        %swap3A_549 = arith.index_cast %swap3A_548 : i32 to index
        %swap3A_550 = arith.constant 0 : index
        %swap3A_551 = tpu.vector_load %arg10[%swap3A_549, %swap3A_550] {strides = array<i32>} : memref<2x128xi32, #tpu.memory_space<vmem>>, vector<1x16xi32>,
        %swap3A_552 = vector.shape_cast %swap3A_551 : vector<1x16xi32> to vector<16xi32>
        %swap3A_553 = vector.shape_cast %and3A_547 : vector<16xi32> to vector<1x16xi32>
        tpu.vector_store %arg10[%swap3A_549, %swap3A_550], %swap3A_553 {strides = array<i32>} : memref<2x128xi32, #tpu.memory_space<vmem>>, vector<1x16xi32>,
        %get3A_554 = arith.index_cast %add3A_487 : i32 to index
        %get3A_555 = arith.constant 16 : index
        %get3A_556 = tpu.vector_load %arg9[%get3A_554, %get3A_555] {strides = array<i32>} : memref<112x128xi32, #tpu.memory_space<vmem>>, vector<1x16xi32>,
        %get3A_557 = vector.shape_cast %get3A_556 : vector<1x16xi32> to vector<16xi32>
        %shift_right_logical3A_558 = arith.constant 14 : i32
        %shift_right_logical3A_559 = vector.broadcast %shift_right_logical3A_558 : i32 to vector<16xi32>
        %shift_right_logical3A_560 = arith.shrui %get3A_557, %shift_right_logical3A_559 : vector<16xi32>
        %swap3A_561 = arith.constant 0 : i32
        %swap3A_562 = arith.index_cast %swap3A_561 : i32 to index
        %swap3A_563 = arith.constant 16 : index
        %swap3A_564 = tpu.vector_load %arg11[%swap3A_562, %swap3A_563] {strides = array<i32>} : memref<2x128xi32, #tpu.memory_space<vmem>>, vector<1x16xi32>,
        %swap3A_565 = vector.shape_cast %swap3A_564 : vector<1x16xi32> to vector<16xi32>
        %swap3A_566 = vector.shape_cast %shift_right_logical3A_560 : vector<16xi32> to vector<1x16xi32>
        tpu.vector_store %arg11[%swap3A_562, %swap3A_563], %swap3A_566 {strides = array<i32>} : memref<2x128xi32, #tpu.memory_space<vmem>>, vector<1x16xi32>,
        %and3A_567 = arith.constant 16383 : i32
        %and3A_568 = vector.broadcast %and3A_567 : i32 to vector<16xi32>
        %and3A_569 = arith.andi %get3A_557, %and3A_568 : vector<16xi32>
        %swap3A_570 = arith.constant 0 : i32
        %swap3A_571 = arith.index_cast %swap3A_570 : i32 to index
        %swap3A_572 = arith.constant 16 : index
        %swap3A_573 = tpu.vector_load %arg10[%swap3A_571, %swap3A_572] {strides = array<i32>} : memref<2x128xi32, #tpu.memory_space<vmem>>, vector<1x16xi32>,
        %swap3A_574 = vector.shape_cast %swap3A_573 : vector<1x16xi32> to vector<16xi32>
        %swap3A_575 = vector.shape_cast %and3A_569 : vector<16xi32> to vector<1x16xi32>
        tpu.vector_store %arg10[%swap3A_571, %swap3A_572], %swap3A_575 {strides = array<i32>} : memref<2x128xi32, #tpu.memory_space<vmem>>, vector<1x16xi32>,
        %get3A_576 = arith.index_cast %add3A_487 : i32 to index
        %get3A_577 = arith.constant 32 : index
        %get3A_578 = tpu.vector_load %arg9[%get3A_576, %get3A_577] {strides = array<i32>} : memref<112x128xi32, #tpu.memory_space<vmem>>, vector<1x16xi32>,
        %get3A_579 = vector.shape_cast %get3A_578 : vector<1x16xi32> to vector<16xi32>
        %shift_right_logical3A_580 = arith.constant 14 : i32
        %shift_right_logical3A_581 = vector.broadcast %shift_right_logical3A_580 : i32 to vector<16xi32>
        %shift_right_logical3A_582 = arith.shrui %get3A_579, %shift_right_logical3A_581 : vector<16xi32>
        %swap3A_583 = arith.constant 0 : i32
        %swap3A_584 = arith.index_cast %swap3A_583 : i32 to index
        %swap3A_585 = arith.constant 32 : index
        %swap3A_586 = tpu.vector_load %arg11[%swap3A_584, %swap3A_585] {strides = array<i32>} : memref<2x128xi32, #tpu.memory_space<vmem>>, vector<1x16xi32>,
        %swap3A_587 = vector.shape_cast %swap3A_586 : vector<1x16xi32> to vector<16xi32>
        %swap3A_588 = vector.shape_cast %shift_right_logical3A_582 : vector<16xi32> to vector<1x16xi32>
        tpu.vector_store %arg11[%swap3A_584, %swap3A_585], %swap3A_588 {strides = array<i32>} : memref<2x128xi32, #tpu.memory_space<vmem>>, vector<1x16xi32>,
        %and3A_589 = arith.constant 16383 : i32
        %and3A_590 = vector.broadcast %and3A_589 : i32 to vector<16xi32>
        %and3A_591 = arith.andi %get3A_579, %and3A_590 : vector<16xi32>
        %swap3A_592 = arith.constant 0 : i32
        %swap3A_593 = arith.index_cast %swap3A_592 : i32 to index
        %swap3A_594 = arith.constant 32 : index
        %swap3A_595 = tpu.vector_load %arg10[%swap3A_593, %swap3A_594] {strides = array<i32>} : memref<2x128xi32, #tpu.memory_space<vmem>>, vector<1x16xi32>,
        %swap3A_596 = vector.shape_cast %swap3A_595 : vector<1x16xi32> to vector<16xi32>
        %swap3A_597 = vector.shape_cast %and3A_591 : vector<16xi32> to vector<1x16xi32>
        tpu.vector_store %arg10[%swap3A_593, %swap3A_594], %swap3A_597 {strides = array<i32>} : memref<2x128xi32, #tpu.memory_space<vmem>>, vector<1x16xi32>,
        %get3A_598 = arith.index_cast %add3A_487 : i32 to index
        %get3A_599 = arith.constant 48 : index
        %get3A_600 = tpu.vector_load %arg9[%get3A_598, %get3A_599] {strides = array<i32>} : memref<112x128xi32, #tpu.memory_space<vmem>>, vector<1x16xi32>,
        %get3A_601 = vector.shape_cast %get3A_600 : vector<1x16xi32> to vector<16xi32>
        %shift_right_logical3A_602 = arith.constant 14 : i32
        %shift_right_logical3A_603 = vector.broadcast %shift_right_logical3A_602 : i32 to vector<16xi32>
        %shift_right_logical3A_604 = arith.shrui %get3A_601, %shift_right_logical3A_603 : vector<16xi32>
        %swap3A_605 = arith.constant 0 : i32
        %swap3A_606 = arith.index_cast %swap3A_605 : i32 to index
        %swap3A_607 = arith.constant 48 : index
        %swap3A_608 = tpu.vector_load %arg11[%swap3A_606, %swap3A_607] {strides = array<i32>} : memref<2x128xi32, #tpu.memory_space<vmem>>, vector<1x16xi32>,
        %swap3A_609 = vector.shape_cast %swap3A_608 : vector<1x16xi32> to vector<16xi32>
        %swap3A_610 = vector.shape_cast %shift_right_logical3A_604 : vector<16xi32> to vector<1x16xi32>
        tpu.vector_store %arg11[%swap3A_606, %swap3A_607], %swap3A_610 {strides = array<i32>} : memref<2x128xi32, #tpu.memory_space<vmem>>, vector<1x16xi32>,
        %and3A_611 = arith.constant 16383 : i32
        %and3A_612 = vector.broadcast %and3A_611 : i32 to vector<16xi32>
        %and3A_613 = arith.andi %get3A_601, %and3A_612 : vector<16xi32>
        %swap3A_614 = arith.constant 0 : i32
        %swap3A_615 = arith.index_cast %swap3A_614 : i32 to index
        %swap3A_616 = arith.constant 48 : index
        %swap3A_617 = tpu.vector_load %arg10[%swap3A_615, %swap3A_616] {strides = array<i32>} : memref<2x128xi32, #tpu.memory_space<vmem>>, vector<1x16xi32>,
        %swap3A_618 = vector.shape_cast %swap3A_617 : vector<1x16xi32> to vector<16xi32>
        %swap3A_619 = vector.shape_cast %and3A_613 : vector<16xi32> to vector<1x16xi32>
        tpu.vector_store %arg10[%swap3A_615, %swap3A_616], %swap3A_619 {strides = array<i32>} : memref<2x128xi32, #tpu.memory_space<vmem>>, vector<1x16xi32>,
        %get3A_620 = arith.index_cast %add3A_487 : i32 to index
        %get3A_621 = arith.constant 64 : index
        %get3A_622 = tpu.vector_load %arg9[%get3A_620, %get3A_621] {strides = array<i32>} : memref<112x128xi32, #tpu.memory_space<vmem>>, vector<1x16xi32>,
        %get3A_623 = vector.shape_cast %get3A_622 : vector<1x16xi32> to vector<16xi32>
        %shift_right_logical3A_624 = arith.constant 14 : i32
        %shift_right_logical3A_625 = vector.broadcast %shift_right_logical3A_624 : i32 to vector<16xi32>
        %shift_right_logical3A_626 = arith.shrui %get3A_623, %shift_right_logical3A_625 : vector<16xi32>
        %swap3A_627 = arith.constant 0 : i32
        %swap3A_628 = arith.index_cast %swap3A_627 : i32 to index
        %swap3A_629 = arith.constant 64 : index
        %swap3A_630 = tpu.vector_load %arg11[%swap3A_628, %swap3A_629] {strides = array<i32>} : memref<2x128xi32, #tpu.memory_space<vmem>>, vector<1x16xi32>,
        %swap3A_631 = vector.shape_cast %swap3A_630 : vector<1x16xi32> to vector<16xi32>
        %swap3A_632 = vector.shape_cast %shift_right_logical3A_626 : vector<16xi32> to vector<1x16xi32>
        tpu.vector_store %arg11[%swap3A_628, %swap3A_629], %swap3A_632 {strides = array<i32>} : memref<2x128xi32, #tpu.memory_space<vmem>>, vector<1x16xi32>,
        %and3A_633 = arith.constant 16383 : i32
        %and3A_634 = vector.broadcast %and3A_633 : i32 to vector<16xi32>
        %and3A_635 = arith.andi %get3A_623, %and3A_634 : vector<16xi32>
        %swap3A_636 = arith.constant 0 : i32
        %swap3A_637 = arith.index_cast %swap3A_636 : i32 to index
        %swap3A_638 = arith.constant 64 : index
        %swap3A_639 = tpu.vector_load %arg10[%swap3A_637, %swap3A_638] {strides = array<i32>} : memref<2x128xi32, #tpu.memory_space<vmem>>, vector<1x16xi32>,
        %swap3A_640 = vector.shape_cast %swap3A_639 : vector<1x16xi32> to vector<16xi32>
        %swap3A_641 = vector.shape_cast %and3A_635 : vector<16xi32> to vector<1x16xi32>
        tpu.vector_store %arg10[%swap3A_637, %swap3A_638], %swap3A_641 {strides = array<i32>} : memref<2x128xi32, #tpu.memory_space<vmem>>, vector<1x16xi32>,
        %get3A_642 = arith.index_cast %add3A_487 : i32 to index
        %get3A_643 = arith.constant 80 : index
        %get3A_644 = tpu.vector_load %arg9[%get3A_642, %get3A_643] {strides = array<i32>} : memref<112x128xi32, #tpu.memory_space<vmem>>, vector<1x16xi32>,
        %get3A_645 = vector.shape_cast %get3A_644 : vector<1x16xi32> to vector<16xi32>
        %shift_right_logical3A_646 = arith.constant 14 : i32
        %shift_right_logical3A_647 = vector.broadcast %shift_right_logical3A_646 : i32 to vector<16xi32>
        %shift_right_logical3A_648 = arith.shrui %get3A_645, %shift_right_logical3A_647 : vector<16xi32>
        %swap3A_649 = arith.constant 0 : i32
        %swap3A_650 = arith.index_cast %swap3A_649 : i32 to index
        %swap3A_651 = arith.constant 80 : index
        %swap3A_652 = tpu.vector_load %arg11[%swap3A_650, %swap3A_651] {strides = array<i32>} : memref<2x128xi32, #tpu.memory_space<vmem>>, vector<1x16xi32>,
        %swap3A_653 = vector.shape_cast %swap3A_652 : vector<1x16xi32> to vector<16xi32>
        %swap3A_654 = vector.shape_cast %shift_right_logical3A_648 : vector<16xi32> to vector<1x16xi32>
        tpu.vector_store %arg11[%swap3A_650, %swap3A_651], %swap3A_654 {strides = array<i32>} : memref<2x128xi32, #tpu.memory_space<vmem>>, vector<1x16xi32>,
        %and3A_655 = arith.constant 16383 : i32
        %and3A_656 = vector.broadcast %and3A_655 : i32 to vector<16xi32>
        %and3A_657 = arith.andi %get3A_645, %and3A_656 : vector<16xi32>
        %swap3A_658 = arith.constant 0 : i32
        %swap3A_659 = arith.index_cast %swap3A_658 : i32 to index
        %swap3A_660 = arith.constant 80 : index
        %swap3A_661 = tpu.vector_load %arg10[%swap3A_659, %swap3A_660] {strides = array<i32>} : memref<2x128xi32, #tpu.memory_space<vmem>>, vector<1x16xi32>,
        %swap3A_662 = vector.shape_cast %swap3A_661 : vector<1x16xi32> to vector<16xi32>
        %swap3A_663 = vector.shape_cast %and3A_657 : vector<16xi32> to vector<1x16xi32>
        tpu.vector_store %arg10[%swap3A_659, %swap3A_660], %swap3A_663 {strides = array<i32>} : memref<2x128xi32, #tpu.memory_space<vmem>>, vector<1x16xi32>,
        %get3A_664 = arith.index_cast %add3A_487 : i32 to index
        %get3A_665 = arith.constant 96 : index
        %get3A_666 = tpu.vector_load %arg9[%get3A_664, %get3A_665] {strides = array<i32>} : memref<112x128xi32, #tpu.memory_space<vmem>>, vector<1x16xi32>,
        %get3A_667 = vector.shape_cast %get3A_666 : vector<1x16xi32> to vector<16xi32>
        %shift_right_logical3A_668 = arith.constant 14 : i32
        %shift_right_logical3A_669 = vector.broadcast %shift_right_logical3A_668 : i32 to vector<16xi32>
        %shift_right_logical3A_670 = arith.shrui %get3A_667, %shift_right_logical3A_669 : vector<16xi32>
        %swap3A_671 = arith.constant 0 : i32
        %swap3A_672 = arith.index_cast %swap3A_671 : i32 to index
        %swap3A_673 = arith.constant 96 : index
        %swap3A_674 = tpu.vector_load %arg11[%swap3A_672, %swap3A_673] {strides = array<i32>} : memref<2x128xi32, #tpu.memory_space<vmem>>, vector<1x16xi32>,
        %swap3A_675 = vector.shape_cast %swap3A_674 : vector<1x16xi32> to vector<16xi32>
        %swap3A_676 = vector.shape_cast %shift_right_logical3A_670 : vector<16xi32> to vector<1x16xi32>
        tpu.vector_store %arg11[%swap3A_672, %swap3A_673], %swap3A_676 {strides = array<i32>} : memref<2x128xi32, #tpu.memory_space<vmem>>, vector<1x16xi32>,
        %and3A_677 = arith.constant 16383 : i32
        %and3A_678 = vector.broadcast %and3A_677 : i32 to vector<16xi32>
        %and3A_679 = arith.andi %get3A_667, %and3A_678 : vector<16xi32>
        %swap3A_680 = arith.constant 0 : i32
        %swap3A_681 = arith.index_cast %swap3A_680 : i32 to index
        %swap3A_682 = arith.constant 96 : index
        %swap3A_683 = tpu.vector_load %arg10[%swap3A_681, %swap3A_682] {strides = array<i32>} : memref<2x128xi32, #tpu.memory_space<vmem>>, vector<1x16xi32>,
        %swap3A_684 = vector.shape_cast %swap3A_683 : vector<1x16xi32> to vector<16xi32>
        %swap3A_685 = vector.shape_cast %and3A_679 : vector<16xi32> to vector<1x16xi32>
        tpu.vector_store %arg10[%swap3A_681, %swap3A_682], %swap3A_685 {strides = array<i32>} : memref<2x128xi32, #tpu.memory_space<vmem>>, vector<1x16xi32>,
        %get3A_686 = arith.index_cast %add3A_487 : i32 to index
        %get3A_687 = arith.constant 112 : index
        %get3A_688 = tpu.vector_load %arg9[%get3A_686, %get3A_687] {strides = array<i32>} : memref<112x128xi32, #tpu.memory_space<vmem>>, vector<1x16xi32>,
        %get3A_689 = vector.shape_cast %get3A_688 : vector<1x16xi32> to vector<16xi32>
        %shift_right_logical3A_690 = arith.constant 14 : i32
        %shift_right_logical3A_691 = vector.broadcast %shift_right_logical3A_690 : i32 to vector<16xi32>
        %shift_right_logical3A_692 = arith.shrui %get3A_689, %shift_right_logical3A_691 : vector<16xi32>
        %swap3A_693 = arith.constant 0 : i32
        %swap3A_694 = arith.index_cast %swap3A_693 : i32 to index
        %swap3A_695 = arith.constant 112 : index
        %swap3A_696 = tpu.vector_load %arg11[%swap3A_694, %swap3A_695] {strides = array<i32>} : memref<2x128xi32, #tpu.memory_space<vmem>>, vector<1x16xi32>,
        %swap3A_697 = vector.shape_cast %swap3A_696 : vector<1x16xi32> to vector<16xi32>
        %swap3A_698 = vector.shape_cast %shift_right_logical3A_692 : vector<16xi32> to vector<1x16xi32>
        tpu.vector_store %arg11[%swap3A_694, %swap3A_695], %swap3A_698 {strides = array<i32>} : memref<2x128xi32, #tpu.memory_space<vmem>>, vector<1x16xi32>,
        %and3A_699 = arith.constant 16383 : i32
        %and3A_700 = vector.broadcast %and3A_699 : i32 to vector<16xi32>
        %and3A_701 = arith.andi %get3A_689, %and3A_700 : vector<16xi32>
        %swap3A_702 = arith.constant 0 : i32
        %swap3A_703 = arith.index_cast %swap3A_702 : i32 to index
        %swap3A_704 = arith.constant 112 : index
        %swap3A_705 = tpu.vector_load %arg10[%swap3A_703, %swap3A_704] {strides = array<i32>} : memref<2x128xi32, #tpu.memory_space<vmem>>, vector<1x16xi32>,
        %swap3A_706 = vector.shape_cast %swap3A_705 : vector<1x16xi32> to vector<16xi32>
        %swap3A_707 = vector.shape_cast %and3A_701 : vector<16xi32> to vector<1x16xi32>
        tpu.vector_store %arg10[%swap3A_703, %swap3A_704], %swap3A_707 {strides = array<i32>} : memref<2x128xi32, #tpu.memory_space<vmem>>, vector<1x16xi32>,
        %dma_start3A_708 = arith.constant 0 : i32
        %dma_start3A_709 = arith.constant 0 : i32
        %dma_start3A_710 = tpu.memref_slice %arg10[%dma_start3A_708, %dma_start3A_709] : memref<2x128xi32, #tpu.memory_space<vmem>> -> memref<1x128xi32, #tpu.memory_space<vmem>>
        %dma_start3A_711 = tpu.memref_squeeze %dma_start3A_710 : memref<1x128xi32, #tpu.memory_space<vmem>> -> memref<128xi32, #tpu.memory_space<vmem>>
        %dma_start3A_712 = arith.constant 0 : i32
        %dma_start3A_713 = arith.constant 0 : i32
        %dma_start3A_714 = tpu.memref_slice %arg2[%dma_start3A_712, %dma_start3A_713] : memref<10000x128xf32, #tpu.memory_space<hbm>> -> memref<10000x128xf32, #tpu.memory_space<hbm>>
        tpu.enqueue_indirect_dma source(%dma_start3A_714 : memref<10000x128xf32, #tpu.memory_space<hbm>>) target(%arg12 : memref<128x128xf32, #tpu.memory_space<vmem>>) offsets(%dma_start3A_711 : memref<128xi32, #tpu.memory_space<vmem>>) semaphore(%arg17 : memref<!tpu.dma_semaphore, #tpu.memory_space<semaphore_mem>>)
      } else {
      }
      %mul3A_489 = arith.constant 2 : i32
      %mul3A_490 = arith.muli %mul3A_489, %while3A_451 : i32
      %add3A_491 = arith.constant 1 : i32
      %add3A_492 = arith.addi %mul3A_490, %add3A_491 : i32
      %dma_wait3A_493 = arith.constant 1 : i32
      %dma_wait3A_494 = arith.constant 0 : i32
      %dma_wait3A_495 = tpu.memref_slice %arg10[%dma_wait3A_493, %dma_wait3A_494] : memref<2x128xi32, #tpu.memory_space<vmem>> -> memref<1x128xi32, #tpu.memory_space<vmem>>
      %dma_wait3A_496 = tpu.memref_squeeze %dma_wait3A_495 : memref<1x128xi32, #tpu.memory_space<vmem>> -> memref<128xi32, #tpu.memory_space<vmem>>
      %dma_wait3A_497 = arith.constant 0 : i32
      %dma_wait3A_498 = arith.constant 0 : i32
      %dma_wait3A_499 = tpu.memref_slice %arg2[%dma_wait3A_497, %dma_wait3A_498] : memref<10000x128xf32, #tpu.memory_space<hbm>> -> memref<10000x128xf32, #tpu.memory_space<hbm>>
      tpu.wait_indirect_dma semaphore(%arg18 : memref<!tpu.dma_semaphore, #tpu.memory_space<semaphore_mem>>) src(%dma_wait3A_499 : memref<10000x128xf32, #tpu.memory_space<hbm>>) dst(%arg13 : memref<128x128xf32, #tpu.memory_space<vmem>>)
      %dma_start3A_500 = arith.constant 1 : i32
      %dma_start3A_501 = arith.constant 0 : i32
      %dma_start3A_502 = tpu.memref_slice %arg11[%dma_start3A_500, %dma_start3A_501] : memref<2x128xi32, #tpu.memory_space<vmem>> -> memref<1x128xi32, #tpu.memory_space<vmem>>
      %dma_start3A_503 = tpu.memref_squeeze %dma_start3A_502 : memref<1x128xi32, #tpu.memory_space<vmem>> -> memref<128xi32, #tpu.memory_space<vmem>>
      %dma_start3A_504 = arith.constant 0 : i32
      %dma_start3A_505 = arith.constant 0 : i32
      %dma_start3A_506 = tpu.memref_slice %arg15[%dma_start3A_504, %dma_start3A_505] : memref<10016x128xf32, #tpu.memory_space<vmem_shared>> -> memref<10016x128xf32, #tpu.memory_space<vmem_shared>>
      tpu.enqueue_indirect_dma source(%arg13 : memref<128x128xf32, #tpu.memory_space<vmem>>) target(%dma_start3A_506 : memref<10016x128xf32, #tpu.memory_space<vmem_shared>>) offsets(%dma_start3A_503 : memref<128xi32, #tpu.memory_space<vmem>>) semaphore(%arg20 : memref<!tpu.dma_semaphore, #tpu.memory_space<semaphore_mem>>) {add = true}
      %dma_start3A_507 = arith.constant 1 : i32
      %dma_start3A_508 = arith.constant 0 : i32
      %dma_start3A_509 = tpu.memref_slice %arg11[%dma_start3A_507, %dma_start3A_508] : memref<2x128xi32, #tpu.memory_space<vmem>> -> memref<1x128xi32, #tpu.memory_space<vmem>>
      %dma_start3A_510 = tpu.memref_squeeze %dma_start3A_509 : memref<1x128xi32, #tpu.memory_space<vmem>> -> memref<128xi32, #tpu.memory_space<vmem>>
      %dma_start3A_511 = arith.constant 0 : i32
      %dma_start3A_512 = tpu.memref_slice %arg16[%dma_start3A_511] : memref<10240xf32, #tpu.memory_space<vmem_shared>> -> memref<10240xf32, #tpu.memory_space<vmem_shared>>
      tpu.enqueue_indirect_dma source(%arg14 : memref<128xf32, #tpu.memory_space<vmem>>) target(%dma_start3A_512 : memref<10240xf32, #tpu.memory_space<vmem_shared>>) offsets(%dma_start3A_510 : memref<128xi32, #tpu.memory_space<vmem>>) semaphore(%arg21 : memref<!tpu.dma_semaphore, #tpu.memory_space<semaphore_mem>>) {add = true}
      %dma_wait3A_513 = arith.constant 1 : i32
      %dma_wait3A_514 = arith.constant 0 : i32
      %dma_wait3A_515 = tpu.memref_slice %arg11[%dma_wait3A_513, %dma_wait3A_514] : memref<2x128xi32, #tpu.memory_space<vmem>> -> memref<1x128xi32, #tpu.memory_space<vmem>>
      %dma_wait3A_516 = tpu.memref_squeeze %dma_wait3A_515 : memref<1x128xi32, #tpu.memory_space<vmem>> -> memref<128xi32, #tpu.memory_space<vmem>>
      %dma_wait3A_517 = arith.constant 0 : i32
      %dma_wait3A_518 = arith.constant 0 : i32
      %dma_wait3A_519 = tpu.memref_slice %arg15[%dma_wait3A_517, %dma_wait3A_518] : memref<10016x128xf32, #tpu.memory_space<vmem_shared>> -> memref<10016x128xf32, #tpu.memory_space<vmem_shared>>
      tpu.wait_indirect_dma semaphore(%arg20 : memref<!tpu.dma_semaphore, #tpu.memory_space<semaphore_mem>>) src(%arg13 : memref<128x128xf32, #tpu.memory_space<vmem>>) dst(%dma_wait3A_519 : memref<10016x128xf32, #tpu.memory_space<vmem_shared>>)
      %dma_wait3A_520 = arith.constant 1 : i32
      %dma_wait3A_521 = arith.constant 0 : i32
      %dma_wait3A_522 = tpu.memref_slice %arg11[%dma_wait3A_520, %dma_wait3A_521] : memref<2x128xi32, #tpu.memory_space<vmem>> -> memref<1x128xi32, #tpu.memory_space<vmem>>
      %dma_wait3A_523 = tpu.memref_squeeze %dma_wait3A_522 : memref<1x128xi32, #tpu.memory_space<vmem>> -> memref<128xi32, #tpu.memory_space<vmem>>
      %dma_wait3A_524 = arith.constant 0 : i32
      %dma_wait3A_525 = tpu.memref_slice %arg16[%dma_wait3A_524] : memref<10240xf32, #tpu.memory_space<vmem_shared>> -> memref<10240xf32, #tpu.memory_space<vmem_shared>>
      tpu.wait_indirect_dma semaphore(%arg21 : memref<!tpu.dma_semaphore, #tpu.memory_space<semaphore_mem>>) src(%arg14 : memref<128xf32, #tpu.memory_space<vmem>>) dst(%dma_wait3A_525 : memref<10240xf32, #tpu.memory_space<vmem_shared>>)
      %add3A_526 = arith.constant 2 : i32
      %add3A_527 = arith.addi %add3A_492, %add3A_526 : i32
      %lt3A_528 = arith.cmpi slt, %add3A_527, %select_n3A : i32
      %convert_element_type3A_529 = arith.extui %lt3A_528 : i1 to i32
      %cond3A_530 = arith.constant 0 : i32
      %cond3A_531 = arith.cmpi ne, %convert_element_type3A_529, %cond3A_530 : i32
      scf.if %cond3A_531 {
        %get3A_532 = arith.index_cast %add3A_527 : i32 to index
        %get3A_533 = arith.constant 0 : index
        %get3A_534 = tpu.vector_load %arg9[%get3A_532, %get3A_533] {strides = array<i32>} : memref<112x128xi32, #tpu.memory_space<vmem>>, vector<1x16xi32>,
        %get3A_535 = vector.shape_cast %get3A_534 : vector<1x16xi32> to vector<16xi32>
        %shift_right_logical3A_536 = arith.constant 14 : i32
        %shift_right_logical3A_537 = vector.broadcast %shift_right_logical3A_536 : i32 to vector<16xi32>
        %shift_right_logical3A_538 = arith.shrui %get3A_535, %shift_right_logical3A_537 : vector<16xi32>
        %swap3A_539 = arith.constant 1 : i32
        %swap3A_540 = arith.index_cast %swap3A_539 : i32 to index
        %swap3A_541 = arith.constant 0 : index
        %swap3A_542 = tpu.vector_load %arg11[%swap3A_540, %swap3A_541] {strides = array<i32>} : memref<2x128xi32, #tpu.memory_space<vmem>>, vector<1x16xi32>,
        %swap3A_543 = vector.shape_cast %swap3A_542 : vector<1x16xi32> to vector<16xi32>
        %swap3A_544 = vector.shape_cast %shift_right_logical3A_538 : vector<16xi32> to vector<1x16xi32>
        tpu.vector_store %arg11[%swap3A_540, %swap3A_541], %swap3A_544 {strides = array<i32>} : memref<2x128xi32, #tpu.memory_space<vmem>>, vector<1x16xi32>,
        %and3A_545 = arith.constant 16383 : i32
        %and3A_546 = vector.broadcast %and3A_545 : i32 to vector<16xi32>
        %and3A_547 = arith.andi %get3A_535, %and3A_546 : vector<16xi32>
        %swap3A_548 = arith.constant 1 : i32
        %swap3A_549 = arith.index_cast %swap3A_548 : i32 to index
        %swap3A_550 = arith.constant 0 : index
        %swap3A_551 = tpu.vector_load %arg10[%swap3A_549, %swap3A_550] {strides = array<i32>} : memref<2x128xi32, #tpu.memory_space<vmem>>, vector<1x16xi32>,
        %swap3A_552 = vector.shape_cast %swap3A_551 : vector<1x16xi32> to vector<16xi32>
        %swap3A_553 = vector.shape_cast %and3A_547 : vector<16xi32> to vector<1x16xi32>
        tpu.vector_store %arg10[%swap3A_549, %swap3A_550], %swap3A_553 {strides = array<i32>} : memref<2x128xi32, #tpu.memory_space<vmem>>, vector<1x16xi32>,
        %get3A_554 = arith.index_cast %add3A_527 : i32 to index
        %get3A_555 = arith.constant 16 : index
        %get3A_556 = tpu.vector_load %arg9[%get3A_554, %get3A_555] {strides = array<i32>} : memref<112x128xi32, #tpu.memory_space<vmem>>, vector<1x16xi32>,
        %get3A_557 = vector.shape_cast %get3A_556 : vector<1x16xi32> to vector<16xi32>
        %shift_right_logical3A_558 = arith.constant 14 : i32
        %shift_right_logical3A_559 = vector.broadcast %shift_right_logical3A_558 : i32 to vector<16xi32>
        %shift_right_logical3A_560 = arith.shrui %get3A_557, %shift_right_logical3A_559 : vector<16xi32>
        %swap3A_561 = arith.constant 1 : i32
        %swap3A_562 = arith.index_cast %swap3A_561 : i32 to index
        %swap3A_563 = arith.constant 16 : index
        %swap3A_564 = tpu.vector_load %arg11[%swap3A_562, %swap3A_563] {strides = array<i32>} : memref<2x128xi32, #tpu.memory_space<vmem>>, vector<1x16xi32>,
        %swap3A_565 = vector.shape_cast %swap3A_564 : vector<1x16xi32> to vector<16xi32>
        %swap3A_566 = vector.shape_cast %shift_right_logical3A_560 : vector<16xi32> to vector<1x16xi32>
        tpu.vector_store %arg11[%swap3A_562, %swap3A_563], %swap3A_566 {strides = array<i32>} : memref<2x128xi32, #tpu.memory_space<vmem>>, vector<1x16xi32>,
        %and3A_567 = arith.constant 16383 : i32
        %and3A_568 = vector.broadcast %and3A_567 : i32 to vector<16xi32>
        %and3A_569 = arith.andi %get3A_557, %and3A_568 : vector<16xi32>
        %swap3A_570 = arith.constant 1 : i32
        %swap3A_571 = arith.index_cast %swap3A_570 : i32 to index
        %swap3A_572 = arith.constant 16 : index
        %swap3A_573 = tpu.vector_load %arg10[%swap3A_571, %swap3A_572] {strides = array<i32>} : memref<2x128xi32, #tpu.memory_space<vmem>>, vector<1x16xi32>,
        %swap3A_574 = vector.shape_cast %swap3A_573 : vector<1x16xi32> to vector<16xi32>
        %swap3A_575 = vector.shape_cast %and3A_569 : vector<16xi32> to vector<1x16xi32>
        tpu.vector_store %arg10[%swap3A_571, %swap3A_572], %swap3A_575 {strides = array<i32>} : memref<2x128xi32, #tpu.memory_space<vmem>>, vector<1x16xi32>,
        %get3A_576 = arith.index_cast %add3A_527 : i32 to index
        %get3A_577 = arith.constant 32 : index
        %get3A_578 = tpu.vector_load %arg9[%get3A_576, %get3A_577] {strides = array<i32>} : memref<112x128xi32, #tpu.memory_space<vmem>>, vector<1x16xi32>,
        %get3A_579 = vector.shape_cast %get3A_578 : vector<1x16xi32> to vector<16xi32>
        %shift_right_logical3A_580 = arith.constant 14 : i32
        %shift_right_logical3A_581 = vector.broadcast %shift_right_logical3A_580 : i32 to vector<16xi32>
        %shift_right_logical3A_582 = arith.shrui %get3A_579, %shift_right_logical3A_581 : vector<16xi32>
        %swap3A_583 = arith.constant 1 : i32
        %swap3A_584 = arith.index_cast %swap3A_583 : i32 to index
        %swap3A_585 = arith.constant 32 : index
        %swap3A_586 = tpu.vector_load %arg11[%swap3A_584, %swap3A_585] {strides = array<i32>} : memref<2x128xi32, #tpu.memory_space<vmem>>, vector<1x16xi32>,
        %swap3A_587 = vector.shape_cast %swap3A_586 : vector<1x16xi32> to vector<16xi32>
        %swap3A_588 = vector.shape_cast %shift_right_logical3A_582 : vector<16xi32> to vector<1x16xi32>
        tpu.vector_store %arg11[%swap3A_584, %swap3A_585], %swap3A_588 {strides = array<i32>} : memref<2x128xi32, #tpu.memory_space<vmem>>, vector<1x16xi32>,
        %and3A_589 = arith.constant 16383 : i32
        %and3A_590 = vector.broadcast %and3A_589 : i32 to vector<16xi32>
        %and3A_591 = arith.andi %get3A_579, %and3A_590 : vector<16xi32>
        %swap3A_592 = arith.constant 1 : i32
        %swap3A_593 = arith.index_cast %swap3A_592 : i32 to index
        %swap3A_594 = arith.constant 32 : index
        %swap3A_595 = tpu.vector_load %arg10[%swap3A_593, %swap3A_594] {strides = array<i32>} : memref<2x128xi32, #tpu.memory_space<vmem>>, vector<1x16xi32>,
        %swap3A_596 = vector.shape_cast %swap3A_595 : vector<1x16xi32> to vector<16xi32>
        %swap3A_597 = vector.shape_cast %and3A_591 : vector<16xi32> to vector<1x16xi32>
        tpu.vector_store %arg10[%swap3A_593, %swap3A_594], %swap3A_597 {strides = array<i32>} : memref<2x128xi32, #tpu.memory_space<vmem>>, vector<1x16xi32>,
        %get3A_598 = arith.index_cast %add3A_527 : i32 to index
        %get3A_599 = arith.constant 48 : index
        %get3A_600 = tpu.vector_load %arg9[%get3A_598, %get3A_599] {strides = array<i32>} : memref<112x128xi32, #tpu.memory_space<vmem>>, vector<1x16xi32>,
        %get3A_601 = vector.shape_cast %get3A_600 : vector<1x16xi32> to vector<16xi32>
        %shift_right_logical3A_602 = arith.constant 14 : i32
        %shift_right_logical3A_603 = vector.broadcast %shift_right_logical3A_602 : i32 to vector<16xi32>
        %shift_right_logical3A_604 = arith.shrui %get3A_601, %shift_right_logical3A_603 : vector<16xi32>
        %swap3A_605 = arith.constant 1 : i32
        %swap3A_606 = arith.index_cast %swap3A_605 : i32 to index
        %swap3A_607 = arith.constant 48 : index
        %swap3A_608 = tpu.vector_load %arg11[%swap3A_606, %swap3A_607] {strides = array<i32>} : memref<2x128xi32, #tpu.memory_space<vmem>>, vector<1x16xi32>,
        %swap3A_609 = vector.shape_cast %swap3A_608 : vector<1x16xi32> to vector<16xi32>
        %swap3A_610 = vector.shape_cast %shift_right_logical3A_604 : vector<16xi32> to vector<1x16xi32>
        tpu.vector_store %arg11[%swap3A_606, %swap3A_607], %swap3A_610 {strides = array<i32>} : memref<2x128xi32, #tpu.memory_space<vmem>>, vector<1x16xi32>,
        %and3A_611 = arith.constant 16383 : i32
        %and3A_612 = vector.broadcast %and3A_611 : i32 to vector<16xi32>
        %and3A_613 = arith.andi %get3A_601, %and3A_612 : vector<16xi32>
        %swap3A_614 = arith.constant 1 : i32
        %swap3A_615 = arith.index_cast %swap3A_614 : i32 to index
        %swap3A_616 = arith.constant 48 : index
        %swap3A_617 = tpu.vector_load %arg10[%swap3A_615, %swap3A_616] {strides = array<i32>} : memref<2x128xi32, #tpu.memory_space<vmem>>, vector<1x16xi32>,
        %swap3A_618 = vector.shape_cast %swap3A_617 : vector<1x16xi32> to vector<16xi32>
        %swap3A_619 = vector.shape_cast %and3A_613 : vector<16xi32> to vector<1x16xi32>
        tpu.vector_store %arg10[%swap3A_615, %swap3A_616], %swap3A_619 {strides = array<i32>} : memref<2x128xi32, #tpu.memory_space<vmem>>, vector<1x16xi32>,
        %get3A_620 = arith.index_cast %add3A_527 : i32 to index
        %get3A_621 = arith.constant 64 : index
        %get3A_622 = tpu.vector_load %arg9[%get3A_620, %get3A_621] {strides = array<i32>} : memref<112x128xi32, #tpu.memory_space<vmem>>, vector<1x16xi32>,
        %get3A_623 = vector.shape_cast %get3A_622 : vector<1x16xi32> to vector<16xi32>
        %shift_right_logical3A_624 = arith.constant 14 : i32
        %shift_right_logical3A_625 = vector.broadcast %shift_right_logical3A_624 : i32 to vector<16xi32>
        %shift_right_logical3A_626 = arith.shrui %get3A_623, %shift_right_logical3A_625 : vector<16xi32>
        %swap3A_627 = arith.constant 1 : i32
        %swap3A_628 = arith.index_cast %swap3A_627 : i32 to index
        %swap3A_629 = arith.constant 64 : index
        %swap3A_630 = tpu.vector_load %arg11[%swap3A_628, %swap3A_629] {strides = array<i32>} : memref<2x128xi32, #tpu.memory_space<vmem>>, vector<1x16xi32>,
        %swap3A_631 = vector.shape_cast %swap3A_630 : vector<1x16xi32> to vector<16xi32>
        %swap3A_632 = vector.shape_cast %shift_right_logical3A_626 : vector<16xi32> to vector<1x16xi32>
        tpu.vector_store %arg11[%swap3A_628, %swap3A_629], %swap3A_632 {strides = array<i32>} : memref<2x128xi32, #tpu.memory_space<vmem>>, vector<1x16xi32>,
        %and3A_633 = arith.constant 16383 : i32
        %and3A_634 = vector.broadcast %and3A_633 : i32 to vector<16xi32>
        %and3A_635 = arith.andi %get3A_623, %and3A_634 : vector<16xi32>
        %swap3A_636 = arith.constant 1 : i32
        %swap3A_637 = arith.index_cast %swap3A_636 : i32 to index
        %swap3A_638 = arith.constant 64 : index
        %swap3A_639 = tpu.vector_load %arg10[%swap3A_637, %swap3A_638] {strides = array<i32>} : memref<2x128xi32, #tpu.memory_space<vmem>>, vector<1x16xi32>,
        %swap3A_640 = vector.shape_cast %swap3A_639 : vector<1x16xi32> to vector<16xi32>
        %swap3A_641 = vector.shape_cast %and3A_635 : vector<16xi32> to vector<1x16xi32>
        tpu.vector_store %arg10[%swap3A_637, %swap3A_638], %swap3A_641 {strides = array<i32>} : memref<2x128xi32, #tpu.memory_space<vmem>>, vector<1x16xi32>,
        %get3A_642 = arith.index_cast %add3A_527 : i32 to index
        %get3A_643 = arith.constant 80 : index
        %get3A_644 = tpu.vector_load %arg9[%get3A_642, %get3A_643] {strides = array<i32>} : memref<112x128xi32, #tpu.memory_space<vmem>>, vector<1x16xi32>,
        %get3A_645 = vector.shape_cast %get3A_644 : vector<1x16xi32> to vector<16xi32>
        %shift_right_logical3A_646 = arith.constant 14 : i32
        %shift_right_logical3A_647 = vector.broadcast %shift_right_logical3A_646 : i32 to vector<16xi32>
        %shift_right_logical3A_648 = arith.shrui %get3A_645, %shift_right_logical3A_647 : vector<16xi32>
        %swap3A_649 = arith.constant 1 : i32
        %swap3A_650 = arith.index_cast %swap3A_649 : i32 to index
        %swap3A_651 = arith.constant 80 : index
        %swap3A_652 = tpu.vector_load %arg11[%swap3A_650, %swap3A_651] {strides = array<i32>} : memref<2x128xi32, #tpu.memory_space<vmem>>, vector<1x16xi32>,
        %swap3A_653 = vector.shape_cast %swap3A_652 : vector<1x16xi32> to vector<16xi32>
        %swap3A_654 = vector.shape_cast %shift_right_logical3A_648 : vector<16xi32> to vector<1x16xi32>
        tpu.vector_store %arg11[%swap3A_650, %swap3A_651], %swap3A_654 {strides = array<i32>} : memref<2x128xi32, #tpu.memory_space<vmem>>, vector<1x16xi32>,
        %and3A_655 = arith.constant 16383 : i32
        %and3A_656 = vector.broadcast %and3A_655 : i32 to vector<16xi32>
        %and3A_657 = arith.andi %get3A_645, %and3A_656 : vector<16xi32>
        %swap3A_658 = arith.constant 1 : i32
        %swap3A_659 = arith.index_cast %swap3A_658 : i32 to index
        %swap3A_660 = arith.constant 80 : index
        %swap3A_661 = tpu.vector_load %arg10[%swap3A_659, %swap3A_660] {strides = array<i32>} : memref<2x128xi32, #tpu.memory_space<vmem>>, vector<1x16xi32>,
        %swap3A_662 = vector.shape_cast %swap3A_661 : vector<1x16xi32> to vector<16xi32>
        %swap3A_663 = vector.shape_cast %and3A_657 : vector<16xi32> to vector<1x16xi32>
        tpu.vector_store %arg10[%swap3A_659, %swap3A_660], %swap3A_663 {strides = array<i32>} : memref<2x128xi32, #tpu.memory_space<vmem>>, vector<1x16xi32>,
        %get3A_664 = arith.index_cast %add3A_527 : i32 to index
        %get3A_665 = arith.constant 96 : index
        %get3A_666 = tpu.vector_load %arg9[%get3A_664, %get3A_665] {strides = array<i32>} : memref<112x128xi32, #tpu.memory_space<vmem>>, vector<1x16xi32>,
        %get3A_667 = vector.shape_cast %get3A_666 : vector<1x16xi32> to vector<16xi32>
        %shift_right_logical3A_668 = arith.constant 14 : i32
        %shift_right_logical3A_669 = vector.broadcast %shift_right_logical3A_668 : i32 to vector<16xi32>
        %shift_right_logical3A_670 = arith.shrui %get3A_667, %shift_right_logical3A_669 : vector<16xi32>
        %swap3A_671 = arith.constant 1 : i32
        %swap3A_672 = arith.index_cast %swap3A_671 : i32 to index
        %swap3A_673 = arith.constant 96 : index
        %swap3A_674 = tpu.vector_load %arg11[%swap3A_672, %swap3A_673] {strides = array<i32>} : memref<2x128xi32, #tpu.memory_space<vmem>>, vector<1x16xi32>,
        %swap3A_675 = vector.shape_cast %swap3A_674 : vector<1x16xi32> to vector<16xi32>
        %swap3A_676 = vector.shape_cast %shift_right_logical3A_670 : vector<16xi32> to vector<1x16xi32>
        tpu.vector_store %arg11[%swap3A_672, %swap3A_673], %swap3A_676 {strides = array<i32>} : memref<2x128xi32, #tpu.memory_space<vmem>>, vector<1x16xi32>,
        %and3A_677 = arith.constant 16383 : i32
        %and3A_678 = vector.broadcast %and3A_677 : i32 to vector<16xi32>
        %and3A_679 = arith.andi %get3A_667, %and3A_678 : vector<16xi32>
        %swap3A_680 = arith.constant 1 : i32
        %swap3A_681 = arith.index_cast %swap3A_680 : i32 to index
        %swap3A_682 = arith.constant 96 : index
        %swap3A_683 = tpu.vector_load %arg10[%swap3A_681, %swap3A_682] {strides = array<i32>} : memref<2x128xi32, #tpu.memory_space<vmem>>, vector<1x16xi32>,
        %swap3A_684 = vector.shape_cast %swap3A_683 : vector<1x16xi32> to vector<16xi32>
        %swap3A_685 = vector.shape_cast %and3A_679 : vector<16xi32> to vector<1x16xi32>
        tpu.vector_store %arg10[%swap3A_681, %swap3A_682], %swap3A_685 {strides = array<i32>} : memref<2x128xi32, #tpu.memory_space<vmem>>, vector<1x16xi32>,
        %get3A_686 = arith.index_cast %add3A_527 : i32 to index
        %get3A_687 = arith.constant 112 : index
        %get3A_688 = tpu.vector_load %arg9[%get3A_686, %get3A_687] {strides = array<i32>} : memref<112x128xi32, #tpu.memory_space<vmem>>, vector<1x16xi32>,
        %get3A_689 = vector.shape_cast %get3A_688 : vector<1x16xi32> to vector<16xi32>
        %shift_right_logical3A_690 = arith.constant 14 : i32
        %shift_right_logical3A_691 = vector.broadcast %shift_right_logical3A_690 : i32 to vector<16xi32>
        %shift_right_logical3A_692 = arith.shrui %get3A_689, %shift_right_logical3A_691 : vector<16xi32>
        %swap3A_693 = arith.constant 1 : i32
        %swap3A_694 = arith.index_cast %swap3A_693 : i32 to index
        %swap3A_695 = arith.constant 112 : index
        %swap3A_696 = tpu.vector_load %arg11[%swap3A_694, %swap3A_695] {strides = array<i32>} : memref<2x128xi32, #tpu.memory_space<vmem>>, vector<1x16xi32>,
        %swap3A_697 = vector.shape_cast %swap3A_696 : vector<1x16xi32> to vector<16xi32>
        %swap3A_698 = vector.shape_cast %shift_right_logical3A_692 : vector<16xi32> to vector<1x16xi32>
        tpu.vector_store %arg11[%swap3A_694, %swap3A_695], %swap3A_698 {strides = array<i32>} : memref<2x128xi32, #tpu.memory_space<vmem>>, vector<1x16xi32>,
        %and3A_699 = arith.constant 16383 : i32
        %and3A_700 = vector.broadcast %and3A_699 : i32 to vector<16xi32>
        %and3A_701 = arith.andi %get3A_689, %and3A_700 : vector<16xi32>
        %swap3A_702 = arith.constant 1 : i32
        %swap3A_703 = arith.index_cast %swap3A_702 : i32 to index
        %swap3A_704 = arith.constant 112 : index
        %swap3A_705 = tpu.vector_load %arg10[%swap3A_703, %swap3A_704] {strides = array<i32>} : memref<2x128xi32, #tpu.memory_space<vmem>>, vector<1x16xi32>,
        %swap3A_706 = vector.shape_cast %swap3A_705 : vector<1x16xi32> to vector<16xi32>
        %swap3A_707 = vector.shape_cast %and3A_701 : vector<16xi32> to vector<1x16xi32>
        tpu.vector_store %arg10[%swap3A_703, %swap3A_704], %swap3A_707 {strides = array<i32>} : memref<2x128xi32, #tpu.memory_space<vmem>>, vector<1x16xi32>,
        %dma_start3A_708 = arith.constant 1 : i32
        %dma_start3A_709 = arith.constant 0 : i32
        %dma_start3A_710 = tpu.memref_slice %arg10[%dma_start3A_708, %dma_start3A_709] : memref<2x128xi32, #tpu.memory_space<vmem>> -> memref<1x128xi32, #tpu.memory_space<vmem>>
        %dma_start3A_711 = tpu.memref_squeeze %dma_start3A_710 : memref<1x128xi32, #tpu.memory_space<vmem>> -> memref<128xi32, #tpu.memory_space<vmem>>
        %dma_start3A_712 = arith.constant 0 : i32
        %dma_start3A_713 = arith.constant 0 : i32
        %dma_start3A_714 = tpu.memref_slice %arg2[%dma_start3A_712, %dma_start3A_713] : memref<10000x128xf32, #tpu.memory_space<hbm>> -> memref<10000x128xf32, #tpu.memory_space<hbm>>
        tpu.enqueue_indirect_dma source(%dma_start3A_714 : memref<10000x128xf32, #tpu.memory_space<hbm>>) target(%arg13 : memref<128x128xf32, #tpu.memory_space<vmem>>) offsets(%dma_start3A_711 : memref<128xi32, #tpu.memory_space<vmem>>) semaphore(%arg18 : memref<!tpu.dma_semaphore, #tpu.memory_space<semaphore_mem>>)
      } else {
      }
    }
    %barrier3A_412 = arith.constant 0 : index
    tpu.barrier barrier_id(%barrier3A_412)
    %mul3A_413 = arith.constant 625 : i32
    %mul3A_414 = arith.muli %arg1, %mul3A_413 : i32
    %add3A_415 = arith.constant 0 : i32
    %add3A_416 = arith.addi %mul3A_414, %add3A_415 : i32
    "tpu.region"() ({
      %run_scoped3A_451 = tpu.sem_alloc : memref<!tpu.dma_semaphore, #tpu.memory_space<semaphore_mem>>
      %dma_start3A_452 = arith.constant 0 : i32
      %dma_start3A_453 = arith.constant 0 : i32
      %dma_start3A_454 = tpu.memref_slice %arg12[%dma_start3A_452, %dma_start3A_453] : memref<128x128xf32, #tpu.memory_space<vmem>> -> memref<128x128xf32, #tpu.memory_space<vmem>>
      %dma_start3A_455 = arith.constant 0 : i32
      %dma_start3A_456 = tpu.memref_slice %arg15[%add3A_416, %dma_start3A_455] : memref<10016x128xf32, #tpu.memory_space<vmem_shared>> -> memref<128x128xf32, #tpu.memory_space<vmem_shared>>
      %dma_start3A_457 = arith.constant 0 : i32
      %dma_start3A_458 = arith.constant 0 : i32
      %dma_start3A_459 = tpu.memref_slice %arg12[%dma_start3A_457, %dma_start3A_458] : memref<128x128xf32, #tpu.memory_space<vmem>> -> memref<128x128xf32, #tpu.memory_space<vmem>>
      %dma_start3A_460 = arith.constant 0 : i32
      %dma_start3A_461 = tpu.memref_slice %arg15[%add3A_416, %dma_start3A_460] : memref<10016x128xf32, #tpu.memory_space<vmem_shared>> -> memref<128x128xf32, #tpu.memory_space<vmem_shared>>
      tpu.enqueue_dma source(%dma_start3A_461 : memref<128x128xf32, #tpu.memory_space<vmem_shared>>) target(%dma_start3A_459 : memref<128x128xf32, #tpu.memory_space<vmem>>) target_semaphore(%run_scoped3A_451 : memref<!tpu.dma_semaphore, #tpu.memory_space<semaphore_mem>>)
      %dma_wait3A = arith.constant 0 : i32
      %dma_wait3A_462 = arith.constant 0 : i32
      %dma_wait3A_463 = tpu.memref_slice %arg12[%dma_wait3A, %dma_wait3A_462] : memref<128x128xf32, #tpu.memory_space<vmem>> -> memref<128x128xf32, #tpu.memory_space<vmem>>
      %dma_wait3A_464 = arith.constant 0 : i32
      %dma_wait3A_465 = tpu.memref_slice %arg15[%add3A_416, %dma_wait3A_464] : memref<10016x128xf32, #tpu.memory_space<vmem_shared>> -> memref<128x128xf32, #tpu.memory_space<vmem_shared>>
      %dma_wait3A_466 = arith.constant 0 : i32
      %dma_wait3A_467 = arith.constant 0 : i32
      %dma_wait3A_468 = tpu.memref_slice %arg12[%dma_wait3A_466, %dma_wait3A_467] : memref<128x128xf32, #tpu.memory_space<vmem>> -> memref<128x128xf32, #tpu.memory_space<vmem>>
      %dma_wait3A_469 = arith.constant 0 : i32
      %dma_wait3A_470 = tpu.memref_slice %arg15[%add3A_416, %dma_wait3A_469] : memref<10016x128xf32, #tpu.memory_space<vmem_shared>> -> memref<128x128xf32, #tpu.memory_space<vmem_shared>>
      tpu.wait_dma2 semaphore(%run_scoped3A_451 : memref<!tpu.dma_semaphore, #tpu.memory_space<semaphore_mem>>) src(%dma_wait3A_470 : memref<128x128xf32, #tpu.memory_space<vmem_shared>>) dst(%dma_wait3A_468 : memref<128x128xf32, #tpu.memory_space<vmem>>)
      tpu.yield
    }) : () -> ()
    "tpu.region"() ({
      %run_scoped3A_451 = tpu.sem_alloc : memref<!tpu.dma_semaphore, #tpu.memory_space<semaphore_mem>>
      %dma_start3A_452 = arith.constant 0 : i32
      %dma_start3A_453 = arith.constant 0 : i32
      %dma_start3A_454 = tpu.memref_slice %arg12[%dma_start3A_452, %dma_start3A_453] : memref<128x128xf32, #tpu.memory_space<vmem>> -> memref<128x128xf32, #tpu.memory_space<vmem>>
      %dma_start3A_455 = arith.constant 0 : i32
      %dma_start3A_456 = arith.constant 0 : i32
      %dma_start3A_457 = tpu.memref_slice %arg7[%arg0, %arg1, %dma_start3A_455, %dma_start3A_456] : memref<2x16x625x128xf32, #tpu.memory_space<hbm>> -> memref<1x1x128x128xf32, #tpu.memory_space<hbm>>
      %dma_start3A_458 = tpu.memref_squeeze %dma_start3A_457 : memref<1x1x128x128xf32, #tpu.memory_space<hbm>> -> memref<128x128xf32, #tpu.memory_space<hbm>>
      %dma_start3A_459 = arith.constant 0 : i32
      %dma_start3A_460 = arith.constant 0 : i32
      %dma_start3A_461 = tpu.memref_slice %arg7[%arg0, %arg1, %dma_start3A_459, %dma_start3A_460] : memref<2x16x625x128xf32, #tpu.memory_space<hbm>> -> memref<1x1x128x128xf32, #tpu.memory_space<hbm>>
      %dma_start3A_462 = tpu.memref_squeeze %dma_start3A_461 : memref<1x1x128x128xf32, #tpu.memory_space<hbm>> -> memref<128x128xf32, #tpu.memory_space<hbm>>
      %dma_start3A_463 = arith.constant 0 : i32
      %dma_start3A_464 = arith.constant 0 : i32
      %dma_start3A_465 = tpu.memref_slice %arg12[%dma_start3A_463, %dma_start3A_464] : memref<128x128xf32, #tpu.memory_space<vmem>> -> memref<128x128xf32, #tpu.memory_space<vmem>>
      tpu.enqueue_dma source(%dma_start3A_465 : memref<128x128xf32, #tpu.memory_space<vmem>>) target(%dma_start3A_462 : memref<128x128xf32, #tpu.memory_space<hbm>>) target_semaphore(%run_scoped3A_451 : memref<!tpu.dma_semaphore, #tpu.memory_space<semaphore_mem>>)
      %dma_wait3A = arith.constant 0 : i32
      %dma_wait3A_466 = arith.constant 0 : i32
      %dma_wait3A_467 = tpu.memref_slice %arg12[%dma_wait3A, %dma_wait3A_466] : memref<128x128xf32, #tpu.memory_space<vmem>> -> memref<128x128xf32, #tpu.memory_space<vmem>>
      %dma_wait3A_468 = arith.constant 0 : i32
      %dma_wait3A_469 = arith.constant 0 : i32
      %dma_wait3A_470 = tpu.memref_slice %arg7[%arg0, %arg1, %dma_wait3A_468, %dma_wait3A_469] : memref<2x16x625x128xf32, #tpu.memory_space<hbm>> -> memref<1x1x128x128xf32, #tpu.memory_space<hbm>>
      %dma_wait3A_471 = tpu.memref_squeeze %dma_wait3A_470 : memref<1x1x128x128xf32, #tpu.memory_space<hbm>> -> memref<128x128xf32, #tpu.memory_space<hbm>>
      %dma_wait3A_472 = arith.constant 0 : i32
      %dma_wait3A_473 = arith.constant 0 : i32
      %dma_wait3A_474 = tpu.memref_slice %arg7[%arg0, %arg1, %dma_wait3A_472, %dma_wait3A_473] : memref<2x16x625x128xf32, #tpu.memory_space<hbm>> -> memref<1x1x128x128xf32, #tpu.memory_space<hbm>>
      %dma_wait3A_475 = tpu.memref_squeeze %dma_wait3A_474 : memref<1x1x128x128xf32, #tpu.memory_space<hbm>> -> memref<128x128xf32, #tpu.memory_space<hbm>>
      %dma_wait3A_476 = arith.constant 0 : i32
      %dma_wait3A_477 = arith.constant 0 : i32
      %dma_wait3A_478 = tpu.memref_slice %arg12[%dma_wait3A_476, %dma_wait3A_477] : memref<128x128xf32, #tpu.memory_space<vmem>> -> memref<128x128xf32, #tpu.memory_space<vmem>>
      tpu.wait_dma2 semaphore(%run_scoped3A_451 : memref<!tpu.dma_semaphore, #tpu.memory_space<semaphore_mem>>) src(%dma_wait3A_478 : memref<128x128xf32, #tpu.memory_space<vmem>>) dst(%dma_wait3A_475 : memref<128x128xf32, #tpu.memory_space<hbm>>)
      tpu.yield
    }) : () -> ()
    %add3A_417 = arith.constant 128 : i32
    %add3A_418 = arith.addi %mul3A_414, %add3A_417 : i32
    "tpu.region"() ({
      %run_scoped3A_451 = tpu.sem_alloc : memref<!tpu.dma_semaphore, #tpu.memory_space<semaphore_mem>>
      %dma_start3A_452 = arith.constant 0 : i32
      %dma_start3A_453 = arith.constant 0 : i32
      %dma_start3A_454 = tpu.memref_slice %arg12[%dma_start3A_452, %dma_start3A_453] : memref<128x128xf32, #tpu.memory_space<vmem>> -> memref<128x128xf32, #tpu.memory_space<vmem>>
      %dma_start3A_455 = arith.constant 0 : i32
      %dma_start3A_456 = tpu.memref_slice %arg15[%add3A_418, %dma_start3A_455] : memref<10016x128xf32, #tpu.memory_space<vmem_shared>> -> memref<128x128xf32, #tpu.memory_space<vmem_shared>>
      %dma_start3A_457 = arith.constant 0 : i32
      %dma_start3A_458 = arith.constant 0 : i32
      %dma_start3A_459 = tpu.memref_slice %arg12[%dma_start3A_457, %dma_start3A_458] : memref<128x128xf32, #tpu.memory_space<vmem>> -> memref<128x128xf32, #tpu.memory_space<vmem>>
      %dma_start3A_460 = arith.constant 0 : i32
      %dma_start3A_461 = tpu.memref_slice %arg15[%add3A_418, %dma_start3A_460] : memref<10016x128xf32, #tpu.memory_space<vmem_shared>> -> memref<128x128xf32, #tpu.memory_space<vmem_shared>>
      tpu.enqueue_dma source(%dma_start3A_461 : memref<128x128xf32, #tpu.memory_space<vmem_shared>>) target(%dma_start3A_459 : memref<128x128xf32, #tpu.memory_space<vmem>>) target_semaphore(%run_scoped3A_451 : memref<!tpu.dma_semaphore, #tpu.memory_space<semaphore_mem>>)
      %dma_wait3A = arith.constant 0 : i32
      %dma_wait3A_462 = arith.constant 0 : i32
      %dma_wait3A_463 = tpu.memref_slice %arg12[%dma_wait3A, %dma_wait3A_462] : memref<128x128xf32, #tpu.memory_space<vmem>> -> memref<128x128xf32, #tpu.memory_space<vmem>>
      %dma_wait3A_464 = arith.constant 0 : i32
      %dma_wait3A_465 = tpu.memref_slice %arg15[%add3A_418, %dma_wait3A_464] : memref<10016x128xf32, #tpu.memory_space<vmem_shared>> -> memref<128x128xf32, #tpu.memory_space<vmem_shared>>
      %dma_wait3A_466 = arith.constant 0 : i32
      %dma_wait3A_467 = arith.constant 0 : i32
      %dma_wait3A_468 = tpu.memref_slice %arg12[%dma_wait3A_466, %dma_wait3A_467] : memref<128x128xf32, #tpu.memory_space<vmem>> -> memref<128x128xf32, #tpu.memory_space<vmem>>
      %dma_wait3A_469 = arith.constant 0 : i32
      %dma_wait3A_470 = tpu.memref_slice %arg15[%add3A_418, %dma_wait3A_469] : memref<10016x128xf32, #tpu.memory_space<vmem_shared>> -> memref<128x128xf32, #tpu.memory_space<vmem_shared>>
      tpu.wait_dma2 semaphore(%run_scoped3A_451 : memref<!tpu.dma_semaphore, #tpu.memory_space<semaphore_mem>>) src(%dma_wait3A_470 : memref<128x128xf32, #tpu.memory_space<vmem_shared>>) dst(%dma_wait3A_468 : memref<128x128xf32, #tpu.memory_space<vmem>>)
      tpu.yield
    }) : () -> ()
    "tpu.region"() ({
      %run_scoped3A_451 = tpu.sem_alloc : memref<!tpu.dma_semaphore, #tpu.memory_space<semaphore_mem>>
      %dma_start3A_452 = arith.constant 0 : i32
      %dma_start3A_453 = arith.constant 0 : i32
      %dma_start3A_454 = tpu.memref_slice %arg12[%dma_start3A_452, %dma_start3A_453] : memref<128x128xf32, #tpu.memory_space<vmem>> -> memref<128x128xf32, #tpu.memory_space<vmem>>
      %dma_start3A_455 = arith.constant 128 : i32
      %dma_start3A_456 = arith.constant 0 : i32
      %dma_start3A_457 = tpu.memref_slice %arg7[%arg0, %arg1, %dma_start3A_455, %dma_start3A_456] : memref<2x16x625x128xf32, #tpu.memory_space<hbm>> -> memref<1x1x128x128xf32, #tpu.memory_space<hbm>>
      %dma_start3A_458 = tpu.memref_squeeze %dma_start3A_457 : memref<1x1x128x128xf32, #tpu.memory_space<hbm>> -> memref<128x128xf32, #tpu.memory_space<hbm>>
      %dma_start3A_459 = arith.constant 128 : i32
      %dma_start3A_460 = arith.constant 0 : i32
      %dma_start3A_461 = tpu.memref_slice %arg7[%arg0, %arg1, %dma_start3A_459, %dma_start3A_460] : memref<2x16x625x128xf32, #tpu.memory_space<hbm>> -> memref<1x1x128x128xf32, #tpu.memory_space<hbm>>
      %dma_start3A_462 = tpu.memref_squeeze %dma_start3A_461 : memref<1x1x128x128xf32, #tpu.memory_space<hbm>> -> memref<128x128xf32, #tpu.memory_space<hbm>>
      %dma_start3A_463 = arith.constant 0 : i32
      %dma_start3A_464 = arith.constant 0 : i32
      %dma_start3A_465 = tpu.memref_slice %arg12[%dma_start3A_463, %dma_start3A_464] : memref<128x128xf32, #tpu.memory_space<vmem>> -> memref<128x128xf32, #tpu.memory_space<vmem>>
      tpu.enqueue_dma source(%dma_start3A_465 : memref<128x128xf32, #tpu.memory_space<vmem>>) target(%dma_start3A_462 : memref<128x128xf32, #tpu.memory_space<hbm>>) target_semaphore(%run_scoped3A_451 : memref<!tpu.dma_semaphore, #tpu.memory_space<semaphore_mem>>)
      %dma_wait3A = arith.constant 0 : i32
      %dma_wait3A_466 = arith.constant 0 : i32
      %dma_wait3A_467 = tpu.memref_slice %arg12[%dma_wait3A, %dma_wait3A_466] : memref<128x128xf32, #tpu.memory_space<vmem>> -> memref<128x128xf32, #tpu.memory_space<vmem>>
      %dma_wait3A_468 = arith.constant 128 : i32
      %dma_wait3A_469 = arith.constant 0 : i32
      %dma_wait3A_470 = tpu.memref_slice %arg7[%arg0, %arg1, %dma_wait3A_468, %dma_wait3A_469] : memref<2x16x625x128xf32, #tpu.memory_space<hbm>> -> memref<1x1x128x128xf32, #tpu.memory_space<hbm>>
      %dma_wait3A_471 = tpu.memref_squeeze %dma_wait3A_470 : memref<1x1x128x128xf32, #tpu.memory_space<hbm>> -> memref<128x128xf32, #tpu.memory_space<hbm>>
      %dma_wait3A_472 = arith.constant 128 : i32
      %dma_wait3A_473 = arith.constant 0 : i32
      %dma_wait3A_474 = tpu.memref_slice %arg7[%arg0, %arg1, %dma_wait3A_472, %dma_wait3A_473] : memref<2x16x625x128xf32, #tpu.memory_space<hbm>> -> memref<1x1x128x128xf32, #tpu.memory_space<hbm>>
      %dma_wait3A_475 = tpu.memref_squeeze %dma_wait3A_474 : memref<1x1x128x128xf32, #tpu.memory_space<hbm>> -> memref<128x128xf32, #tpu.memory_space<hbm>>
      %dma_wait3A_476 = arith.constant 0 : i32
      %dma_wait3A_477 = arith.constant 0 : i32
      %dma_wait3A_478 = tpu.memref_slice %arg12[%dma_wait3A_476, %dma_wait3A_477] : memref<128x128xf32, #tpu.memory_space<vmem>> -> memref<128x128xf32, #tpu.memory_space<vmem>>
      tpu.wait_dma2 semaphore(%run_scoped3A_451 : memref<!tpu.dma_semaphore, #tpu.memory_space<semaphore_mem>>) src(%dma_wait3A_478 : memref<128x128xf32, #tpu.memory_space<vmem>>) dst(%dma_wait3A_475 : memref<128x128xf32, #tpu.memory_space<hbm>>)
      tpu.yield
    }) : () -> ()
    %add3A_419 = arith.constant 256 : i32
    %add3A_420 = arith.addi %mul3A_414, %add3A_419 : i32
    "tpu.region"() ({
      %run_scoped3A_451 = tpu.sem_alloc : memref<!tpu.dma_semaphore, #tpu.memory_space<semaphore_mem>>
      %dma_start3A_452 = arith.constant 0 : i32
      %dma_start3A_453 = arith.constant 0 : i32
      %dma_start3A_454 = tpu.memref_slice %arg12[%dma_start3A_452, %dma_start3A_453] : memref<128x128xf32, #tpu.memory_space<vmem>> -> memref<128x128xf32, #tpu.memory_space<vmem>>
      %dma_start3A_455 = arith.constant 0 : i32
      %dma_start3A_456 = tpu.memref_slice %arg15[%add3A_420, %dma_start3A_455] : memref<10016x128xf32, #tpu.memory_space<vmem_shared>> -> memref<128x128xf32, #tpu.memory_space<vmem_shared>>
      %dma_start3A_457 = arith.constant 0 : i32
      %dma_start3A_458 = arith.constant 0 : i32
      %dma_start3A_459 = tpu.memref_slice %arg12[%dma_start3A_457, %dma_start3A_458] : memref<128x128xf32, #tpu.memory_space<vmem>> -> memref<128x128xf32, #tpu.memory_space<vmem>>
      %dma_start3A_460 = arith.constant 0 : i32
      %dma_start3A_461 = tpu.memref_slice %arg15[%add3A_420, %dma_start3A_460] : memref<10016x128xf32, #tpu.memory_space<vmem_shared>> -> memref<128x128xf32, #tpu.memory_space<vmem_shared>>
      tpu.enqueue_dma source(%dma_start3A_461 : memref<128x128xf32, #tpu.memory_space<vmem_shared>>) target(%dma_start3A_459 : memref<128x128xf32, #tpu.memory_space<vmem>>) target_semaphore(%run_scoped3A_451 : memref<!tpu.dma_semaphore, #tpu.memory_space<semaphore_mem>>)
      %dma_wait3A = arith.constant 0 : i32
      %dma_wait3A_462 = arith.constant 0 : i32
      %dma_wait3A_463 = tpu.memref_slice %arg12[%dma_wait3A, %dma_wait3A_462] : memref<128x128xf32, #tpu.memory_space<vmem>> -> memref<128x128xf32, #tpu.memory_space<vmem>>
      %dma_wait3A_464 = arith.constant 0 : i32
      %dma_wait3A_465 = tpu.memref_slice %arg15[%add3A_420, %dma_wait3A_464] : memref<10016x128xf32, #tpu.memory_space<vmem_shared>> -> memref<128x128xf32, #tpu.memory_space<vmem_shared>>
      %dma_wait3A_466 = arith.constant 0 : i32
      %dma_wait3A_467 = arith.constant 0 : i32
      %dma_wait3A_468 = tpu.memref_slice %arg12[%dma_wait3A_466, %dma_wait3A_467] : memref<128x128xf32, #tpu.memory_space<vmem>> -> memref<128x128xf32, #tpu.memory_space<vmem>>
      %dma_wait3A_469 = arith.constant 0 : i32
      %dma_wait3A_470 = tpu.memref_slice %arg15[%add3A_420, %dma_wait3A_469] : memref<10016x128xf32, #tpu.memory_space<vmem_shared>> -> memref<128x128xf32, #tpu.memory_space<vmem_shared>>
      tpu.wait_dma2 semaphore(%run_scoped3A_451 : memref<!tpu.dma_semaphore, #tpu.memory_space<semaphore_mem>>) src(%dma_wait3A_470 : memref<128x128xf32, #tpu.memory_space<vmem_shared>>) dst(%dma_wait3A_468 : memref<128x128xf32, #tpu.memory_space<vmem>>)
      tpu.yield
    }) : () -> ()
    "tpu.region"() ({
      %run_scoped3A_451 = tpu.sem_alloc : memref<!tpu.dma_semaphore, #tpu.memory_space<semaphore_mem>>
      %dma_start3A_452 = arith.constant 0 : i32
      %dma_start3A_453 = arith.constant 0 : i32
      %dma_start3A_454 = tpu.memref_slice %arg12[%dma_start3A_452, %dma_start3A_453] : memref<128x128xf32, #tpu.memory_space<vmem>> -> memref<128x128xf32, #tpu.memory_space<vmem>>
      %dma_start3A_455 = arith.constant 256 : i32
      %dma_start3A_456 = arith.constant 0 : i32
      %dma_start3A_457 = tpu.memref_slice %arg7[%arg0, %arg1, %dma_start3A_455, %dma_start3A_456] : memref<2x16x625x128xf32, #tpu.memory_space<hbm>> -> memref<1x1x128x128xf32, #tpu.memory_space<hbm>>
      %dma_start3A_458 = tpu.memref_squeeze %dma_start3A_457 : memref<1x1x128x128xf32, #tpu.memory_space<hbm>> -> memref<128x128xf32, #tpu.memory_space<hbm>>
      %dma_start3A_459 = arith.constant 256 : i32
      %dma_start3A_460 = arith.constant 0 : i32
      %dma_start3A_461 = tpu.memref_slice %arg7[%arg0, %arg1, %dma_start3A_459, %dma_start3A_460] : memref<2x16x625x128xf32, #tpu.memory_space<hbm>> -> memref<1x1x128x128xf32, #tpu.memory_space<hbm>>
      %dma_start3A_462 = tpu.memref_squeeze %dma_start3A_461 : memref<1x1x128x128xf32, #tpu.memory_space<hbm>> -> memref<128x128xf32, #tpu.memory_space<hbm>>
      %dma_start3A_463 = arith.constant 0 : i32
      %dma_start3A_464 = arith.constant 0 : i32
      %dma_start3A_465 = tpu.memref_slice %arg12[%dma_start3A_463, %dma_start3A_464] : memref<128x128xf32, #tpu.memory_space<vmem>> -> memref<128x128xf32, #tpu.memory_space<vmem>>
      tpu.enqueue_dma source(%dma_start3A_465 : memref<128x128xf32, #tpu.memory_space<vmem>>) target(%dma_start3A_462 : memref<128x128xf32, #tpu.memory_space<hbm>>) target_semaphore(%run_scoped3A_451 : memref<!tpu.dma_semaphore, #tpu.memory_space<semaphore_mem>>)
      %dma_wait3A = arith.constant 0 : i32
      %dma_wait3A_466 = arith.constant 0 : i32
      %dma_wait3A_467 = tpu.memref_slice %arg12[%dma_wait3A, %dma_wait3A_466] : memref<128x128xf32, #tpu.memory_space<vmem>> -> memref<128x128xf32, #tpu.memory_space<vmem>>
      %dma_wait3A_468 = arith.constant 256 : i32
      %dma_wait3A_469 = arith.constant 0 : i32
      %dma_wait3A_470 = tpu.memref_slice %arg7[%arg0, %arg1, %dma_wait3A_468, %dma_wait3A_469] : memref<2x16x625x128xf32, #tpu.memory_space<hbm>> -> memref<1x1x128x128xf32, #tpu.memory_space<hbm>>
      %dma_wait3A_471 = tpu.memref_squeeze %dma_wait3A_470 : memref<1x1x128x128xf32, #tpu.memory_space<hbm>> -> memref<128x128xf32, #tpu.memory_space<hbm>>
      %dma_wait3A_472 = arith.constant 256 : i32
      %dma_wait3A_473 = arith.constant 0 : i32
      %dma_wait3A_474 = tpu.memref_slice %arg7[%arg0, %arg1, %dma_wait3A_472, %dma_wait3A_473] : memref<2x16x625x128xf32, #tpu.memory_space<hbm>> -> memref<1x1x128x128xf32, #tpu.memory_space<hbm>>
      %dma_wait3A_475 = tpu.memref_squeeze %dma_wait3A_474 : memref<1x1x128x128xf32, #tpu.memory_space<hbm>> -> memref<128x128xf32, #tpu.memory_space<hbm>>
      %dma_wait3A_476 = arith.constant 0 : i32
      %dma_wait3A_477 = arith.constant 0 : i32
      %dma_wait3A_478 = tpu.memref_slice %arg12[%dma_wait3A_476, %dma_wait3A_477] : memref<128x128xf32, #tpu.memory_space<vmem>> -> memref<128x128xf32, #tpu.memory_space<vmem>>
      tpu.wait_dma2 semaphore(%run_scoped3A_451 : memref<!tpu.dma_semaphore, #tpu.memory_space<semaphore_mem>>) src(%dma_wait3A_478 : memref<128x128xf32, #tpu.memory_space<vmem>>) dst(%dma_wait3A_475 : memref<128x128xf32, #tpu.memory_space<hbm>>)
      tpu.yield
    }) : () -> ()
    %add3A_421 = arith.constant 384 : i32
    %add3A_422 = arith.addi %mul3A_414, %add3A_421 : i32
    "tpu.region"() ({
      %run_scoped3A_451 = tpu.sem_alloc : memref<!tpu.dma_semaphore, #tpu.memory_space<semaphore_mem>>
      %dma_start3A_452 = arith.constant 0 : i32
      %dma_start3A_453 = arith.constant 0 : i32
      %dma_start3A_454 = tpu.memref_slice %arg12[%dma_start3A_452, %dma_start3A_453] : memref<128x128xf32, #tpu.memory_space<vmem>> -> memref<128x128xf32, #tpu.memory_space<vmem>>
      %dma_start3A_455 = arith.constant 0 : i32
      %dma_start3A_456 = tpu.memref_slice %arg15[%add3A_422, %dma_start3A_455] : memref<10016x128xf32, #tpu.memory_space<vmem_shared>> -> memref<128x128xf32, #tpu.memory_space<vmem_shared>>
      %dma_start3A_457 = arith.constant 0 : i32
      %dma_start3A_458 = arith.constant 0 : i32
      %dma_start3A_459 = tpu.memref_slice %arg12[%dma_start3A_457, %dma_start3A_458] : memref<128x128xf32, #tpu.memory_space<vmem>> -> memref<128x128xf32, #tpu.memory_space<vmem>>
      %dma_start3A_460 = arith.constant 0 : i32
      %dma_start3A_461 = tpu.memref_slice %arg15[%add3A_422, %dma_start3A_460] : memref<10016x128xf32, #tpu.memory_space<vmem_shared>> -> memref<128x128xf32, #tpu.memory_space<vmem_shared>>
      tpu.enqueue_dma source(%dma_start3A_461 : memref<128x128xf32, #tpu.memory_space<vmem_shared>>) target(%dma_start3A_459 : memref<128x128xf32, #tpu.memory_space<vmem>>) target_semaphore(%run_scoped3A_451 : memref<!tpu.dma_semaphore, #tpu.memory_space<semaphore_mem>>)
      %dma_wait3A = arith.constant 0 : i32
      %dma_wait3A_462 = arith.constant 0 : i32
      %dma_wait3A_463 = tpu.memref_slice %arg12[%dma_wait3A, %dma_wait3A_462] : memref<128x128xf32, #tpu.memory_space<vmem>> -> memref<128x128xf32, #tpu.memory_space<vmem>>
      %dma_wait3A_464 = arith.constant 0 : i32
      %dma_wait3A_465 = tpu.memref_slice %arg15[%add3A_422, %dma_wait3A_464] : memref<10016x128xf32, #tpu.memory_space<vmem_shared>> -> memref<128x128xf32, #tpu.memory_space<vmem_shared>>
      %dma_wait3A_466 = arith.constant 0 : i32
      %dma_wait3A_467 = arith.constant 0 : i32
      %dma_wait3A_468 = tpu.memref_slice %arg12[%dma_wait3A_466, %dma_wait3A_467] : memref<128x128xf32, #tpu.memory_space<vmem>> -> memref<128x128xf32, #tpu.memory_space<vmem>>
      %dma_wait3A_469 = arith.constant 0 : i32
      %dma_wait3A_470 = tpu.memref_slice %arg15[%add3A_422, %dma_wait3A_469] : memref<10016x128xf32, #tpu.memory_space<vmem_shared>> -> memref<128x128xf32, #tpu.memory_space<vmem_shared>>
      tpu.wait_dma2 semaphore(%run_scoped3A_451 : memref<!tpu.dma_semaphore, #tpu.memory_space<semaphore_mem>>) src(%dma_wait3A_470 : memref<128x128xf32, #tpu.memory_space<vmem_shared>>) dst(%dma_wait3A_468 : memref<128x128xf32, #tpu.memory_space<vmem>>)
      tpu.yield
    }) : () -> ()
    "tpu.region"() ({
      %run_scoped3A_451 = tpu.sem_alloc : memref<!tpu.dma_semaphore, #tpu.memory_space<semaphore_mem>>
      %dma_start3A_452 = arith.constant 0 : i32
      %dma_start3A_453 = arith.constant 0 : i32
      %dma_start3A_454 = tpu.memref_slice %arg12[%dma_start3A_452, %dma_start3A_453] : memref<128x128xf32, #tpu.memory_space<vmem>> -> memref<128x128xf32, #tpu.memory_space<vmem>>
      %dma_start3A_455 = arith.constant 384 : i32
      %dma_start3A_456 = arith.constant 0 : i32
      %dma_start3A_457 = tpu.memref_slice %arg7[%arg0, %arg1, %dma_start3A_455, %dma_start3A_456] : memref<2x16x625x128xf32, #tpu.memory_space<hbm>> -> memref<1x1x128x128xf32, #tpu.memory_space<hbm>>
      %dma_start3A_458 = tpu.memref_squeeze %dma_start3A_457 : memref<1x1x128x128xf32, #tpu.memory_space<hbm>> -> memref<128x128xf32, #tpu.memory_space<hbm>>
      %dma_start3A_459 = arith.constant 384 : i32
      %dma_start3A_460 = arith.constant 0 : i32
      %dma_start3A_461 = tpu.memref_slice %arg7[%arg0, %arg1, %dma_start3A_459, %dma_start3A_460] : memref<2x16x625x128xf32, #tpu.memory_space<hbm>> -> memref<1x1x128x128xf32, #tpu.memory_space<hbm>>
      %dma_start3A_462 = tpu.memref_squeeze %dma_start3A_461 : memref<1x1x128x128xf32, #tpu.memory_space<hbm>> -> memref<128x128xf32, #tpu.memory_space<hbm>>
      %dma_start3A_463 = arith.constant 0 : i32
      %dma_start3A_464 = arith.constant 0 : i32
      %dma_start3A_465 = tpu.memref_slice %arg12[%dma_start3A_463, %dma_start3A_464] : memref<128x128xf32, #tpu.memory_space<vmem>> -> memref<128x128xf32, #tpu.memory_space<vmem>>
      tpu.enqueue_dma source(%dma_start3A_465 : memref<128x128xf32, #tpu.memory_space<vmem>>) target(%dma_start3A_462 : memref<128x128xf32, #tpu.memory_space<hbm>>) target_semaphore(%run_scoped3A_451 : memref<!tpu.dma_semaphore, #tpu.memory_space<semaphore_mem>>)
      %dma_wait3A = arith.constant 0 : i32
      %dma_wait3A_466 = arith.constant 0 : i32
      %dma_wait3A_467 = tpu.memref_slice %arg12[%dma_wait3A, %dma_wait3A_466] : memref<128x128xf32, #tpu.memory_space<vmem>> -> memref<128x128xf32, #tpu.memory_space<vmem>>
      %dma_wait3A_468 = arith.constant 384 : i32
      %dma_wait3A_469 = arith.constant 0 : i32
      %dma_wait3A_470 = tpu.memref_slice %arg7[%arg0, %arg1, %dma_wait3A_468, %dma_wait3A_469] : memref<2x16x625x128xf32, #tpu.memory_space<hbm>> -> memref<1x1x128x128xf32, #tpu.memory_space<hbm>>
      %dma_wait3A_471 = tpu.memref_squeeze %dma_wait3A_470 : memref<1x1x128x128xf32, #tpu.memory_space<hbm>> -> memref<128x128xf32, #tpu.memory_space<hbm>>
      %dma_wait3A_472 = arith.constant 384 : i32
      %dma_wait3A_473 = arith.constant 0 : i32
      %dma_wait3A_474 = tpu.memref_slice %arg7[%arg0, %arg1, %dma_wait3A_472, %dma_wait3A_473] : memref<2x16x625x128xf32, #tpu.memory_space<hbm>> -> memref<1x1x128x128xf32, #tpu.memory_space<hbm>>
      %dma_wait3A_475 = tpu.memref_squeeze %dma_wait3A_474 : memref<1x1x128x128xf32, #tpu.memory_space<hbm>> -> memref<128x128xf32, #tpu.memory_space<hbm>>
      %dma_wait3A_476 = arith.constant 0 : i32
      %dma_wait3A_477 = arith.constant 0 : i32
      %dma_wait3A_478 = tpu.memref_slice %arg12[%dma_wait3A_476, %dma_wait3A_477] : memref<128x128xf32, #tpu.memory_space<vmem>> -> memref<128x128xf32, #tpu.memory_space<vmem>>
      tpu.wait_dma2 semaphore(%run_scoped3A_451 : memref<!tpu.dma_semaphore, #tpu.memory_space<semaphore_mem>>) src(%dma_wait3A_478 : memref<128x128xf32, #tpu.memory_space<vmem>>) dst(%dma_wait3A_475 : memref<128x128xf32, #tpu.memory_space<hbm>>)
      tpu.yield
    }) : () -> ()
    %add3A_423 = arith.constant 512 : i32
    %add3A_424 = arith.addi %mul3A_414, %add3A_423 : i32
    "tpu.region"() ({
      %run_scoped3A_451 = tpu.sem_alloc : memref<!tpu.dma_semaphore, #tpu.memory_space<semaphore_mem>>
      %dma_start3A_452 = arith.constant 0 : i32
      %dma_start3A_453 = arith.constant 0 : i32
      %dma_start3A_454 = tpu.memref_slice %arg12[%dma_start3A_452, %dma_start3A_453] : memref<128x128xf32, #tpu.memory_space<vmem>> -> memref<113x128xf32, #tpu.memory_space<vmem>>
      %dma_start3A_455 = arith.constant 0 : i32
      %dma_start3A_456 = tpu.memref_slice %arg15[%add3A_424, %dma_start3A_455] : memref<10016x128xf32, #tpu.memory_space<vmem_shared>> -> memref<113x128xf32, #tpu.memory_space<vmem_shared>>
      %dma_start3A_457 = arith.constant 0 : i32
      %dma_start3A_458 = arith.constant 0 : i32
      %dma_start3A_459 = tpu.memref_slice %arg12[%dma_start3A_457, %dma_start3A_458] : memref<128x128xf32, #tpu.memory_space<vmem>> -> memref<113x128xf32, #tpu.memory_space<vmem>>
      %dma_start3A_460 = arith.constant 0 : i32
      %dma_start3A_461 = tpu.memref_slice %arg15[%add3A_424, %dma_start3A_460] : memref<10016x128xf32, #tpu.memory_space<vmem_shared>> -> memref<113x128xf32, #tpu.memory_space<vmem_shared>>
      tpu.enqueue_dma source(%dma_start3A_461 : memref<113x128xf32, #tpu.memory_space<vmem_shared>>) target(%dma_start3A_459 : memref<113x128xf32, #tpu.memory_space<vmem>>) target_semaphore(%run_scoped3A_451 : memref<!tpu.dma_semaphore, #tpu.memory_space<semaphore_mem>>)
      %dma_wait3A = arith.constant 0 : i32
      %dma_wait3A_462 = arith.constant 0 : i32
      %dma_wait3A_463 = tpu.memref_slice %arg12[%dma_wait3A, %dma_wait3A_462] : memref<128x128xf32, #tpu.memory_space<vmem>> -> memref<113x128xf32, #tpu.memory_space<vmem>>
      %dma_wait3A_464 = arith.constant 0 : i32
      %dma_wait3A_465 = tpu.memref_slice %arg15[%add3A_424, %dma_wait3A_464] : memref<10016x128xf32, #tpu.memory_space<vmem_shared>> -> memref<113x128xf32, #tpu.memory_space<vmem_shared>>
      %dma_wait3A_466 = arith.constant 0 : i32
      %dma_wait3A_467 = arith.constant 0 : i32
      %dma_wait3A_468 = tpu.memref_slice %arg12[%dma_wait3A_466, %dma_wait3A_467] : memref<128x128xf32, #tpu.memory_space<vmem>> -> memref<113x128xf32, #tpu.memory_space<vmem>>
      %dma_wait3A_469 = arith.constant 0 : i32
      %dma_wait3A_470 = tpu.memref_slice %arg15[%add3A_424, %dma_wait3A_469] : memref<10016x128xf32, #tpu.memory_space<vmem_shared>> -> memref<113x128xf32, #tpu.memory_space<vmem_shared>>
      tpu.wait_dma2 semaphore(%run_scoped3A_451 : memref<!tpu.dma_semaphore, #tpu.memory_space<semaphore_mem>>) src(%dma_wait3A_470 : memref<113x128xf32, #tpu.memory_space<vmem_shared>>) dst(%dma_wait3A_468 : memref<113x128xf32, #tpu.memory_space<vmem>>)
      tpu.yield
    }) : () -> ()
    "tpu.region"() ({
      %run_scoped3A_451 = tpu.sem_alloc : memref<!tpu.dma_semaphore, #tpu.memory_space<semaphore_mem>>
      %dma_start3A_452 = arith.constant 0 : i32
      %dma_start3A_453 = arith.constant 0 : i32
      %dma_start3A_454 = tpu.memref_slice %arg12[%dma_start3A_452, %dma_start3A_453] : memref<128x128xf32, #tpu.memory_space<vmem>> -> memref<113x128xf32, #tpu.memory_space<vmem>>
      %dma_start3A_455 = arith.constant 512 : i32
      %dma_start3A_456 = arith.constant 0 : i32
      %dma_start3A_457 = tpu.memref_slice %arg7[%arg0, %arg1, %dma_start3A_455, %dma_start3A_456] : memref<2x16x625x128xf32, #tpu.memory_space<hbm>> -> memref<1x1x113x128xf32, #tpu.memory_space<hbm>>
      %dma_start3A_458 = tpu.memref_squeeze %dma_start3A_457 : memref<1x1x113x128xf32, #tpu.memory_space<hbm>> -> memref<113x128xf32, #tpu.memory_space<hbm>>
      %dma_start3A_459 = arith.constant 512 : i32
      %dma_start3A_460 = arith.constant 0 : i32
      %dma_start3A_461 = tpu.memref_slice %arg7[%arg0, %arg1, %dma_start3A_459, %dma_start3A_460] : memref<2x16x625x128xf32, #tpu.memory_space<hbm>> -> memref<1x1x113x128xf32, #tpu.memory_space<hbm>>
      %dma_start3A_462 = tpu.memref_squeeze %dma_start3A_461 : memref<1x1x113x128xf32, #tpu.memory_space<hbm>> -> memref<113x128xf32, #tpu.memory_space<hbm>>
      %dma_start3A_463 = arith.constant 0 : i32
      %dma_start3A_464 = arith.constant 0 : i32
      %dma_start3A_465 = tpu.memref_slice %arg12[%dma_start3A_463, %dma_start3A_464] : memref<128x128xf32, #tpu.memory_space<vmem>> -> memref<113x128xf32, #tpu.memory_space<vmem>>
      tpu.enqueue_dma source(%dma_start3A_465 : memref<113x128xf32, #tpu.memory_space<vmem>>) target(%dma_start3A_462 : memref<113x128xf32, #tpu.memory_space<hbm>>) target_semaphore(%run_scoped3A_451 : memref<!tpu.dma_semaphore, #tpu.memory_space<semaphore_mem>>)
      %dma_wait3A = arith.constant 0 : i32
      %dma_wait3A_466 = arith.constant 0 : i32
      %dma_wait3A_467 = tpu.memref_slice %arg12[%dma_wait3A, %dma_wait3A_466] : memref<128x128xf32, #tpu.memory_space<vmem>> -> memref<113x128xf32, #tpu.memory_space<vmem>>
      %dma_wait3A_468 = arith.constant 512 : i32
      %dma_wait3A_469 = arith.constant 0 : i32
      %dma_wait3A_470 = tpu.memref_slice %arg7[%arg0, %arg1, %dma_wait3A_468, %dma_wait3A_469] : memref<2x16x625x128xf32, #tpu.memory_space<hbm>> -> memref<1x1x113x128xf32, #tpu.memory_space<hbm>>
      %dma_wait3A_471 = tpu.memref_squeeze %dma_wait3A_470 : memref<1x1x113x128xf32, #tpu.memory_space<hbm>> -> memref<113x128xf32, #tpu.memory_space<hbm>>
      %dma_wait3A_472 = arith.constant 512 : i32
      %dma_wait3A_473 = arith.constant 0 : i32
      %dma_wait3A_474 = tpu.memref_slice %arg7[%arg0, %arg1, %dma_wait3A_472, %dma_wait3A_473] : memref<2x16x625x128xf32, #tpu.memory_space<hbm>> -> memref<1x1x113x128xf32, #tpu.memory_space<hbm>>
      %dma_wait3A_475 = tpu.memref_squeeze %dma_wait3A_474 : memref<1x1x113x128xf32, #tpu.memory_space<hbm>> -> memref<113x128xf32, #tpu.memory_space<hbm>>
      %dma_wait3A_476 = arith.constant 0 : i32
      %dma_wait3A_477 = arith.constant 0 : i32
      %dma_wait3A_478 = tpu.memref_slice %arg12[%dma_wait3A_476, %dma_wait3A_477] : memref<128x128xf32, #tpu.memory_space<vmem>> -> memref<113x128xf32, #tpu.memory_space<vmem>>
      tpu.wait_dma2 semaphore(%run_scoped3A_451 : memref<!tpu.dma_semaphore, #tpu.memory_space<semaphore_mem>>) src(%dma_wait3A_478 : memref<113x128xf32, #tpu.memory_space<vmem>>) dst(%dma_wait3A_475 : memref<113x128xf32, #tpu.memory_space<hbm>>)
      tpu.yield
    }) : () -> ()
    %mul3A_425 = arith.constant 640 : i32
    %mul3A_426 = arith.muli %arg1, %mul3A_425 : i32
    %add3A_427 = arith.constant 0 : i32
    %add3A_428 = arith.addi %mul3A_426, %add3A_427 : i32
    "tpu.region"() ({
      %run_scoped3A_451 = tpu.sem_alloc : memref<!tpu.dma_semaphore, #tpu.memory_space<semaphore_mem>>
      %dma_start3A_452 = arith.constant 0 : i32
      %dma_start3A_453 = tpu.memref_slice %arg14[%dma_start3A_452] : memref<128xf32, #tpu.memory_space<vmem>> -> memref<128xf32, #tpu.memory_space<vmem>>
      %dma_start3A_454 = tpu.memref_slice %arg16[%add3A_428] : memref<10240xf32, #tpu.memory_space<vmem_shared>> -> memref<128xf32, #tpu.memory_space<vmem_shared>>
      %dma_start3A_455 = arith.constant 0 : i32
      %dma_start3A_456 = tpu.memref_slice %arg14[%dma_start3A_455] : memref<128xf32, #tpu.memory_space<vmem>> -> memref<128xf32, #tpu.memory_space<vmem>>
      %dma_start3A_457 = tpu.memref_slice %arg16[%add3A_428] : memref<10240xf32, #tpu.memory_space<vmem_shared>> -> memref<128xf32, #tpu.memory_space<vmem_shared>>
      tpu.enqueue_dma source(%dma_start3A_457 : memref<128xf32, #tpu.memory_space<vmem_shared>>) target(%dma_start3A_456 : memref<128xf32, #tpu.memory_space<vmem>>) target_semaphore(%run_scoped3A_451 : memref<!tpu.dma_semaphore, #tpu.memory_space<semaphore_mem>>)
      %dma_wait3A = arith.constant 0 : i32
      %dma_wait3A_458 = tpu.memref_slice %arg14[%dma_wait3A] : memref<128xf32, #tpu.memory_space<vmem>> -> memref<128xf32, #tpu.memory_space<vmem>>
      %dma_wait3A_459 = tpu.memref_slice %arg16[%add3A_428] : memref<10240xf32, #tpu.memory_space<vmem_shared>> -> memref<128xf32, #tpu.memory_space<vmem_shared>>
      %dma_wait3A_460 = arith.constant 0 : i32
      %dma_wait3A_461 = tpu.memref_slice %arg14[%dma_wait3A_460] : memref<128xf32, #tpu.memory_space<vmem>> -> memref<128xf32, #tpu.memory_space<vmem>>
      %dma_wait3A_462 = tpu.memref_slice %arg16[%add3A_428] : memref<10240xf32, #tpu.memory_space<vmem_shared>> -> memref<128xf32, #tpu.memory_space<vmem_shared>>
      tpu.wait_dma2 semaphore(%run_scoped3A_451 : memref<!tpu.dma_semaphore, #tpu.memory_space<semaphore_mem>>) src(%dma_wait3A_462 : memref<128xf32, #tpu.memory_space<vmem_shared>>) dst(%dma_wait3A_461 : memref<128xf32, #tpu.memory_space<vmem>>)
      tpu.yield
    }) : () -> ()
    %add3A_429 = arith.constant 0 : i32
    %add3A_430 = arith.addi %mul3A_426, %add3A_429 : i32
    %run_scoped3A = arith.constant 0 : i32
    "tpu.region"() ({
      %run_scoped3A_451 = tpu.sem_alloc : memref<!tpu.dma_semaphore, #tpu.memory_space<semaphore_mem>>
      %dma_start3A_452 = arith.constant 0 : i32
      %dma_start3A_453 = tpu.memref_slice %arg14[%dma_start3A_452] : memref<128xf32, #tpu.memory_space<vmem>> -> memref<128xf32, #tpu.memory_space<vmem>>
      %dma_start3A_454 = tpu.memref_slice %arg8[%arg0, %run_scoped3A, %add3A_430] : memref<2x1x10240xf32, #tpu.memory_space<hbm>> -> memref<1x1x128xf32, #tpu.memory_space<hbm>>
      %dma_start3A_455 = tpu.memref_squeeze %dma_start3A_454 : memref<1x1x128xf32, #tpu.memory_space<hbm>> -> memref<128xf32, #tpu.memory_space<hbm>>
      %dma_start3A_456 = tpu.memref_slice %arg8[%arg0, %run_scoped3A, %add3A_430] : memref<2x1x10240xf32, #tpu.memory_space<hbm>> -> memref<1x1x128xf32, #tpu.memory_space<hbm>>
      %dma_start3A_457 = tpu.memref_squeeze %dma_start3A_456 : memref<1x1x128xf32, #tpu.memory_space<hbm>> -> memref<128xf32, #tpu.memory_space<hbm>>
      %dma_start3A_458 = arith.constant 0 : i32
      %dma_start3A_459 = tpu.memref_slice %arg14[%dma_start3A_458] : memref<128xf32, #tpu.memory_space<vmem>> -> memref<128xf32, #tpu.memory_space<vmem>>
      tpu.enqueue_dma source(%dma_start3A_459 : memref<128xf32, #tpu.memory_space<vmem>>) target(%dma_start3A_457 : memref<128xf32, #tpu.memory_space<hbm>>) target_semaphore(%run_scoped3A_451 : memref<!tpu.dma_semaphore, #tpu.memory_space<semaphore_mem>>)
      %dma_wait3A = arith.constant 0 : i32
      %dma_wait3A_460 = tpu.memref_slice %arg14[%dma_wait3A] : memref<128xf32, #tpu.memory_space<vmem>> -> memref<128xf32, #tpu.memory_space<vmem>>
      %dma_wait3A_461 = tpu.memref_slice %arg8[%arg0, %run_scoped3A, %add3A_430] : memref<2x1x10240xf32, #tpu.memory_space<hbm>> -> memref<1x1x128xf32, #tpu.memory_space<hbm>>
      %dma_wait3A_462 = tpu.memref_squeeze %dma_wait3A_461 : memref<1x1x128xf32, #tpu.memory_space<hbm>> -> memref<128xf32, #tpu.memory_space<hbm>>
      %dma_wait3A_463 = tpu.memref_slice %arg8[%arg0, %run_scoped3A, %add3A_430] : memref<2x1x10240xf32, #tpu.memory_space<hbm>> -> memref<1x1x128xf32, #tpu.memory_space<hbm>>
      %dma_wait3A_464 = tpu.memref_squeeze %dma_wait3A_463 : memref<1x1x128xf32, #tpu.memory_space<hbm>> -> memref<128xf32, #tpu.memory_space<hbm>>
      %dma_wait3A_465 = arith.constant 0 : i32
      %dma_wait3A_466 = tpu.memref_slice %arg14[%dma_wait3A_465] : memref<128xf32, #tpu.memory_space<vmem>> -> memref<128xf32, #tpu.memory_space<vmem>>
      tpu.wait_dma2 semaphore(%run_scoped3A_451 : memref<!tpu.dma_semaphore, #tpu.memory_space<semaphore_mem>>) src(%dma_wait3A_466 : memref<128xf32, #tpu.memory_space<vmem>>) dst(%dma_wait3A_464 : memref<128xf32, #tpu.memory_space<hbm>>)
      tpu.yield
    }) : () -> ()
    %add3A_431 = arith.constant 128 : i32
    %add3A_432 = arith.addi %mul3A_426, %add3A_431 : i32
    "tpu.region"() ({
      %run_scoped3A_451 = tpu.sem_alloc : memref<!tpu.dma_semaphore, #tpu.memory_space<semaphore_mem>>
      %dma_start3A_452 = arith.constant 0 : i32
      %dma_start3A_453 = tpu.memref_slice %arg14[%dma_start3A_452] : memref<128xf32, #tpu.memory_space<vmem>> -> memref<128xf32, #tpu.memory_space<vmem>>
      %dma_start3A_454 = tpu.memref_slice %arg16[%add3A_432] : memref<10240xf32, #tpu.memory_space<vmem_shared>> -> memref<128xf32, #tpu.memory_space<vmem_shared>>
      %dma_start3A_455 = arith.constant 0 : i32
      %dma_start3A_456 = tpu.memref_slice %arg14[%dma_start3A_455] : memref<128xf32, #tpu.memory_space<vmem>> -> memref<128xf32, #tpu.memory_space<vmem>>
      %dma_start3A_457 = tpu.memref_slice %arg16[%add3A_432] : memref<10240xf32, #tpu.memory_space<vmem_shared>> -> memref<128xf32, #tpu.memory_space<vmem_shared>>
      tpu.enqueue_dma source(%dma_start3A_457 : memref<128xf32, #tpu.memory_space<vmem_shared>>) target(%dma_start3A_456 : memref<128xf32, #tpu.memory_space<vmem>>) target_semaphore(%run_scoped3A_451 : memref<!tpu.dma_semaphore, #tpu.memory_space<semaphore_mem>>)
      %dma_wait3A = arith.constant 0 : i32
      %dma_wait3A_458 = tpu.memref_slice %arg14[%dma_wait3A] : memref<128xf32, #tpu.memory_space<vmem>> -> memref<128xf32, #tpu.memory_space<vmem>>
      %dma_wait3A_459 = tpu.memref_slice %arg16[%add3A_432] : memref<10240xf32, #tpu.memory_space<vmem_shared>> -> memref<128xf32, #tpu.memory_space<vmem_shared>>
      %dma_wait3A_460 = arith.constant 0 : i32
      %dma_wait3A_461 = tpu.memref_slice %arg14[%dma_wait3A_460] : memref<128xf32, #tpu.memory_space<vmem>> -> memref<128xf32, #tpu.memory_space<vmem>>
      %dma_wait3A_462 = tpu.memref_slice %arg16[%add3A_432] : memref<10240xf32, #tpu.memory_space<vmem_shared>> -> memref<128xf32, #tpu.memory_space<vmem_shared>>
      tpu.wait_dma2 semaphore(%run_scoped3A_451 : memref<!tpu.dma_semaphore, #tpu.memory_space<semaphore_mem>>) src(%dma_wait3A_462 : memref<128xf32, #tpu.memory_space<vmem_shared>>) dst(%dma_wait3A_461 : memref<128xf32, #tpu.memory_space<vmem>>)
      tpu.yield
    }) : () -> ()
    %add3A_433 = arith.constant 128 : i32
    %add3A_434 = arith.addi %mul3A_426, %add3A_433 : i32
    %run_scoped3A_435 = arith.constant 0 : i32
    "tpu.region"() ({
      %run_scoped3A_451 = tpu.sem_alloc : memref<!tpu.dma_semaphore, #tpu.memory_space<semaphore_mem>>
      %dma_start3A_452 = arith.constant 0 : i32
      %dma_start3A_453 = tpu.memref_slice %arg14[%dma_start3A_452] : memref<128xf32, #tpu.memory_space<vmem>> -> memref<128xf32, #tpu.memory_space<vmem>>
      %dma_start3A_454 = tpu.memref_slice %arg8[%arg0, %run_scoped3A_435, %add3A_434] : memref<2x1x10240xf32, #tpu.memory_space<hbm>> -> memref<1x1x128xf32, #tpu.memory_space<hbm>>
      %dma_start3A_455 = tpu.memref_squeeze %dma_start3A_454 : memref<1x1x128xf32, #tpu.memory_space<hbm>> -> memref<128xf32, #tpu.memory_space<hbm>>
      %dma_start3A_456 = tpu.memref_slice %arg8[%arg0, %run_scoped3A_435, %add3A_434] : memref<2x1x10240xf32, #tpu.memory_space<hbm>> -> memref<1x1x128xf32, #tpu.memory_space<hbm>>
      %dma_start3A_457 = tpu.memref_squeeze %dma_start3A_456 : memref<1x1x128xf32, #tpu.memory_space<hbm>> -> memref<128xf32, #tpu.memory_space<hbm>>
      %dma_start3A_458 = arith.constant 0 : i32
      %dma_start3A_459 = tpu.memref_slice %arg14[%dma_start3A_458] : memref<128xf32, #tpu.memory_space<vmem>> -> memref<128xf32, #tpu.memory_space<vmem>>
      tpu.enqueue_dma source(%dma_start3A_459 : memref<128xf32, #tpu.memory_space<vmem>>) target(%dma_start3A_457 : memref<128xf32, #tpu.memory_space<hbm>>) target_semaphore(%run_scoped3A_451 : memref<!tpu.dma_semaphore, #tpu.memory_space<semaphore_mem>>)
      %dma_wait3A = arith.constant 0 : i32
      %dma_wait3A_460 = tpu.memref_slice %arg14[%dma_wait3A] : memref<128xf32, #tpu.memory_space<vmem>> -> memref<128xf32, #tpu.memory_space<vmem>>
      %dma_wait3A_461 = tpu.memref_slice %arg8[%arg0, %run_scoped3A_435, %add3A_434] : memref<2x1x10240xf32, #tpu.memory_space<hbm>> -> memref<1x1x128xf32, #tpu.memory_space<hbm>>
      %dma_wait3A_462 = tpu.memref_squeeze %dma_wait3A_461 : memref<1x1x128xf32, #tpu.memory_space<hbm>> -> memref<128xf32, #tpu.memory_space<hbm>>
      %dma_wait3A_463 = tpu.memref_slice %arg8[%arg0, %run_scoped3A_435, %add3A_434] : memref<2x1x10240xf32, #tpu.memory_space<hbm>> -> memref<1x1x128xf32, #tpu.memory_space<hbm>>
      %dma_wait3A_464 = tpu.memref_squeeze %dma_wait3A_463 : memref<1x1x128xf32, #tpu.memory_space<hbm>> -> memref<128xf32, #tpu.memory_space<hbm>>
      %dma_wait3A_465 = arith.constant 0 : i32
      %dma_wait3A_466 = tpu.memref_slice %arg14[%dma_wait3A_465] : memref<128xf32, #tpu.memory_space<vmem>> -> memref<128xf32, #tpu.memory_space<vmem>>
      tpu.wait_dma2 semaphore(%run_scoped3A_451 : memref<!tpu.dma_semaphore, #tpu.memory_space<semaphore_mem>>) src(%dma_wait3A_466 : memref<128xf32, #tpu.memory_space<vmem>>) dst(%dma_wait3A_464 : memref<128xf32, #tpu.memory_space<hbm>>)
      tpu.yield
    }) : () -> ()
    %add3A_436 = arith.constant 256 : i32
    %add3A_437 = arith.addi %mul3A_426, %add3A_436 : i32
    "tpu.region"() ({
      %run_scoped3A_451 = tpu.sem_alloc : memref<!tpu.dma_semaphore, #tpu.memory_space<semaphore_mem>>
      %dma_start3A_452 = arith.constant 0 : i32
      %dma_start3A_453 = tpu.memref_slice %arg14[%dma_start3A_452] : memref<128xf32, #tpu.memory_space<vmem>> -> memref<128xf32, #tpu.memory_space<vmem>>
      %dma_start3A_454 = tpu.memref_slice %arg16[%add3A_437] : memref<10240xf32, #tpu.memory_space<vmem_shared>> -> memref<128xf32, #tpu.memory_space<vmem_shared>>
      %dma_start3A_455 = arith.constant 0 : i32
      %dma_start3A_456 = tpu.memref_slice %arg14[%dma_start3A_455] : memref<128xf32, #tpu.memory_space<vmem>> -> memref<128xf32, #tpu.memory_space<vmem>>
      %dma_start3A_457 = tpu.memref_slice %arg16[%add3A_437] : memref<10240xf32, #tpu.memory_space<vmem_shared>> -> memref<128xf32, #tpu.memory_space<vmem_shared>>
      tpu.enqueue_dma source(%dma_start3A_457 : memref<128xf32, #tpu.memory_space<vmem_shared>>) target(%dma_start3A_456 : memref<128xf32, #tpu.memory_space<vmem>>) target_semaphore(%run_scoped3A_451 : memref<!tpu.dma_semaphore, #tpu.memory_space<semaphore_mem>>)
      %dma_wait3A = arith.constant 0 : i32
      %dma_wait3A_458 = tpu.memref_slice %arg14[%dma_wait3A] : memref<128xf32, #tpu.memory_space<vmem>> -> memref<128xf32, #tpu.memory_space<vmem>>
      %dma_wait3A_459 = tpu.memref_slice %arg16[%add3A_437] : memref<10240xf32, #tpu.memory_space<vmem_shared>> -> memref<128xf32, #tpu.memory_space<vmem_shared>>
      %dma_wait3A_460 = arith.constant 0 : i32
      %dma_wait3A_461 = tpu.memref_slice %arg14[%dma_wait3A_460] : memref<128xf32, #tpu.memory_space<vmem>> -> memref<128xf32, #tpu.memory_space<vmem>>
      %dma_wait3A_462 = tpu.memref_slice %arg16[%add3A_437] : memref<10240xf32, #tpu.memory_space<vmem_shared>> -> memref<128xf32, #tpu.memory_space<vmem_shared>>
      tpu.wait_dma2 semaphore(%run_scoped3A_451 : memref<!tpu.dma_semaphore, #tpu.memory_space<semaphore_mem>>) src(%dma_wait3A_462 : memref<128xf32, #tpu.memory_space<vmem_shared>>) dst(%dma_wait3A_461 : memref<128xf32, #tpu.memory_space<vmem>>)
      tpu.yield
    }) : () -> ()
    %add3A_438 = arith.constant 256 : i32
    %add3A_439 = arith.addi %mul3A_426, %add3A_438 : i32
    %run_scoped3A_440 = arith.constant 0 : i32
    "tpu.region"() ({
      %run_scoped3A_451 = tpu.sem_alloc : memref<!tpu.dma_semaphore, #tpu.memory_space<semaphore_mem>>
      %dma_start3A_452 = arith.constant 0 : i32
      %dma_start3A_453 = tpu.memref_slice %arg14[%dma_start3A_452] : memref<128xf32, #tpu.memory_space<vmem>> -> memref<128xf32, #tpu.memory_space<vmem>>
      %dma_start3A_454 = tpu.memref_slice %arg8[%arg0, %run_scoped3A_440, %add3A_439] : memref<2x1x10240xf32, #tpu.memory_space<hbm>> -> memref<1x1x128xf32, #tpu.memory_space<hbm>>
      %dma_start3A_455 = tpu.memref_squeeze %dma_start3A_454 : memref<1x1x128xf32, #tpu.memory_space<hbm>> -> memref<128xf32, #tpu.memory_space<hbm>>
      %dma_start3A_456 = tpu.memref_slice %arg8[%arg0, %run_scoped3A_440, %add3A_439] : memref<2x1x10240xf32, #tpu.memory_space<hbm>> -> memref<1x1x128xf32, #tpu.memory_space<hbm>>
      %dma_start3A_457 = tpu.memref_squeeze %dma_start3A_456 : memref<1x1x128xf32, #tpu.memory_space<hbm>> -> memref<128xf32, #tpu.memory_space<hbm>>
      %dma_start3A_458 = arith.constant 0 : i32
      %dma_start3A_459 = tpu.memref_slice %arg14[%dma_start3A_458] : memref<128xf32, #tpu.memory_space<vmem>> -> memref<128xf32, #tpu.memory_space<vmem>>
      tpu.enqueue_dma source(%dma_start3A_459 : memref<128xf32, #tpu.memory_space<vmem>>) target(%dma_start3A_457 : memref<128xf32, #tpu.memory_space<hbm>>) target_semaphore(%run_scoped3A_451 : memref<!tpu.dma_semaphore, #tpu.memory_space<semaphore_mem>>)
      %dma_wait3A = arith.constant 0 : i32
      %dma_wait3A_460 = tpu.memref_slice %arg14[%dma_wait3A] : memref<128xf32, #tpu.memory_space<vmem>> -> memref<128xf32, #tpu.memory_space<vmem>>
      %dma_wait3A_461 = tpu.memref_slice %arg8[%arg0, %run_scoped3A_440, %add3A_439] : memref<2x1x10240xf32, #tpu.memory_space<hbm>> -> memref<1x1x128xf32, #tpu.memory_space<hbm>>
      %dma_wait3A_462 = tpu.memref_squeeze %dma_wait3A_461 : memref<1x1x128xf32, #tpu.memory_space<hbm>> -> memref<128xf32, #tpu.memory_space<hbm>>
      %dma_wait3A_463 = tpu.memref_slice %arg8[%arg0, %run_scoped3A_440, %add3A_439] : memref<2x1x10240xf32, #tpu.memory_space<hbm>> -> memref<1x1x128xf32, #tpu.memory_space<hbm>>
      %dma_wait3A_464 = tpu.memref_squeeze %dma_wait3A_463 : memref<1x1x128xf32, #tpu.memory_space<hbm>> -> memref<128xf32, #tpu.memory_space<hbm>>
      %dma_wait3A_465 = arith.constant 0 : i32
      %dma_wait3A_466 = tpu.memref_slice %arg14[%dma_wait3A_465] : memref<128xf32, #tpu.memory_space<vmem>> -> memref<128xf32, #tpu.memory_space<vmem>>
      tpu.wait_dma2 semaphore(%run_scoped3A_451 : memref<!tpu.dma_semaphore, #tpu.memory_space<semaphore_mem>>) src(%dma_wait3A_466 : memref<128xf32, #tpu.memory_space<vmem>>) dst(%dma_wait3A_464 : memref<128xf32, #tpu.memory_space<hbm>>)
      tpu.yield
    }) : () -> ()
    %add3A_441 = arith.constant 384 : i32
    %add3A_442 = arith.addi %mul3A_426, %add3A_441 : i32
    "tpu.region"() ({
      %run_scoped3A_451 = tpu.sem_alloc : memref<!tpu.dma_semaphore, #tpu.memory_space<semaphore_mem>>
      %dma_start3A_452 = arith.constant 0 : i32
      %dma_start3A_453 = tpu.memref_slice %arg14[%dma_start3A_452] : memref<128xf32, #tpu.memory_space<vmem>> -> memref<128xf32, #tpu.memory_space<vmem>>
      %dma_start3A_454 = tpu.memref_slice %arg16[%add3A_442] : memref<10240xf32, #tpu.memory_space<vmem_shared>> -> memref<128xf32, #tpu.memory_space<vmem_shared>>
      %dma_start3A_455 = arith.constant 0 : i32
      %dma_start3A_456 = tpu.memref_slice %arg14[%dma_start3A_455] : memref<128xf32, #tpu.memory_space<vmem>> -> memref<128xf32, #tpu.memory_space<vmem>>
      %dma_start3A_457 = tpu.memref_slice %arg16[%add3A_442] : memref<10240xf32, #tpu.memory_space<vmem_shared>> -> memref<128xf32, #tpu.memory_space<vmem_shared>>
      tpu.enqueue_dma source(%dma_start3A_457 : memref<128xf32, #tpu.memory_space<vmem_shared>>) target(%dma_start3A_456 : memref<128xf32, #tpu.memory_space<vmem>>) target_semaphore(%run_scoped3A_451 : memref<!tpu.dma_semaphore, #tpu.memory_space<semaphore_mem>>)
      %dma_wait3A = arith.constant 0 : i32
      %dma_wait3A_458 = tpu.memref_slice %arg14[%dma_wait3A] : memref<128xf32, #tpu.memory_space<vmem>> -> memref<128xf32, #tpu.memory_space<vmem>>
      %dma_wait3A_459 = tpu.memref_slice %arg16[%add3A_442] : memref<10240xf32, #tpu.memory_space<vmem_shared>> -> memref<128xf32, #tpu.memory_space<vmem_shared>>
      %dma_wait3A_460 = arith.constant 0 : i32
      %dma_wait3A_461 = tpu.memref_slice %arg14[%dma_wait3A_460] : memref<128xf32, #tpu.memory_space<vmem>> -> memref<128xf32, #tpu.memory_space<vmem>>
      %dma_wait3A_462 = tpu.memref_slice %arg16[%add3A_442] : memref<10240xf32, #tpu.memory_space<vmem_shared>> -> memref<128xf32, #tpu.memory_space<vmem_shared>>
      tpu.wait_dma2 semaphore(%run_scoped3A_451 : memref<!tpu.dma_semaphore, #tpu.memory_space<semaphore_mem>>) src(%dma_wait3A_462 : memref<128xf32, #tpu.memory_space<vmem_shared>>) dst(%dma_wait3A_461 : memref<128xf32, #tpu.memory_space<vmem>>)
      tpu.yield
    }) : () -> ()
    %add3A_443 = arith.constant 384 : i32
    %add3A_444 = arith.addi %mul3A_426, %add3A_443 : i32
    %run_scoped3A_445 = arith.constant 0 : i32
    "tpu.region"() ({
      %run_scoped3A_451 = tpu.sem_alloc : memref<!tpu.dma_semaphore, #tpu.memory_space<semaphore_mem>>
      %dma_start3A_452 = arith.constant 0 : i32
      %dma_start3A_453 = tpu.memref_slice %arg14[%dma_start3A_452] : memref<128xf32, #tpu.memory_space<vmem>> -> memref<128xf32, #tpu.memory_space<vmem>>
      %dma_start3A_454 = tpu.memref_slice %arg8[%arg0, %run_scoped3A_445, %add3A_444] : memref<2x1x10240xf32, #tpu.memory_space<hbm>> -> memref<1x1x128xf32, #tpu.memory_space<hbm>>
      %dma_start3A_455 = tpu.memref_squeeze %dma_start3A_454 : memref<1x1x128xf32, #tpu.memory_space<hbm>> -> memref<128xf32, #tpu.memory_space<hbm>>
      %dma_start3A_456 = tpu.memref_slice %arg8[%arg0, %run_scoped3A_445, %add3A_444] : memref<2x1x10240xf32, #tpu.memory_space<hbm>> -> memref<1x1x128xf32, #tpu.memory_space<hbm>>
      %dma_start3A_457 = tpu.memref_squeeze %dma_start3A_456 : memref<1x1x128xf32, #tpu.memory_space<hbm>> -> memref<128xf32, #tpu.memory_space<hbm>>
      %dma_start3A_458 = arith.constant 0 : i32
      %dma_start3A_459 = tpu.memref_slice %arg14[%dma_start3A_458] : memref<128xf32, #tpu.memory_space<vmem>> -> memref<128xf32, #tpu.memory_space<vmem>>
      tpu.enqueue_dma source(%dma_start3A_459 : memref<128xf32, #tpu.memory_space<vmem>>) target(%dma_start3A_457 : memref<128xf32, #tpu.memory_space<hbm>>) target_semaphore(%run_scoped3A_451 : memref<!tpu.dma_semaphore, #tpu.memory_space<semaphore_mem>>)
      %dma_wait3A = arith.constant 0 : i32
      %dma_wait3A_460 = tpu.memref_slice %arg14[%dma_wait3A] : memref<128xf32, #tpu.memory_space<vmem>> -> memref<128xf32, #tpu.memory_space<vmem>>
      %dma_wait3A_461 = tpu.memref_slice %arg8[%arg0, %run_scoped3A_445, %add3A_444] : memref<2x1x10240xf32, #tpu.memory_space<hbm>> -> memref<1x1x128xf32, #tpu.memory_space<hbm>>
      %dma_wait3A_462 = tpu.memref_squeeze %dma_wait3A_461 : memref<1x1x128xf32, #tpu.memory_space<hbm>> -> memref<128xf32, #tpu.memory_space<hbm>>
      %dma_wait3A_463 = tpu.memref_slice %arg8[%arg0, %run_scoped3A_445, %add3A_444] : memref<2x1x10240xf32, #tpu.memory_space<hbm>> -> memref<1x1x128xf32, #tpu.memory_space<hbm>>
      %dma_wait3A_464 = tpu.memref_squeeze %dma_wait3A_463 : memref<1x1x128xf32, #tpu.memory_space<hbm>> -> memref<128xf32, #tpu.memory_space<hbm>>
      %dma_wait3A_465 = arith.constant 0 : i32
      %dma_wait3A_466 = tpu.memref_slice %arg14[%dma_wait3A_465] : memref<128xf32, #tpu.memory_space<vmem>> -> memref<128xf32, #tpu.memory_space<vmem>>
      tpu.wait_dma2 semaphore(%run_scoped3A_451 : memref<!tpu.dma_semaphore, #tpu.memory_space<semaphore_mem>>) src(%dma_wait3A_466 : memref<128xf32, #tpu.memory_space<vmem>>) dst(%dma_wait3A_464 : memref<128xf32, #tpu.memory_space<hbm>>)
      tpu.yield
    }) : () -> ()
    %add3A_446 = arith.constant 512 : i32
    %add3A_447 = arith.addi %mul3A_426, %add3A_446 : i32
    "tpu.region"() ({
      %run_scoped3A_451 = tpu.sem_alloc : memref<!tpu.dma_semaphore, #tpu.memory_space<semaphore_mem>>
      %dma_start3A_452 = arith.constant 0 : i32
      %dma_start3A_453 = tpu.memref_slice %arg14[%dma_start3A_452] : memref<128xf32, #tpu.memory_space<vmem>> -> memref<128xf32, #tpu.memory_space<vmem>>
      %dma_start3A_454 = tpu.memref_slice %arg16[%add3A_447] : memref<10240xf32, #tpu.memory_space<vmem_shared>> -> memref<128xf32, #tpu.memory_space<vmem_shared>>
      %dma_start3A_455 = arith.constant 0 : i32
      %dma_start3A_456 = tpu.memref_slice %arg14[%dma_start3A_455] : memref<128xf32, #tpu.memory_space<vmem>> -> memref<128xf32, #tpu.memory_space<vmem>>
      %dma_start3A_457 = tpu.memref_slice %arg16[%add3A_447] : memref<10240xf32, #tpu.memory_space<vmem_shared>> -> memref<128xf32, #tpu.memory_space<vmem_shared>>
      tpu.enqueue_dma source(%dma_start3A_457 : memref<128xf32, #tpu.memory_space<vmem_shared>>) target(%dma_start3A_456 : memref<128xf32, #tpu.memory_space<vmem>>) target_semaphore(%run_scoped3A_451 : memref<!tpu.dma_semaphore, #tpu.memory_space<semaphore_mem>>)
      %dma_wait3A = arith.constant 0 : i32
      %dma_wait3A_458 = tpu.memref_slice %arg14[%dma_wait3A] : memref<128xf32, #tpu.memory_space<vmem>> -> memref<128xf32, #tpu.memory_space<vmem>>
      %dma_wait3A_459 = tpu.memref_slice %arg16[%add3A_447] : memref<10240xf32, #tpu.memory_space<vmem_shared>> -> memref<128xf32, #tpu.memory_space<vmem_shared>>
      %dma_wait3A_460 = arith.constant 0 : i32
      %dma_wait3A_461 = tpu.memref_slice %arg14[%dma_wait3A_460] : memref<128xf32, #tpu.memory_space<vmem>> -> memref<128xf32, #tpu.memory_space<vmem>>
      %dma_wait3A_462 = tpu.memref_slice %arg16[%add3A_447] : memref<10240xf32, #tpu.memory_space<vmem_shared>> -> memref<128xf32, #tpu.memory_space<vmem_shared>>
      tpu.wait_dma2 semaphore(%run_scoped3A_451 : memref<!tpu.dma_semaphore, #tpu.memory_space<semaphore_mem>>) src(%dma_wait3A_462 : memref<128xf32, #tpu.memory_space<vmem_shared>>) dst(%dma_wait3A_461 : memref<128xf32, #tpu.memory_space<vmem>>)
      tpu.yield
    }) : () -> ()
    %add3A_448 = arith.constant 512 : i32
    %add3A_449 = arith.addi %mul3A_426, %add3A_448 : i32
    %run_scoped3A_450 = arith.constant 0 : i32
    "tpu.region"() ({
      %run_scoped3A_451 = tpu.sem_alloc : memref<!tpu.dma_semaphore, #tpu.memory_space<semaphore_mem>>
      %dma_start3A_452 = arith.constant 0 : i32
      %dma_start3A_453 = tpu.memref_slice %arg14[%dma_start3A_452] : memref<128xf32, #tpu.memory_space<vmem>> -> memref<128xf32, #tpu.memory_space<vmem>>
      %dma_start3A_454 = tpu.memref_slice %arg8[%arg0, %run_scoped3A_450, %add3A_449] : memref<2x1x10240xf32, #tpu.memory_space<hbm>> -> memref<1x1x128xf32, #tpu.memory_space<hbm>>
      %dma_start3A_455 = tpu.memref_squeeze %dma_start3A_454 : memref<1x1x128xf32, #tpu.memory_space<hbm>> -> memref<128xf32, #tpu.memory_space<hbm>>
      %dma_start3A_456 = tpu.memref_slice %arg8[%arg0, %run_scoped3A_450, %add3A_449] : memref<2x1x10240xf32, #tpu.memory_space<hbm>> -> memref<1x1x128xf32, #tpu.memory_space<hbm>>
      %dma_start3A_457 = tpu.memref_squeeze %dma_start3A_456 : memref<1x1x128xf32, #tpu.memory_space<hbm>> -> memref<128xf32, #tpu.memory_space<hbm>>
      %dma_start3A_458 = arith.constant 0 : i32
      %dma_start3A_459 = tpu.memref_slice %arg14[%dma_start3A_458] : memref<128xf32, #tpu.memory_space<vmem>> -> memref<128xf32, #tpu.memory_space<vmem>>
      tpu.enqueue_dma source(%dma_start3A_459 : memref<128xf32, #tpu.memory_space<vmem>>) target(%dma_start3A_457 : memref<128xf32, #tpu.memory_space<hbm>>) target_semaphore(%run_scoped3A_451 : memref<!tpu.dma_semaphore, #tpu.memory_space<semaphore_mem>>)
      %dma_wait3A = arith.constant 0 : i32
      %dma_wait3A_460 = tpu.memref_slice %arg14[%dma_wait3A] : memref<128xf32, #tpu.memory_space<vmem>> -> memref<128xf32, #tpu.memory_space<vmem>>
      %dma_wait3A_461 = tpu.memref_slice %arg8[%arg0, %run_scoped3A_450, %add3A_449] : memref<2x1x10240xf32, #tpu.memory_space<hbm>> -> memref<1x1x128xf32, #tpu.memory_space<hbm>>
      %dma_wait3A_462 = tpu.memref_squeeze %dma_wait3A_461 : memref<1x1x128xf32, #tpu.memory_space<hbm>> -> memref<128xf32, #tpu.memory_space<hbm>>
      %dma_wait3A_463 = tpu.memref_slice %arg8[%arg0, %run_scoped3A_450, %add3A_449] : memref<2x1x10240xf32, #tpu.memory_space<hbm>> -> memref<1x1x128xf32, #tpu.memory_space<hbm>>
      %dma_wait3A_464 = tpu.memref_squeeze %dma_wait3A_463 : memref<1x1x128xf32, #tpu.memory_space<hbm>> -> memref<128xf32, #tpu.memory_space<hbm>>
      %dma_wait3A_465 = arith.constant 0 : i32
      %dma_wait3A_466 = tpu.memref_slice %arg14[%dma_wait3A_465] : memref<128xf32, #tpu.memory_space<vmem>> -> memref<128xf32, #tpu.memory_space<vmem>>
      tpu.wait_dma2 semaphore(%run_scoped3A_451 : memref<!tpu.dma_semaphore, #tpu.memory_space<semaphore_mem>>) src(%dma_wait3A_466 : memref<128xf32, #tpu.memory_space<vmem>>) dst(%dma_wait3A_464 : memref<128xf32, #tpu.memory_space<hbm>>)
      tpu.yield
    }) : () -> ()
    return
  }
}

module attributes {stable_mosaic.version = 14 : i64} {
  func.func @_combine_body(%arg0: i32, %arg1: memref<2x2000x128xf32, #tpu.memory_space<vmem>>, %arg2: memref<2x2000x1xf32, #tpu.memory_space<vmem>>, %arg3: memref<2000x128xf32, #tpu.memory_space<vmem>>) attributes {dimension_semantics = [#tpu.dimension_semantics<arbitrary>], iteration_bounds = array<i64: 5>, scalar_prefetch = 0 : i64, scratch_operands = 0 : i64, tpu.core_type = #tpu.core_type<tc>, window_params = [{transform_indices = @transform_0, window_bounds = array<i64: 2, 2000, 128>}, {transform_indices = @transform_1, window_bounds = array<i64: 2, 2000, 1>}, {transform_indices = @transform_2, window_bounds = array<i64: 2000, 128>}]} {
    %get3A = arith.constant 0 : index
    %get3A_0 = arith.constant 0 : index
    %get3A_1 = arith.constant 0 : index
    %get3A_2 = vector.load %arg1[%get3A, %get3A_0, %get3A_1] : memref<2x2000x128xf32, #tpu.memory_space<vmem>>, vector<1x2000x128xf32>
    %get3A_3 = vector.shape_cast %get3A_2 : vector<1x2000x128xf32> to vector<2000x128xf32>
    %get3A_4 = arith.constant 1 : index
    %get3A_5 = arith.constant 0 : index
    %get3A_6 = arith.constant 0 : index
    %get3A_7 = vector.load %arg1[%get3A_4, %get3A_5, %get3A_6] : memref<2x2000x128xf32, #tpu.memory_space<vmem>>, vector<1x2000x128xf32>
    %get3A_8 = vector.shape_cast %get3A_7 : vector<1x2000x128xf32> to vector<2000x128xf32>
    %add3A = arith.addf %get3A_3, %get3A_8 : vector<2000x128xf32>
    %get3A_9 = arith.constant 0 : index
    %get3A_10 = arith.constant 0 : index
    %get3A_11 = arith.constant 0 : index
    %get3A_12 = vector.load %arg2[%get3A_9, %get3A_10, %get3A_11] : memref<2x2000x1xf32, #tpu.memory_space<vmem>>, vector<1x2000x1xf32>
    %get3A_13 = vector.shape_cast %get3A_12 : vector<1x2000x1xf32> to vector<2000x1xf32>
    %get3A_14 = arith.constant 1 : index
    %get3A_15 = arith.constant 0 : index
    %get3A_16 = arith.constant 0 : index
    %get3A_17 = vector.load %arg2[%get3A_14, %get3A_15, %get3A_16] : memref<2x2000x1xf32, #tpu.memory_space<vmem>>, vector<1x2000x1xf32>
    %get3A_18 = vector.shape_cast %get3A_17 : vector<1x2000x1xf32> to vector<2000x1xf32>
    %add3A_19 = arith.addf %get3A_13, %get3A_18 : vector<2000x1xf32>
    %gt3A = arith.constant 0.000000e+00 : f32
    %gt3A_20 = vector.broadcast %gt3A : f32 to vector<2000x1xf32>
    %gt3A_21 = arith.cmpf ogt, %add3A_19, %gt3A_20 : vector<2000x1xf32>
    %max3A = arith.constant 1.000000e+00 : f32
    %max3A_22 = vector.broadcast %max3A : f32 to vector<2000x1xf32>
    %max3A_23 = arith.maximumf %add3A_19, %max3A_22 : vector<2000x1xf32>
    %div3A = vector.broadcast %max3A_23 : vector<2000x1xf32> to vector<2000x128xf32>
    %div3A_24 = arith.divf %add3A, %div3A : vector<2000x128xf32>
    %jit3A = arith.constant 0.000000e+00 : f32
    %broadcast_in_dim3A = vector.shape_cast %gt3A_21 : vector<2000x1xi1> to vector<2000x1xi1>
    %broadcast_in_dim3A_25 = vector.broadcast %broadcast_in_dim3A : vector<2000x1xi1> to vector<2000x128xi1>
    %broadcast_in_dim3A_26 = vector.broadcast %jit3A : f32 to vector<2000x128xf32>
    %select_n3A = arith.select %broadcast_in_dim3A_25, %div3A_24, %broadcast_in_dim3A_26 : vector<2000x128xi1>, vector<2000x128xf32>
    %swap3A = arith.constant 0 : index
    %swap3A_27 = arith.constant 0 : index
    %swap3A_28 = vector.load %arg3[%swap3A, %swap3A_27] : memref<2000x128xf32, #tpu.memory_space<vmem>>, vector<2000x128xf32>
    tpu.vector_store %arg3[%swap3A, %swap3A_27], %select_n3A {strides = array<i32>} : memref<2000x128xf32, #tpu.memory_space<vmem>>, vector<2000x128xf32>,
    return
  }
  func.func @transform_0(%arg0: i32) -> (i32, i32, i32) {
    %c0_i32 = arith.constant 0 : i32
    %c0_i32_0 = arith.constant 0 : i32
    %c0_i32_1 = arith.constant 0 : i32
    return %c0_i32, %arg0, %c0_i32_0 : i32, i32, i32
  }
  func.func @transform_1(%arg0: i32) -> (i32, i32, i32) {
    %c0_i32 = arith.constant 0 : i32
    %c0_i32_0 = arith.constant 0 : i32
    %c0_i32_1 = arith.constant 0 : i32
    return %c0_i32, %arg0, %c0_i32_0 : i32, i32, i32
  }
  func.func @transform_2(%arg0: i32) -> (i32, i32) {
    %c0_i32 = arith.constant 0 : i32
    %c0_i32_0 = arith.constant 0 : i32
    return %arg0, %c0_i32 : i32, i32
  }
}

</mosaic_0001>

<sc_bundles>
// kernel: kernel.4.cloned.1.call-start
scs
__scs_entry_jumppad:
0x0: {  	(pc) =	sbr.rel $0x88, $3  }
0x1: {  	(tag) =	ssettag $0x0;
	lr =	simm.s32 $0x1  }
0x2: {  	[smem:$0x3F9F] =	sst lr;
	_ =	strace $0xD0000000  }
0x3: {  	_ = 	snop  }
0x4: {  	_ = 	snop  }
0x5: {  	_ = 	snop  }
0x6: {  	_ = 	snop  }
0x7: {  	_ = 	snop  }
__scs_overlays_trampoline_lowered:
0x8: {  	[smem:$0x3FAE] =	sst s0  }
0x9: {  	[smem:$0x3FAF] =	sst s1  }
0xa: {  	[smem:$0x3FB0] =	sst s2  }
0xb: {  	[smem:$0x3FB1] =	sst s3  }
0xc: {  	[smem:$0x3FB2] =	sst s4  }
0xd: {  	[smem:$0x3FB3] =	sst s5  }
0xe: {  	[smem:$0x3FB4] =	sst s6  }
0xf: {  	[smem:$0x3FB5] =	sst s7  }
0x10: {  	[smem:$0x3FB6] =	sst s8  }
0x11: {  	[smem:$0x3FB7] =	sst s9;
	s0 =	simm.s32 @!p0 $0x0  }
0x12: {  	s1 =	sld [smem:$0x3F9D];
	s0 =	simm.s32 @p0 $0x1  }
0x13: {  	[smem:$0x3FB8] =	sst s0;
	s0 =	simm.s32 @!p1 $0x0  }
0x14: {  	s2 =	sld [smem:$0x3F9C];
	s0 =	simm.s32 @p1 $0x1  }
0x15: {  	[smem:$0x3FB9] =	sst s0;
	s0 =	simm.s32 @!p2 $0x0  }
0x16: {  	s3 =	sld [smem:$0x3FDB];
	s0 =	simm.s32 @p2 $0x1  }
0x17: {  	s4 =	simm.s32 $0x1BF5;
	[smem:$0x3FBB] =	sst s0  }
0x18: {  	s0 =	sld [smem:$0x3F9E];
	_ =	swait.ge [sflag:s4], $0x0  }
0x19: {  	s7 =	sld [smem:$0x3F9F]  }
0x1a: {  	s8 =	sadd.s32 $0xFFFFE003, lr  }
0x1b: {  	s9 =	sadd.s32 $0xFFFFFEF7, lr;
	s5 =	simm.s32 $0xFFFFFFFF;
	p2 =	slt.u32 s8, $0xFFFFF086  }
0x1c: {  	p1 =	slt.u32 s9, $0xF7A;
	s5 =	simm.s32 @!p2 $0x0  }
0x1d: {  	s5 =	simm.s32 @p1 $0x1;
	p0 =	seq.s32 s7, s2  }
0x1e: {  	s7 =	smul.u32 @!p0 $0xF7A, s2;
	p2 =	seq.s32 @!p0 s5, $0x0  }
0x1f: {  	s9 =	smul.u32 $0xF7A, s1;
	s8 =	simm.s32 @!p0 $0x1BF5;
	p2 =	por !p2, p0  }
0x20: {  	[sflag:s8] =	ssyncset.s32 @!p0 $0xFFFFF086;
	s6 =	sadd.s32 @!p0 s3, s7;
	s7 =	simm.s32 @!p0 $0x108  }
0x21: {  	s3 =	sadd.s32 s3, s9;
	s6 =	sadd.s32 @!p0 $0x88, s6;
	s7 =	simm.s32 @p2 $0x1082  }
0x22: {  	[simem:s7], [sflag:s8] =	dma.local @!p0 [hbm:s6], $0xF7A  }
0x23: {  	s9 =	sor.u32 $0xD0000000, s2;
	s6 =	simm.s32 $0x108;
	_ =	swait.ge @!p0 [sflag:s8], $0x0  }
0x24: {  	s3 =	sadd.s32 $0x88, s3;
	s6 =	simm.s32 @!p1 $0x1082;
	[sflag:s4] =	ssyncset.s32 $0xFFFFF086  }
0x25: {  	[simem:s6], [sflag:s4] =	dma.local [hbm:s3], $0xF7A  }
0x26: {  	[smem:$0x3F9F] =	sst s1;
	(tag) =	ssettag s2;
	_ =	strace s9  }
0x27: {  	s1 =	sld [smem:$0x3FAF]  }
0x28: {  	s2 =	sld [smem:$0x3FB0]  }
0x29: {  	s4 =	sld [smem:$0x3FB2]  }
0x2a: {  	p0 =	seq.s32 s5, $0x0;
	s5 =	sld [smem:$0x3FB3]  }
0x2b: {  	s6 =	sld [smem:$0x3FB4]  }
0x2c: {  	s7 =	sld [smem:$0x3FB5]  }
0x2d: {  	s3 =	simm.s32 $0x108;
	s8 =	sld [smem:$0x3FB6]  }
0x2e: {  	s3 =	simm.s32 @!p0 $0x1082;
	s9 =	sld [smem:$0x3FB7]  }
0x2f: {  	lr =	sadd.s32 s0, s3;
	s0 =	sld [smem:$0x3FAE]  }
0x30: {  	s3 =	sld [smem:$0x3FB1]  }
0x31: {  	[smem:$0x3FBA] =	sst s10  }
0x32: {  	s10 =	sld [smem:$0x3FB8];
	_ =	sdelay $0x3  }
0x33: {  	p0 =	seq.s32 s10, $0x1;
	s10 =	sld [smem:$0x3FBA];
	_ =	sdelay $0x3  }
0x34: {  	[smem:$0x3FBA] =	sst s10  }
0x35: {  	s10 =	sld [smem:$0x3FB9];
	_ =	sdelay $0x3  }
0x36: {  	p1 =	seq.s32 s10, $0x1;
	s10 =	sld [smem:$0x3FBA];
	_ =	sdelay $0x3  }
0x37: {  	[smem:$0x3FBA] =	sst s10  }
0x38: {  	s10 =	sld [smem:$0x3FBB]  }
0x39: {  	_ = 	snop;
	(pc) =	sbr.ind lr, $3  }
0x3a: {  	_ = 	snop  }
0x3b: {  	_ = 	snop  }
0x3c: {  	p2 =	seq.s32 s10, $0x1;
	s10 =	sld [smem:$0x3FBA]  }
0x3d: {  	_ =	shalt  }
0x3e: {  	_ =	shalt  }
0x3f: {  	_ =	shalt  }
0x40: {  	_ =	shalt  }
0x41: {  	_ =	shalt  }
0x42: {  	_ =	shalt  }
0x43: {  	_ =	shalt  }
0x44: {  	_ =	shalt  }
0x45: {  	_ =	shalt  }
0x46: {  	_ =	shalt  }
0x47: {  	_ =	shalt  }
0x48: {  	_ =	shalt  }
0x49: {  	_ =	shalt  }
0x4a: {  	_ =	shalt  }
0x4b: {  	_ =	shalt  }
0x4c: {  	_ =	shalt  }
0x4d: {  	_ =	shalt  }
0x4e: {  	_ =	shalt  }
0x4f: {  	_ =	shalt  }
0x50: {  	_ =	shalt  }
0x51: {  	_ =	shalt  }
0x52: {  	_ =	shalt  }
0x53: {  	_ =	shalt  }
0x54: {  	_ =	shalt  }
0x55: {  	_ =	shalt  }
0x56: {  	_ =	shalt  }
0x57: {  	_ =	shalt  }
0x58: {  	_ =	shalt  }
0x59: {  	_ =	shalt  }
0x5a: {  	_ =	shalt  }
0x5b: {  	_ =	shalt  }
0x5c: {  	_ =	shalt  }
0x5d: {  	_ =	shalt  }
0x5e: {  	_ =	shalt  }
0x5f: {  	_ =	shalt  }
0x60: {  	_ =	shalt  }
0x61: {  	_ =	shalt  }
0x62: {  	_ =	shalt  }
0x63: {  	_ =	shalt  }
0x64: {  	_ =	shalt  }
0x65: {  	_ =	shalt  }
0x66: {  	_ =	shalt  }
0x67: {  	_ =	shalt  }
0x68: {  	_ =	shalt  }
0x69: {  	_ =	shalt  }
0x6a: {  	_ =	shalt  }
0x6b: {  	_ =	shalt  }
0x6c: {  	_ =	shalt  }
0x6d: {  	_ =	shalt  }
0x6e: {  	_ =	shalt  }
0x6f: {  	_ =	shalt  }
0x70: {  	_ =	shalt  }
0x71: {  	_ =	shalt  }
0x72: {  	_ =	shalt  }
0x73: {  	_ =	shalt  }
0x74: {  	_ =	shalt  }
0x75: {  	_ =	shalt  }
0x76: {  	_ =	shalt  }
0x77: {  	_ =	shalt  }
0x78: {  	_ =	shalt  }
0x79: {  	_ =	shalt  }
0x7a: {  	_ =	shalt  }
0x7b: {  	_ =	shalt  }
0x7c: {  	_ =	shalt  }
0x7d: {  	_ =	shalt  }
0x7e: {  	_ =	shalt  }
0x7f: {  	_ =	shalt  }
0x80: {  	_ =	shalt  }
0x81: {  	_ =	shalt  }
0x82: {  	_ =	shalt  }
0x83: {  	_ =	shalt  }
0x84: {  	_ =	shalt  }
0x85: {  	_ =	shalt  }
0x86: {  	_ =	shalt  }
0x87: {  	_ =	shalt  }
.Lfunc_end0:
.L_simem_size_0:
called_computation_lowered:
.L_overlay_start_0:
0x88: {  	s2 =	sld [smem:$0x3FD9]  }
0x89: {  	s3 =	sld [smem:$0x3FFE];
	_ =	sdelay $0x1  }
0x8a: {  	s1 =	srdreg.scid  }
0x8b: {  	s0 =	sand.u32 $0x1, s1  }
0x8c: {  	s17 =	sshll.u32 s0, $0xA;
	s2 =	sadd.s32 s3, s2  }
0x8d: {  	s2 =	sadd.s32 s2, s17  }
0x8e: {  	[smem:$0x3FC6] =	sst s2  }
0x8f: {  	_ = 	snop  }
0x90: {  	s2 =	sld [smem:$0x3FC9]  }
0x91: {  	s18 =	sld [smem:$0x3FD0];
	(tm) =	ssettm $0x1  }
0x92: {  	s4 =	sld [smem:$0x3FFB];
	_ =	sdelay $0x3  }
0x93: {  	_ =	strace s4  }
0x94: {  	s4 =	sld [smem:$0x3FFC];
	_ =	sdelay $0x3  }
0x95: {  	_ =	strace s4  }
0x96: {  	s4 =	sld [smem:$0x3FFD];
	_ =	sdelay $0x3  }
0x97: {  	_ =	strace s4  }
0x98: {  	_ =	strace $0x8FFFFFFF  }
0x99: {  	s19 =	sld [smem:$0x3FDB];
	_ =	sdelay $0x1  }
0x9a: {  	s5 =	simm.s32 $_scs_section_size  }
0x9b: {  	s6 =	simm.s32 $_size__tile_overlayer_lowered;
	s7 =	simm.s32 $_tile_overlayer_lowered  }
0x9c: {  	s22 =	simm.s32 $0x1BFF;
	s21 =	sshll.u32 s7, $0x1;
	s4 =	sadd.s32 s5, s19  }
0x9d: {  	s8 =	simm.s32 $0x0;
	s20 =	sshll.u32 s6, $0x1;
	s6 =	sadd.s32 s21, s4  }
0x9e: {  	[timem:s8], [sflag:s22] =	dma.local [hbm:s6], s20  }
0x9f: {  	_ =	swait.ge [sflag:s22], s20  }
0xa0: {  	s5 =	ssub.s32 $0x0, s20;
	[sflag:s22] =	ssyncset.done $0x0  }
0xa1: {  	[sflag:s22] =	ssyncadd.s32 s5;
	_ =	sdelay $0x1  }
0xa2: {  	s23 =	simm.s32 $0x1B8B  }
0xa3: {  	_ =	swait.ge [sflag:s23], $0x1  }
0xa4: {  	[sflag:s23] =	ssyncset.done $0x0  }
0xa5: {  	s25 =	simm.s32 $0x1B8E;
	s24 =	sld [smem:$0x3FFE];
	[sflag:s23] =	ssyncadd.s32 $0xFFFFFFFF  }
0xa6: {  	s26 =	simm.s32 $execute0_lowered;
	[smem:$0x3FD2] =	sst s25  }
0xa7: {  	s6 =	sshll.u32 s26, $0x1;
	_ =	strace $0x80000046;
	[dreg:$0x1] =	wrdreg $0xFFFFFFFF  }
0xa8: {  	s28 =	simm.s32 $_size_execute0_lowered;
	s4 =	sadd.s32 s4, s6;
	[dreg:$0x0] =	wrdreg $0x0  }
0xa9: {  	s6 =	sshll.u32 s28, $0x1;
	[dreg:$0x2] =	wrdreg s4  }
0xaa: {  	[dreg:$0x3] =	wrdreg s6  }
0xab: {  	[dreg:$0x4] =	wrdreg $0xC0  }
0xac: {  	_ =	task [dreg:s8], $0x5FFFF  }
0xad: {  	[dreg:$0x1] =	wrdreg $0xFFFFFFFF  }
0xae: {  	[dreg:$0x0] =	wrdreg $0x60  }
0xaf: {  	[dreg:$0x2] =	wrdreg s2  }
0xb0: {  	[dreg:$0x3] =	wrdreg s18  }
0xb1: {  	[dreg:$0x4] =	wrdreg s24  }
0xb2: {  	[dreg:$0x5] =	wrdreg $0xBA800  }
0xb3: {  	[dreg:$0x6] =	wrdreg $0x1F3800  }
0xb4: {  	[dreg:$0x7] =	wrdreg $0x9  }
0xb5: {  	_ =	task.clear_ibuf [dreg:s8], $0x8FFFF;
	_ =	strace $0x90000046  }
0xb6: {  	s29 =	simm.s32 $0x9;
	_ =	strace $0x80000048  }
0xb7: {  	_ =	swait.ge [sflag:s29], $0x1  }
0xb8: {  	[sflag:s29] =	ssyncadd.s32 $0xFFFFFFFF  }
0xb9: {  	_ =	strace $0x90000048  }
0xba: {  	_ =	sfence  }
0xbb: {  	s30 =	sld [smem:$0x0];
	_ =	sdelay $0x2  }
0xbc: {  	s31 =	sshll.u32 s1, $0xD;
	s1 =	sshrl.u32 s1, $0x2  }
0xbd: {  	s3 =	sand.u32 $0x4000, s31;
	s1 =	sadd.s32 s1, s30  }
0xbe: {  	s0 =	sor.u32 s3, s0;
	s1 =	sshll.u32 s1, $0x11  }
0xbf: {  	s0 =	sor.u32 s1, s0  }
0xc0: {  	s0 =	sadd.s32 $0x8F2B, s0  }
0xc1: {  	[sflag:s0] =	ssyncadd.remote.s32 $0x1  }
0xc2: {  	_ =	sfence.sel $0xFFFF  }
0xc3: {  	[dreg:$0x0] =	wrdreg $0xFFFFFFFF;
	(pc) =	sbr.abs _section_cstart, $3  }
0xc4: {  	[dreg:$0x1] =	wrdreg $0xFFFFFFFF  }
0xc5: {  	_ =	task.clear_ibuf [dreg:s8], $0x2FFFF;
	_ =	strace $0x9FFFFFFF  }
0xc6: {  	(tm) =	ssettm $0x7FFFFFFF  }
0xc7: {  	_ =	shalt  }
tec
execute0_lowered:
.L_overlay_start_1:
0x0: {  	(tag) =	ssettag $0x1  }
0x1: {  	s0 =	rddreg [dreg:$0x0]  }
0x2: {  	s1 =	rddreg [dreg:$0x1]  }
0x3: {  	s2 =	rddreg [dreg:$0x2];
	s4 =	srdreg.scid  }
0x4: {  	s3 =	rddreg [dreg:$0x3];
	s15 =	stileid.u32  }
0x5: {  	s5 =	simm.s32 $0x0;
	s6 =	sand.u32 $0x1, s4;
	s4 =	rddreg [dreg:$0x4]  }
0x6: {  	s8 =	smul.u32 $0x13C00, s15;
	[smem:$0x7FF] =	sst s5;
	s19 =	sadd.s32 $0xC00, s2  }
0x7: {  	s20 =	sadd.s32 $0xA00, s2;
	s21 =	sadd.s32 $0x800, s2;
	s9 =	smul.u32 $0x4E400, s15  }
0x8: {  	s12 =	smul.u32 $0x280, s15;
	_ =	strace $0x80000047;
	[dreg:$0x6] =	wrdreg s19  }
0x9: {  	s24 =	sshll.u32 s15, $0x6;
	s7 =	smul.u32 $0x13C000, s6;
	[dreg:$0x7] =	wrdreg s20  }
0xa: {  	[dreg:$0x8] =	wrdreg s21;
	s22 =	ssub.s32 $0x2, s6;
	s10 =	sshll.u32 s6, $0x4  }
0xb: {  	s13 =	smul.u32 $0x2800, s6;
	p0 =	seq.s32 s6, $0x0;
	s11 =	sshrl.u32 s22, $0x1  }
0xc: {  	s10 =	sor.u32 s15, s10;
	s9 =	sshrl.u32 s9, $0x2;
	s26 =	sadd.s32 $0x80, s12  }
0xd: {  	s15 =	smul.u32 $0x4E200, s15;
	s30 =	sadd.s32 $0x100, s12;
	s31 =	sadd.s32 $0x180, s12  }
0xe: {  	s7 =	sadd.s32 s8, s7;
	s8 =	ssub.s32 s22, s11;
	s23 =	smul.u32 $0x700, s10  }
0xf: {  	s14 =	sadd.s32 s9, s3;
	s9 =	sor.u32 $0x1C06, s24;
	s10 =	sadd.s32 s12, s4  }
0x10: {  	s25 =	sadd.s32 s12, s13;
	s28 =	sadd.s32 s13, s26;
	s16 =	sadd.s32 s13, s30  }
0x11: {  	s17 =	sadd.s32 s13, s31;
	s12 =	sadd.s32 $0x200, s12;
	s24 =	sadd.s32 s26, s4  }
0x12: {  	s11 =	simm.s32 $0xBA00;
	s7 =	sshrl.u32 s7, $0x3;
	s29 =	sshrl.u32 s28, $0x3  }
0x13: {  	s16 =	sshrl.u32 s16, $0x3;
	s17 =	sshrl.u32 s17, $0x3;
	s13 =	sadd.s32 s13, s12  }
0x14: {  	s18 =	sshrl.u32 s15, $0x2;
	[dreg:$0x14] =	wrdreg s24;
	s26 =	sadd.s32 s12, s4  }
0x15: {  	s28 =	smax.u32 s8, $0x1;
	s7 =	sadd.s32 s7, s2;
	[dreg:$0x17] =	wrdreg s26  }
0x16: {  	s2 =	sadd.s32 $0x52400, s2;
	s1 =	sadd.s32 s1, s23;
	[dreg:$0x18] =	wrdreg s28  }
0x17: {  	s8 =	simm.s32 $0x6;
	[dreg:$0x9] =	wrdreg s1;
	s16 =	sadd.s32 s2, s16  }
0x18: {  	s12 =	simm.s32 $0x80;
	s17 =	sadd.s32 s2, s17;
	[dreg:$0xc] =	wrdreg s16  }
0x19: {  	s15 =	simm.s32 $0x1;
	s19 =	sadd.s32 $0x3400, s7;
	[dreg:$0xd] =	wrdreg s17  }
0x1a: {  	s24 =	simm.s32 $0x0;
	s20 =	sadd.s32 $0x3C00, s7;
	[dreg:$0xf] =	wrdreg s19  }
0x1b: {  	s13 =	sshrl.u32 s13, $0x3;
	s21 =	sadd.s32 $0x4400, s7;
	[dreg:$0x10] =	wrdreg s20  }
0x1c: {  	s18 =	sadd.s32 s18, s3;
	s22 =	sadd.s32 $0x4C00, s7;
	[dreg:$0x11] =	wrdreg s21  }
0x1d: {  	s1 =	sshrl.u32 s25, $0x3;
	s23 =	sadd.s32 $0x5400, s7;
	[dreg:$0x12] =	wrdreg s22  }
0x1e: {  	s25 =	sadd.s32 s31, s4;
	s31 =	sadd.s32 $0x4000, s18;
	[dreg:$0x13] =	wrdreg s23  }
0x1f: {  	s6 =	sadd.s32 $0xC000, s18;
	s7 =	sadd.s32 $0x10000, s18;
	[dreg:$0x16] =	wrdreg s25  }
0x20: {  	s1 =	sadd.s32 s2, s1;
	s17 =	simm.s32 $0x70;
	[dreg:$0x1b] =	wrdreg s31  }
0x21: {  	s16 =	simm.s32 $0x3900;
	s19 =	simm.s32 $0x3;
	s20 =	simm.s32 $0x5  }
0x22: {  	s21 =	simm.s32 $0x2;
	[dreg:$0xa] =	wrdreg s1;
	s1 =	sadd.s32 s2, s29  }
0x23: {  	s22 =	simm.s32 $0x3980;
	s2 =	sadd.s32 s2, s13;
	[dreg:$0xb] =	wrdreg s1  }
0x24: {  	s23 =	simm.s32 $0x4;
	s29 =	sshrl.u32 s14, $0x3;
	[dreg:$0xe] =	wrdreg s2  }
0x25: {  	s17 =	simm.s32 @!p0 $0x2E;
	s1 =	sadd.s32 s30, s4;
	[dreg:$0x19] =	wrdreg s29  }
0x26: {  	s13 =	simm.s32 $0x3A00;
	s30 =	sshrl.u32 s17, $0x1;
	[dreg:$0x15] =	wrdreg s1  }
0x27: {  	s14 =	simm.s32 $0x7A00;
	[dreg:$0x1a] =	wrdreg s30;
	s1 =	sadd.s32 $0x8000, s18  }
.LBB2_1:
0x28: {  	s2 =	rddreg [dreg:$0x6]  }
0x29: {  	s25 =	rddreg [dreg:$0x19]  }
0x2a: {  	[spmem:s25], [sflag:s9] =	dma.local [hbm:s2], $0x2720  }
0x2b: {  	_ =	swait.ge [sflag:s8], $0x2720  }
0x2c: {  	[sflag:s8] =	ssyncset.done $0x0  }
0x2d: {  	s25 =	sshrl.u32 s10, $0x3;
	s26 =	rddreg [dreg:$0x7];
	[sflag:s8] =	ssyncadd.s32 $0xFFFFD8E0  }
0x2e: {  	[spmem:s25], [sflag:s9] =	dma.local [hbm:s26], $0x50  }
0x2f: {  	_ =	swait.ge [sflag:s8], $0x50  }
0x30: {  	[sflag:s8] =	ssyncset.done $0x0  }
0x31: {  	s26 =	rddreg [dreg:$0x8];
	[sflag:s8] =	ssyncadd.s32 $0xFFFFFFB0  }
0x32: {  	[tilespmem:s11], [sflag:$0x6] =	stream.linear.gather [hbm4b:s26+s5], $0x80, $0x38;
	[tilespmem:$0x1F600] =	vst v63  }
0x33: {  	_ =	swait.ge [sflag:s8], $0x80  }
0x34: {  	[sflag:s8] =	ssyncset.done $0x0  }
0x35: {  	s25 =	rddreg [dreg:$0x9];
	[sflag:s8] =	ssyncadd.s32 $0xFFFFFF80  }
0x36: {  	[tilespmem:s5], [sflag:$0x6] =	stream.linear.gather [hbm4b:s25+s5], $0x3800, $0x38;
	[tilespmem:$0x1F600] =	vst v63  }
0x37: {  	_ =	swait.ge [sflag:s8], $0x3800  }
0x38: {  	[sflag:s8] =	ssyncset.done $0x0  }
0x39: {  	[sflag:s8] =	ssyncadd.s32 $0xFFFFC800  }
0x3a: {  	[bflag:$0x0] =	sbarrier.arrive $0xFFFF  }
0x3b: {  	v0 =	vld [tilespmem:$0x0];
	_ =	sdelay $0x1  }
0x3c: {  	v1 =	vld [tilespmem:$0x10];
	_ =	sdelay $0x1  }
0x3d: {  	v2 =	vld [tilespmem:$0x20]  }
0x3e: {  	v3 =	vshrl.u32 v0, $0xE  }
0x3f: {  	v22 =	vld [tilespmem:$0x30];
	v0 =	vand.u32 $0x3FFF, v0;
	[tilespmem:$0x3900] =	vst v3  }
0x40: {  	v23 =	vshrl.u32 v1, $0xE;
	[tilespmem:$0x3800] =	vst v0  }
0x41: {  	v25 =	vld [tilespmem:$0x40];
	v24 =	vand.u32 $0x3FFF, v1;
	[tilespmem:$0x3910] =	vst v23  }
0x42: {  	v26 =	vshrl.u32 v2, $0xE;
	[tilespmem:$0x3810] =	vst v24  }
0x43: {  	v28 =	vld [tilespmem:$0x50];
	v27 =	vand.u32 $0x3FFF, v2;
	[tilespmem:$0x3920] =	vst v26  }
0x44: {  	v29 =	vshrl.u32 v22, $0xE;
	[tilespmem:$0x3820] =	vst v27  }
0x45: {  	v31 =	vld [tilespmem:$0x60];
	v30 =	vand.u32 $0x3FFF, v22;
	[tilespmem:$0x3930] =	vst v29  }
0x46: {  	v32 =	vshrl.u32 v25, $0xE;
	[tilespmem:$0x3830] =	vst v30  }
0x47: {  	v34 =	vld [tilespmem:$0x70];
	v33 =	vand.u32 $0x3FFF, v25;
	[tilespmem:$0x3940] =	vst v32  }
0x48: {  	v35 =	vshrl.u32 v28, $0xE;
	[tilespmem:$0x3840] =	vst v33  }
0x49: {  	v36 =	vand.u32 $0x3FFF, v28;
	[tilespmem:$0x3950] =	vst v35  }
0x4a: {  	v37 =	vshrl.u32 v31, $0xE;
	[tilespmem:$0x3850] =	vst v36  }
0x4b: {  	v38 =	vand.u32 $0x3FFF, v31;
	[tilespmem:$0x3960] =	vst v37  }
0x4c: {  	v39 =	vshrl.u32 v34, $0xE;
	[tilespmem:$0x3860] =	vst v38  }
0x4d: {  	v40 =	vand.u32 $0x3FFF, v34;
	[tilespmem:$0x3970] =	vst v39  }
0x4e: {  	s26 =	simm.s32 $0x3800;
	[tilespmem:$0x3870] =	vst v40  }
0x4f: {  	[tilespmem:s13], [sflag:$0x1] =	stream.indirect.gather [hbm4b:s0+s12], $0x80, s26, s12, $0xb8;
	[tilespmem:$0x1F600] =	vst v63  }
0x50: {  	v41 =	vld [tilespmem:$0x80];
	_ =	sdelay $0x1  }
0x51: {  	v42 =	vld [tilespmem:$0x90];
	_ =	sdelay $0x1  }
0x52: {  	v43 =	vld [tilespmem:$0xA0]  }
0x53: {  	v44 =	vshrl.u32 v41, $0xE  }
0x54: {  	v45 =	vld [tilespmem:$0xB0];
	v0 =	vand.u32 $0x3FFF, v41;
	[tilespmem:$0x3980] =	vst v44  }
0x55: {  	v46 =	vshrl.u32 v42, $0xE;
	[tilespmem:$0x3880] =	vst v0  }
0x56: {  	v48 =	vld [tilespmem:$0xC0];
	v47 =	vand.u32 $0x3FFF, v42;
	[tilespmem:$0x3990] =	vst v46  }
0x57: {  	v49 =	vshrl.u32 v43, $0xE;
	[tilespmem:$0x3890] =	vst v47  }
0x58: {  	v51 =	vld [tilespmem:$0xD0];
	v50 =	vand.u32 $0x3FFF, v43;
	[tilespmem:$0x39A0] =	vst v49  }
0x59: {  	v52 =	vshrl.u32 v45, $0xE;
	[tilespmem:$0x38A0] =	vst v50  }
0x5a: {  	v54 =	vld [tilespmem:$0xE0];
	v53 =	vand.u32 $0x3FFF, v45;
	[tilespmem:$0x39B0] =	vst v52  }
0x5b: {  	v55 =	vshrl.u32 v48, $0xE;
	[tilespmem:$0x38B0] =	vst v53  }
0x5c: {  	v57 =	vld [tilespmem:$0xF0];
	v56 =	vand.u32 $0x3FFF, v48;
	[tilespmem:$0x39C0] =	vst v55  }
0x5d: {  	v58 =	vshrl.u32 v51, $0xE;
	[tilespmem:$0x38C0] =	vst v56  }
0x5e: {  	v59 =	vand.u32 $0x3FFF, v51;
	[tilespmem:$0x39D0] =	vst v58  }
0x5f: {  	v60 =	vshrl.u32 v54, $0xE;
	[tilespmem:$0x38D0] =	vst v59  }
0x60: {  	v61 =	vand.u32 $0x3FFF, v54;
	[tilespmem:$0x39E0] =	vst v60  }
0x61: {  	v62 =	vshrl.u32 v57, $0xE;
	[tilespmem:$0x38E0] =	vst v61  }
0x62: {  	v63 =	vand.u32 $0x3FFF, v57;
	[tilespmem:$0x39F0] =	vst v62  }
0x63: {  	s25 =	simm.s32 $0x3880;
	[tilespmem:$0x38F0] =	vst v63  }
0x64: {  	[tilespmem:s14], [sflag:$0x2] =	stream.indirect.gather [hbm4b:s0+s12], $0x80, s25, s12, $0xb8;
	[tilespmem:$0x1F600] =	vst v63  }
0x65: {  	_ =	swait.ge [sflag:s15], $0x4000  }
0x66: {  	[sflag:s15] =	ssyncset.done $0x0  }
0x67: {  	[sflag:s15] =	ssyncadd.s32 $0xFFFFC000  }
0x68: {  	[spmem:s3] =	stream.indirect.scatter.add.f32 [tilespmem:s13], [sflag:$0x3], $0x80, s16, s12, $0xb8;
	[tilespmem:$0x1F600] =	vst v63  }
0x69: {  	_ = 	snop  }
0x6a: {  	[spmem:s4] =	stream.indirect.scatter.add.f32 [tilespmem:s11], [sflag:$0x5], $0x1, s16, s12, $0xb8;
	[tilespmem:$0x1F600] =	vst v63  }
0x6b: {  	_ =	swait.ge [sflag:s19], $0x4000  }
0x6c: {  	[sflag:s19] =	ssyncset.done $0x0  }
0x6d: {  	[sflag:s19] =	ssyncadd.s32 $0xFFFFC000  }
0x6e: {  	_ =	swait.ge [sflag:s20], $0x80  }
0x6f: {  	[sflag:s20] =	ssyncset.done $0x0  }
0x70: {  	p0 =	sle.u32 s17, $0x2;
	s25 =	simm.s32 $0x1F0;
	[sflag:s20] =	ssyncadd.s32 $0xFFFFFF80  }
0x71: {  	v0 =	vld @!p0 [tilespmem:s25+$0xFFFFFF10];
	_ =	sdelay $0x4  }
0x72: {  	v1 =	vshrl.u32 @!p0 v0, $0xE  }
0x73: {  	v0 =	vand.u32 @!p0 $0x3FFF, v0;
	[tilespmem:$0x3900] =	vst @!p0 v1  }
0x74: {  	[tilespmem:$0x3800] =	vst @!p0 v0  }
0x75: {  	v0 =	vld @!p0 [tilespmem:s25+$0xFFFFFF20];
	_ =	sdelay $0x4  }
0x76: {  	v1 =	vshrl.u32 @!p0 v0, $0xE  }
0x77: {  	v0 =	vand.u32 @!p0 $0x3FFF, v0;
	[tilespmem:$0x3910] =	vst @!p0 v1  }
0x78: {  	[tilespmem:$0x3810] =	vst @!p0 v0  }
0x79: {  	v0 =	vld @!p0 [tilespmem:s25+$0xFFFFFF30];
	_ =	sdelay $0x4  }
0x7a: {  	v1 =	vshrl.u32 @!p0 v0, $0xE  }
0x7b: {  	v0 =	vand.u32 @!p0 $0x3FFF, v0;
	[tilespmem:$0x3920] =	vst @!p0 v1  }
0x7c: {  	[tilespmem:$0x3820] =	vst @!p0 v0  }
0x7d: {  	v0 =	vld @!p0 [tilespmem:s25+$0xFFFFFF40];
	_ =	sdelay $0x4  }
0x7e: {  	v1 =	vshrl.u32 @!p0 v0, $0xE  }
0x7f: {  	v0 =	vand.u32 @!p0 $0x3FFF, v0;
	[tilespmem:$0x3930] =	vst @!p0 v1  }
0x80: {  	[tilespmem:$0x3830] =	vst @!p0 v0  }
0x81: {  	v0 =	vld @!p0 [tilespmem:s25+$0xFFFFFF50];
	_ =	sdelay $0x4  }
0x82: {  	v1 =	vshrl.u32 @!p0 v0, $0xE  }
0x83: {  	v0 =	vand.u32 @!p0 $0x3FFF, v0;
	[tilespmem:$0x3940] =	vst @!p0 v1  }
0x84: {  	[tilespmem:$0x3840] =	vst @!p0 v0  }
0x85: {  	v0 =	vld @!p0 [tilespmem:s25+$0xFFFFFF60];
	_ =	sdelay $0x4  }
0x86: {  	v1 =	vshrl.u32 @!p0 v0, $0xE  }
0x87: {  	v0 =	vand.u32 @!p0 $0x3FFF, v0;
	[tilespmem:$0x3950] =	vst @!p0 v1  }
0x88: {  	[tilespmem:$0x3850] =	vst @!p0 v0  }
0x89: {  	v0 =	vld @!p0 [tilespmem:s25+$0xFFFFFF70];
	_ =	sdelay $0x4  }
0x8a: {  	v1 =	vshrl.u32 @!p0 v0, $0xE  }
0x8b: {  	v0 =	vand.u32 @!p0 $0x3FFF, v0;
	[tilespmem:$0x3960] =	vst @!p0 v1  }
0x8c: {  	[tilespmem:$0x3860] =	vst @!p0 v0  }
0x8d: {  	v0 =	vld @!p0 [tilespmem:s25+$0xFFFFFF80];
	_ =	sdelay $0x4  }
0x8e: {  	v1 =	vshrl.u32 @!p0 v0, $0xE  }
0x8f: {  	v0 =	vand.u32 @!p0 $0x3FFF, v0;
	[tilespmem:$0x3970] =	vst @!p0 v1  }
0x90: {  	s2 =	simm.s32 @!p0 $0x80;
	s28 =	simm.s32 @!p0 $0x3A00;
	s26 =	simm.s32 @!p0 $0x3800;
	[tilespmem:$0x3870] =	vst @!p0 v0  }
0x91: {  	[tilespmem:s28], [sflag:$0x1] =	stream.indirect.gather @!p0 [hbm4b:s0+s2], $0x80, s26, s2, $0xb8;
	[tilespmem:$0x1F600] =	vst v63  }
0x92: {  	_ =	swait.ge [sflag:s21], $0x4000  }
0x93: {  	[sflag:s21] =	ssyncset.done $0x0  }
0x94: {  	[sflag:s21] =	ssyncadd.s32 $0xFFFFC000  }
0x95: {  	[spmem:s3] =	stream.indirect.scatter.add.f32 [tilespmem:s14], [sflag:$0x4], $0x80, s22, s12, $0xb8;
	[tilespmem:$0x1F600] =	vst v63  }
0x96: {  	_ = 	snop  }
0x97: {  	[spmem:s4] =	stream.indirect.scatter.add.f32 [tilespmem:s11], [sflag:$0x5], $0x1, s22, s12, $0xb8;
	[tilespmem:$0x1F600] =	vst v63  }
0x98: {  	_ =	swait.ge [sflag:s23], $0x4000  }
0x99: {  	[sflag:s23] =	ssyncset.done $0x0  }
0x9a: {  	[sflag:s23] =	ssyncadd.s32 $0xFFFFC000  }
0x9b: {  	_ =	swait.ge [sflag:s20], $0x80  }
0x9c: {  	[sflag:s20] =	ssyncset.done $0x0  }
0x9d: {  	p1 =	sle.u32 s17, $0x3;
	[sflag:s20] =	ssyncadd.s32 $0xFFFFFF80  }
0x9e: {  	v0 =	vld @!p1 [tilespmem:s25+$0xFFFFFF90];
	_ =	sdelay $0x4  }
0x9f: {  	v1 =	vshrl.u32 @!p1 v0, $0xE  }
0xa0: {  	v0 =	vand.u32 @!p1 $0x3FFF, v0;
	[tilespmem:$0x3980] =	vst @!p1 v1  }
0xa1: {  	[tilespmem:$0x3880] =	vst @!p1 v0  }
0xa2: {  	v0 =	vld @!p1 [tilespmem:s25+$0xFFFFFFA0];
	_ =	sdelay $0x4  }
0xa3: {  	v1 =	vshrl.u32 @!p1 v0, $0xE  }
0xa4: {  	v0 =	vand.u32 @!p1 $0x3FFF, v0;
	[tilespmem:$0x3990] =	vst @!p1 v1  }
0xa5: {  	[tilespmem:$0x3890] =	vst @!p1 v0  }
0xa6: {  	v0 =	vld @!p1 [tilespmem:s25+$0xFFFFFFB0];
	_ =	sdelay $0x4  }
0xa7: {  	v1 =	vshrl.u32 @!p1 v0, $0xE  }
0xa8: {  	v0 =	vand.u32 @!p1 $0x3FFF, v0;
	[tilespmem:$0x39A0] =	vst @!p1 v1  }
0xa9: {  	[tilespmem:$0x38A0] =	vst @!p1 v0  }
0xaa: {  	v0 =	vld @!p1 [tilespmem:s25+$0xFFFFFFC0];
	_ =	sdelay $0x4  }
0xab: {  	v1 =	vshrl.u32 @!p1 v0, $0xE  }
0xac: {  	v0 =	vand.u32 @!p1 $0x3FFF, v0;
	[tilespmem:$0x39B0] =	vst @!p1 v1  }
0xad: {  	[tilespmem:$0x38B0] =	vst @!p1 v0  }
0xae: {  	v0 =	vld @!p1 [tilespmem:s25+$0xFFFFFFD0];
	_ =	sdelay $0x4  }
0xaf: {  	v1 =	vshrl.u32 @!p1 v0, $0xE  }
0xb0: {  	v0 =	vand.u32 @!p1 $0x3FFF, v0;
	[tilespmem:$0x39C0] =	vst @!p1 v1  }
0xb1: {  	[tilespmem:$0x38C0] =	vst @!p1 v0  }
0xb2: {  	s26 =	rddreg [dreg:$0x1a];
	v0 =	vld @!p1 [tilespmem:s25+$0xFFFFFFE0]  }
0xb3: {  	s26 =	sadd.s32 $0xFFFFFFFF, s26  }
0xb4: {  	p0 =	sne.s32 s26, $0x0  }
.Ltmp0:
0xb5: {  	_ = 	snop;
	(pc) =	sbr.rel @!p0 .LBB2_3-.Ltmp0, $4  }
0xb6: {  	_ = 	snop  }
0xb7: {  	v1 =	vshrl.u32 @!p1 v0, $0xE  }
0xb8: {  	s29 =	simm.s32 $0x1F0;
	s30 =	simm.s32 @!p1 $0x80;
	v0 =	vand.u32 @!p1 $0x3FFF, v0;
	[tilespmem:$0x39D0] =	vst @!p1 v1  }
0xb9: {  	s31 =	simm.s32 @!p1 $0x3880;
	s2 =	simm.s32 @!p1 $0x7A00;
	s28 =	simm.s32 $0x3;
	[tilespmem:$0x38D0] =	vst @!p1 v0  }
.LBB2_2:
0xba: {  	s26 =	sadd.s32 $0xFFFFFFFF, s26;
	v0 =	vld @!p1 [tilespmem:s25+$0xFFFFFFF0];
	s28 =	sadd.s32 $0x2, s28;
	s29 =	sadd.s32 $0x100, s29  }
0xbb: {  	p0 =	sne.s32 s26, $0x0;
	_ =	sdelay $0x3  }
0xbc: {  	v1 =	vshrl.u32 @!p1 v0, $0xE;
	v0 =	vand.u32 @!p1 $0x3FFF, v0  }
0xbd: {  	[tilespmem:$0x39E0] =	vst @!p1 v1  }
0xbe: {  	[tilespmem:$0x38E0] =	vst @!p1 v0  }
0xbf: {  	v0 =	vld @!p1 [tilespmem:s25+$0x0];
	s25 =	smov.u32 s29;
	_ =	sdelay $0x4  }
0xc0: {  	v1 =	vshrl.u32 @!p1 v0, $0xE;
	v0 =	vand.u32 @!p1 $0x3FFF, v0  }
0xc1: {  	[tilespmem:$0x39F0] =	vst @!p1 v1  }
0xc2: {  	[tilespmem:$0x38F0] =	vst @!p1 v0  }
0xc3: {  	[tilespmem:s2], [sflag:$0x2] =	stream.indirect.gather @!p1 [hbm4b:s0+s30], $0x80, s31, s30, $0xb8;
	[tilespmem:$0x1F600] =	vst v63  }
0xc4: {  	_ =	swait.ge [sflag:s15], $0x4000  }
0xc5: {  	[sflag:s15] =	ssyncset.done $0x0  }
0xc6: {  	[sflag:s15] =	ssyncadd.s32 $0xFFFFC000  }
0xc7: {  	[spmem:s3] =	stream.indirect.scatter.add.f32 [tilespmem:s13], [sflag:$0x3], $0x80, s16, s12, $0xb8;
	[tilespmem:$0x1F600] =	vst v63  }
0xc8: {  	_ = 	snop  }
0xc9: {  	[spmem:s4] =	stream.indirect.scatter.add.f32 [tilespmem:s11], [sflag:$0x5], $0x1, s16, s12, $0xb8;
	[tilespmem:$0x1F600] =	vst v63  }
0xca: {  	_ =	swait.ge [sflag:s19], $0x4000  }
0xcb: {  	[sflag:s19] =	ssyncset.done $0x0  }
0xcc: {  	[sflag:s19] =	ssyncadd.s32 $0xFFFFC000  }
0xcd: {  	_ =	swait.ge [sflag:s20], $0x80  }
0xce: {  	s2 =	sadd.s32 $0xFFFFFFFF, s28;
	[sflag:s20] =	ssyncset.done $0x0  }
0xcf: {  	p1 =	sge.u32 s2, s17;
	[sflag:s20] =	ssyncadd.s32 $0xFFFFFF80  }
0xd0: {  	v0 =	vld @!p1 [tilespmem:s29+$0xFFFFFF10];
	_ =	sdelay $0x4  }
0xd1: {  	v1 =	vshrl.u32 @!p1 v0, $0xE;
	v0 =	vand.u32 @!p1 $0x3FFF, v0  }
0xd2: {  	[tilespmem:$0x3900] =	vst @!p1 v1  }
0xd3: {  	[tilespmem:$0x3800] =	vst @!p1 v0  }
0xd4: {  	v0 =	vld @!p1 [tilespmem:s29+$0xFFFFFF20];
	_ =	sdelay $0x4  }
0xd5: {  	v1 =	vshrl.u32 @!p1 v0, $0xE;
	v0 =	vand.u32 @!p1 $0x3FFF, v0  }
0xd6: {  	[tilespmem:$0x3910] =	vst @!p1 v1  }
0xd7: {  	[tilespmem:$0x3810] =	vst @!p1 v0  }
0xd8: {  	v0 =	vld @!p1 [tilespmem:s29+$0xFFFFFF30];
	_ =	sdelay $0x4  }
0xd9: {  	v1 =	vshrl.u32 @!p1 v0, $0xE;
	v0 =	vand.u32 @!p1 $0x3FFF, v0  }
0xda: {  	[tilespmem:$0x3920] =	vst @!p1 v1  }
0xdb: {  	[tilespmem:$0x3820] =	vst @!p1 v0  }
0xdc: {  	v0 =	vld @!p1 [tilespmem:s29+$0xFFFFFF40];
	_ =	sdelay $0x4  }
0xdd: {  	v1 =	vshrl.u32 @!p1 v0, $0xE;
	v0 =	vand.u32 @!p1 $0x3FFF, v0  }
0xde: {  	[tilespmem:$0x3930] =	vst @!p1 v1  }
0xdf: {  	[tilespmem:$0x3830] =	vst @!p1 v0  }
0xe0: {  	v0 =	vld @!p1 [tilespmem:s29+$0xFFFFFF50];
	_ =	sdelay $0x4  }
0xe1: {  	v1 =	vshrl.u32 @!p1 v0, $0xE;
	v0 =	vand.u32 @!p1 $0x3FFF, v0  }
0xe2: {  	[tilespmem:$0x3940] =	vst @!p1 v1  }
0xe3: {  	[tilespmem:$0x3840] =	vst @!p1 v0  }
0xe4: {  	v0 =	vld @!p1 [tilespmem:s29+$0xFFFFFF60];
	_ =	sdelay $0x4  }
0xe5: {  	v1 =	vshrl.u32 @!p1 v0, $0xE;
	v0 =	vand.u32 @!p1 $0x3FFF, v0  }
0xe6: {  	[tilespmem:$0x3950] =	vst @!p1 v1  }
0xe7: {  	[tilespmem:$0x3850] =	vst @!p1 v0  }
0xe8: {  	v0 =	vld @!p1 [tilespmem:s29+$0xFFFFFF70];
	_ =	sdelay $0x4  }
0xe9: {  	v1 =	vshrl.u32 @!p1 v0, $0xE;
	v0 =	vand.u32 @!p1 $0x3FFF, v0  }
0xea: {  	[tilespmem:$0x3960] =	vst @!p1 v1  }
0xeb: {  	s2 =	simm.s32 @!p1 $0x80;
	s30 =	simm.s32 @!p1 $0x3800;
	s31 =	simm.s32 @!p1 $0x3A00;
	[tilespmem:$0x3860] =	vst @!p1 v0  }
0xec: {  	v0 =	vld @!p1 [tilespmem:s29+$0xFFFFFF80];
	_ =	sdelay $0x4  }
0xed: {  	v1 =	vshrl.u32 @!p1 v0, $0xE;
	v0 =	vand.u32 @!p1 $0x3FFF, v0  }
0xee: {  	[tilespmem:$0x3970] =	vst @!p1 v1  }
0xef: {  	[tilespmem:$0x3870] =	vst @!p1 v0  }
0xf0: {  	[tilespmem:s31], [sflag:$0x1] =	stream.indirect.gather @!p1 [hbm4b:s0+s2], $0x80, s30, s2, $0xb8;
	[tilespmem:$0x1F600] =	vst v63  }
0xf1: {  	_ =	swait.ge [sflag:s21], $0x4000  }
0xf2: {  	[sflag:s21] =	ssyncset.done $0x0  }
0xf3: {  	[sflag:s21] =	ssyncadd.s32 $0xFFFFC000  }
0xf4: {  	[spmem:s3] =	stream.indirect.scatter.add.f32 [tilespmem:s14], [sflag:$0x4], $0x80, s22, s12, $0xb8;
	[tilespmem:$0x1F600] =	vst v63  }
0xf5: {  	_ = 	snop  }
0xf6: {  	[spmem:s4] =	stream.indirect.scatter.add.f32 [tilespmem:s11], [sflag:$0x5], $0x1, s22, s12, $0xb8;
	[tilespmem:$0x1F600] =	vst v63  }
0xf7: {  	_ =	swait.ge [sflag:s23], $0x4000  }
0xf8: {  	[sflag:s23] =	ssyncset.done $0x0  }
0xf9: {  	[sflag:s23] =	ssyncadd.s32 $0xFFFFC000  }
0xfa: {  	_ =	swait.ge [sflag:s20], $0x80  }
0xfb: {  	[sflag:s20] =	ssyncset.done $0x0  }
0xfc: {  	p1 =	sge.u32 s28, s17;
	[sflag:s20] =	ssyncadd.s32 $0xFFFFFF80  }
0xfd: {  	v0 =	vld @!p1 [tilespmem:s29+$0xFFFFFF90];
	_ =	sdelay $0x4  }
0xfe: {  	v1 =	vshrl.u32 @!p1 v0, $0xE;
	v0 =	vand.u32 @!p1 $0x3FFF, v0  }
0xff: {  	[tilespmem:$0x3980] =	vst @!p1 v1  }
0x100: {  	[tilespmem:$0x3880] =	vst @!p1 v0  }
0x101: {  	v0 =	vld @!p1 [tilespmem:s29+$0xFFFFFFA0];
	_ =	sdelay $0x4  }
0x102: {  	v1 =	vshrl.u32 @!p1 v0, $0xE;
	v0 =	vand.u32 @!p1 $0x3FFF, v0  }
0x103: {  	[tilespmem:$0x3990] =	vst @!p1 v1  }
0x104: {  	[tilespmem:$0x3890] =	vst @!p1 v0  }
0x105: {  	v0 =	vld @!p1 [tilespmem:s29+$0xFFFFFFB0];
	_ =	sdelay $0x4  }
0x106: {  	v1 =	vshrl.u32 @!p1 v0, $0xE;
	v0 =	vand.u32 @!p1 $0x3FFF, v0  }
0x107: {  	[tilespmem:$0x39A0] =	vst @!p1 v1  }
0x108: {  	[tilespmem:$0x38A0] =	vst @!p1 v0  }
0x109: {  	v0 =	vld @!p1 [tilespmem:s29+$0xFFFFFFC0];
	_ =	sdelay $0x4  }
0x10a: {  	v1 =	vshrl.u32 @!p1 v0, $0xE;
	v0 =	vand.u32 @!p1 $0x3FFF, v0  }
0x10b: {  	[tilespmem:$0x39B0] =	vst @!p1 v1  }
0x10c: {  	[tilespmem:$0x38B0] =	vst @!p1 v0  }
0x10d: {  	v0 =	vld @!p1 [tilespmem:s29+$0xFFFFFFD0];
	_ =	sdelay $0x4  }
0x10e: {  	v1 =	vshrl.u32 @!p1 v0, $0xE;
	v0 =	vand.u32 @!p1 $0x3FFF, v0  }
0x10f: {  	[tilespmem:$0x39C0] =	vst @!p1 v1  }
0x110: {  	[tilespmem:$0x38C0] =	vst @!p1 v0  }
0x111: {  	v0 =	vld @!p1 [tilespmem:s29+$0xFFFFFFE0];
	_ =	sdelay $0x2  }
.Ltmp1:
0x112: {  	(pc) =	sbr.rel @p0 .LBB2_2-.Ltmp1, $4  }
0x113: {  	_ = 	snop  }
0x114: {  	v1 =	vshrl.u32 @!p1 v0, $0xE;
	v0 =	vand.u32 @!p1 $0x3FFF, v0  }
0x115: {  	[tilespmem:$0x39D0] =	vst @!p1 v1  }
0x116: {  	s30 =	simm.s32 @!p1 $0x80;
	s31 =	simm.s32 @!p1 $0x3880;
	s2 =	simm.s32 @!p1 $0x7A00;
	[tilespmem:$0x38D0] =	vst @!p1 v0  }
.LBB2_3:
0x117: {  	v0 =	vld @!p1 [tilespmem:s25+$0xFFFFFFF0];
	_ =	sdelay $0x4  }
0x118: {  	v1 =	vshrl.u32 @!p1 v0, $0xE  }
0x119: {  	v0 =	vand.u32 @!p1 $0x3FFF, v0;
	[tilespmem:$0x39E0] =	vst @!p1 v1  }
0x11a: {  	[tilespmem:$0x38E0] =	vst @!p1 v0  }
0x11b: {  	v0 =	vld @!p1 [tilespmem:s25+$0x0];
	_ =	sdelay $0x4  }
0x11c: {  	v1 =	vshrl.u32 @!p1 v0, $0xE  }
0x11d: {  	v0 =	vand.u32 @!p1 $0x3FFF, v0;
	[tilespmem:$0x39F0] =	vst @!p1 v1  }
0x11e: {  	[tilespmem:$0x38F0] =	vst @!p1 v0  }
0x11f: {  	[tilespmem:s2], [sflag:$0x2] =	stream.indirect.gather @!p1 [hbm4b:s0+s30], $0x80, s31, s30, $0xb8;
	[tilespmem:$0x1F600] =	vst v63  }
0x120: {  	[bflag:$0x0] =	sbarrier.arrive $0xFFFF  }
0x121: {  	[tilespmem:s13], [sflag:$0x6] =	stream.linear.gather [spmem:s18], $0x4000, $0x38;
	[tilespmem:$0x1F600] =	vst v63  }
0x122: {  	_ =	swait.ge [sflag:s8], $0x4000  }
0x123: {  	[sflag:s8] =	ssyncset.done $0x0  }
0x124: {  	s28 =	rddreg [dreg:$0xf];
	[sflag:s8] =	ssyncadd.s32 $0xFFFFC000  }
0x125: {  	[hbm4b:s28+s5] =	stream.linear.scatter [tilespmem:s13], [sflag:$0x6], $0x4000, $0x38;
	[tilespmem:$0x1F600] =	vst v63  }
0x126: {  	_ =	swait.ge [sflag:s8], $0x4000  }
0x127: {  	[sflag:s8] =	ssyncset.done $0x0  }
0x128: {  	s29 =	rddreg [dreg:$0x1b];
	[sflag:s8] =	ssyncadd.s32 $0xFFFFC000  }
0x129: {  	[tilespmem:s13], [sflag:$0x6] =	stream.linear.gather [spmem:s29], $0x4000, $0x38;
	[tilespmem:$0x1F600] =	vst v63  }
0x12a: {  	_ =	swait.ge [sflag:s8], $0x4000  }
0x12b: {  	[sflag:s8] =	ssyncset.done $0x0  }
0x12c: {  	s30 =	rddreg [dreg:$0x10];
	[sflag:s8] =	ssyncadd.s32 $0xFFFFC000  }
0x12d: {  	[hbm4b:s30+s5] =	stream.linear.scatter [tilespmem:s13], [sflag:$0x6], $0x4000, $0x38;
	[tilespmem:$0x1F600] =	vst v63  }
0x12e: {  	_ =	swait.ge [sflag:s8], $0x4000  }
0x12f: {  	[sflag:s8] =	ssyncset.done $0x0  }
0x130: {  	[sflag:s8] =	ssyncadd.s32 $0xFFFFC000  }
0x131: {  	[tilespmem:s13], [sflag:$0x6] =	stream.linear.gather [spmem:s1], $0x4000, $0x38;
	[tilespmem:$0x1F600] =	vst v63  }
0x132: {  	_ =	swait.ge [sflag:s8], $0x4000  }
0x133: {  	[sflag:s8] =	ssyncset.done $0x0  }
0x134: {  	s31 =	rddreg [dreg:$0x11];
	[sflag:s8] =	ssyncadd.s32 $0xFFFFC000  }
0x135: {  	[hbm4b:s31+s5] =	stream.linear.scatter [tilespmem:s13], [sflag:$0x6], $0x4000, $0x38;
	[tilespmem:$0x1F600] =	vst v63  }
0x136: {  	_ =	swait.ge [sflag:s8], $0x4000  }
0x137: {  	[sflag:s8] =	ssyncset.done $0x0  }
0x138: {  	[sflag:s8] =	ssyncadd.s32 $0xFFFFC000  }
0x139: {  	[tilespmem:s13], [sflag:$0x6] =	stream.linear.gather [spmem:s6], $0x4000, $0x38;
	[tilespmem:$0x1F600] =	vst v63  }
0x13a: {  	_ =	swait.ge [sflag:s8], $0x4000  }
0x13b: {  	[sflag:s8] =	ssyncset.done $0x0  }
0x13c: {  	s25 =	rddreg [dreg:$0x12];
	[sflag:s8] =	ssyncadd.s32 $0xFFFFC000  }
0x13d: {  	[hbm4b:s25+s5] =	stream.linear.scatter [tilespmem:s13], [sflag:$0x6], $0x4000, $0x38;
	[tilespmem:$0x1F600] =	vst v63  }
0x13e: {  	_ =	swait.ge [sflag:s8], $0x4000  }
0x13f: {  	[sflag:s8] =	ssyncset.done $0x0  }
0x140: {  	[sflag:s8] =	ssyncadd.s32 $0xFFFFC000  }
0x141: {  	[tilespmem:s13], [sflag:$0x6] =	stream.linear.gather [spmem:s7], $0x3880, $0x38;
	[tilespmem:$0x1F600] =	vst v63  }
0x142: {  	_ =	swait.ge [sflag:s8], $0x3880  }
0x143: {  	[sflag:s8] =	ssyncset.done $0x0  }
0x144: {  	s26 =	rddreg [dreg:$0x13];
	[sflag:s8] =	ssyncadd.s32 $0xFFFFC780  }
0x145: {  	[hbm4b:s26+s5] =	stream.linear.scatter [tilespmem:s13], [sflag:$0x6], $0x3880, $0x38;
	[tilespmem:$0x1F600] =	vst v63  }
0x146: {  	_ =	swait.ge [sflag:s8], $0x3880  }
0x147: {  	[sflag:s8] =	ssyncset.done $0x0  }
0x148: {  	[sflag:s8] =	ssyncadd.s32 $0xFFFFC780  }
0x149: {  	[tilespmem:s11], [sflag:$0x6] =	stream.linear.gather [spmem:s10], $0x80, $0x38;
	[tilespmem:$0x1F600] =	vst v63  }
0x14a: {  	_ =	swait.ge [sflag:s8], $0x80  }
0x14b: {  	[sflag:s8] =	ssyncset.done $0x0  }
0x14c: {  	s28 =	rddreg [dreg:$0xa];
	[sflag:s8] =	ssyncadd.s32 $0xFFFFFF80  }
0x14d: {  	[hbm4b:s28+s5] =	stream.linear.scatter [tilespmem:s11], [sflag:$0x6], $0x80, $0x38;
	[tilespmem:$0x1F600] =	vst v63  }
0x14e: {  	_ =	swait.ge [sflag:s8], $0x80  }
0x14f: {  	[sflag:s8] =	ssyncset.done $0x0  }
0x150: {  	s29 =	rddreg [dreg:$0x14];
	[sflag:s8] =	ssyncadd.s32 $0xFFFFFF80  }
0x151: {  	[tilespmem:s11], [sflag:$0x6] =	stream.linear.gather [spmem:s29], $0x80, $0x38;
	[tilespmem:$0x1F600] =	vst v63  }
0x152: {  	_ =	swait.ge [sflag:s8], $0x80  }
0x153: {  	[sflag:s8] =	ssyncset.done $0x0  }
0x154: {  	s30 =	rddreg [dreg:$0xb];
	[sflag:s8] =	ssyncadd.s32 $0xFFFFFF80  }
0x155: {  	[hbm4b:s30+s5] =	stream.linear.scatter [tilespmem:s11], [sflag:$0x6], $0x80, $0x38;
	[tilespmem:$0x1F600] =	vst v63  }
0x156: {  	_ =	swait.ge [sflag:s8], $0x80  }
0x157: {  	[sflag:s8] =	ssyncset.done $0x0  }
0x158: {  	s31 =	rddreg [dreg:$0x15];
	[sflag:s8] =	ssyncadd.s32 $0xFFFFFF80  }
0x159: {  	[tilespmem:s11], [sflag:$0x6] =	stream.linear.gather [spmem:s31], $0x80, $0x38;
	[tilespmem:$0x1F600] =	vst v63  }
0x15a: {  	_ =	swait.ge [sflag:s8], $0x80  }
0x15b: {  	[sflag:s8] =	ssyncset.done $0x0  }
0x15c: {  	s25 =	rddreg [dreg:$0xc];
	[sflag:s8] =	ssyncadd.s32 $0xFFFFFF80  }
0x15d: {  	[hbm4b:s25+s5] =	stream.linear.scatter [tilespmem:s11], [sflag:$0x6], $0x80, $0x38;
	[tilespmem:$0x1F600] =	vst v63  }
0x15e: {  	_ =	swait.ge [sflag:s8], $0x80  }
0x15f: {  	[sflag:s8] =	ssyncset.done $0x0  }
0x160: {  	s26 =	rddreg [dreg:$0x16];
	[sflag:s8] =	ssyncadd.s32 $0xFFFFFF80  }
0x161: {  	[tilespmem:s11], [sflag:$0x6] =	stream.linear.gather [spmem:s26], $0x80, $0x38;
	[tilespmem:$0x1F600] =	vst v63  }
0x162: {  	_ =	swait.ge [sflag:s8], $0x80  }
0x163: {  	[sflag:s8] =	ssyncset.done $0x0  }
0x164: {  	s28 =	rddreg [dreg:$0xd];
	[sflag:s8] =	ssyncadd.s32 $0xFFFFFF80  }
0x165: {  	[hbm4b:s28+s5] =	stream.linear.scatter [tilespmem:s11], [sflag:$0x6], $0x80, $0x38;
	[tilespmem:$0x1F600] =	vst v63  }
0x166: {  	_ =	swait.ge [sflag:s8], $0x80  }
0x167: {  	[sflag:s8] =	ssyncset.done $0x0  }
0x168: {  	s29 =	rddreg [dreg:$0x17];
	[sflag:s8] =	ssyncadd.s32 $0xFFFFFF80  }
0x169: {  	[tilespmem:s11], [sflag:$0x6] =	stream.linear.gather [spmem:s29], $0x80, $0x38;
	[tilespmem:$0x1F600] =	vst v63  }
0x16a: {  	_ =	swait.ge [sflag:s8], $0x80  }
0x16b: {  	[sflag:s8] =	ssyncset.done $0x0  }
0x16c: {  	s30 =	rddreg [dreg:$0xe];
	[sflag:s8] =	ssyncadd.s32 $0xFFFFFF80  }
0x16d: {  	[hbm4b:s30+s5] =	stream.linear.scatter [tilespmem:s11], [sflag:$0x6], $0x80, $0x38;
	[tilespmem:$0x1F600] =	vst v63  }
0x16e: {  	_ =	swait.ge [sflag:s8], $0x80  }
0x16f: {  	s24 =	sadd.s32 $0x1, s24;
	s31 =	rddreg [dreg:$0x18]  }
0x170: {  	p0 =	sne.s32 s24, s31  }
.Ltmp2:
0x171: {  	_ = 	snop;
	(pc) =	sbr.rel @p0 .LBB2_1-.Ltmp2, $3  }
0x172: {  	_ =	sdelay $0x1  }
0x173: {  	[sflag:s8] =	ssyncset.done $0x0  }
0x174: {  	[sflag:s8] =	ssyncadd.s32 $0xFFFFFF80  }
0x175: {  	_ =	sfence.sel $0x180000  }
0x176: {  	[bflag:$0x0] =	sbarrier.arrive $0xFFFF  }
0x177: {  	_ =	strace $0x90000047  }
0x178: {  	s0 =	stileid.u32;
	[bflag:$0x2] =	sbarrier.arrive $0xFFFF  }
0x179: {  	p0 =	sne.s32 s0, $0x0;
	s0 =	rddreg [dreg:$0x5]  }
0x17a: {  	s0 =	sadd.s32 @!p0 $0x100000, s0  }
0x17b: {  	[sflag:s0] =	ssyncadd.tile.s32 @!p0 $0x1;
	_ =	shalt  }
.Lfunc_end2:
_tile_overlayer_lowered:
.L_overlay_start_2:
0x17c: {  	(tag) =	ssettag $0x2  }
0x17d: {  	s0 =	rddreg [dreg:$0x0];
	s2 =	stileid.u32  }
0x17e: {  	s1 =	rddreg [dreg:$0x1];
	p0 =	sne.s32 s2, $0x0  }
0x17f: {  	s3 =	rddreg [dreg:$0x2];
	[bflag:$0x3] =	sbarrier.arrive $0xFFFF;
	s2 =	simm.s32 @!p0 $0x1C06  }
0x180: {  	[timem:s3], [sflag:s2] =	dma.local @!p0 [hbm:s0], s1  }
0x181: {  	s0 =	simm.s32 @!p0 $0x6  }
0x182: {  	_ =	swait.ge @!p0 [sflag:s0], s1  }
0x183: {  	s1 =	ssub.s32 @!p0 $0x0, s1;
	[sflag:s0] =	ssyncset.done @!p0 $0x0  }
0x184: {  	[sflag:s0] =	ssyncadd.s32 @!p0 s1  }
0x185: {  	[bflag:$0x3] =	sbarrier.arrive $0xFFFF  }
0x186: {  	_ =	shalt  }

</sc_bundles>
